<compile_context>
chip_gen: v7x
topology: tpu7x:2x2x1
jax: 0.10.2.dev20260603
libtpu: 0.0.44.dev20260713+nightly
codegen_flags: <defaults>
</compile_context>

<pallas_src>
import jax
import jax.numpy as jnp
from jax import lax
from jax.experimental import pallas as pl
from jax.experimental.pallas import tpu as pltpu
from jax.experimental.pallas import tpu_sc as plsc

D = 32
NC = 2
NS = 16
NW = NC * NS
CHUNK = 128
TOK = 4
OUT_W = 193
PRE_W = OUT_W - D
NBUF = 16


def _masked_avg_cols(tok_ref, trows_ref, out_ref, r, off):
  tv = tok_ref[pl.ds(TOK * r, 16)]
  mv = jnp.where(tv != 0, 1.0, 0.0).astype(jnp.float32)
  ms = [mv[t] for t in range(TOK)]
  cnt = ms[0] + ms[1] + ms[2] + ms[3]
  inv = jnp.where(cnt < 1.5, 1.0,
                  jnp.where(cnt < 2.5, 0.5,
                            jnp.where(cnt < 3.5, jnp.float32(1.0 / 3.0), 0.25)))
  acc0 = jnp.zeros((16,), jnp.float32)
  acc1 = jnp.zeros((16,), jnp.float32)
  for t in range(TOK):
    w = ms[t] * inv
    acc0 = acc0 + w * trows_ref[TOK * r + t, pl.ds(0, 16)]
    acc1 = acc1 + w * trows_ref[TOK * r + t, pl.ds(16, 16)]
  out_ref[r, pl.ds(off, 16)] = acc0
  out_ref[r, pl.ds(off + 16, 16)] = acc1


def _pre_body(ue_hbm, tsb_hbm, ts_hbm, city_hbm, ctok_hbm, cat_hbm, gtok_hbm,
              ts_t, city_t, ctext_t, cat_t, gtext_t, mean_hbm, scale_hbm,
              out_hbm,
              idx_ts, idx_city, idx_cat, ts_v, ctok_v, gtok_v,
              urows, tsrows, cityrows, catrows, ctrows, gtrows, out_v,
              mean_v, scale_v, sem):
  B = out_hbm.shape[0]
  rows_w = B // NW
  nchunk = rows_w // CHUNK

  wid = lax.axis_index("s") * NC + lax.axis_index("c")
  base = wid * rows_w

  pltpu.sync_copy(mean_hbm, mean_v)
  pltpu.sync_copy(scale_hbm, scale_v)
  mean_s = mean_v[...][0]
  scale_s = scale_v[...][0]

  def chunk_body(ci, carry):
    rbase = base + ci * CHUNK

    pltpu.sync_copy(ue_hbm.at[pl.ds(rbase, CHUNK)], urows)
    pltpu.sync_copy(tsb_hbm.at[pl.ds(rbase, CHUNK)], idx_ts)
    pltpu.sync_copy(city_hbm.at[pl.ds(rbase, CHUNK)], idx_city)
    pltpu.sync_copy(cat_hbm.at[pl.ds(rbase, CHUNK)], idx_cat)
    pltpu.sync_copy(ctok_hbm.at[pl.ds(rbase * TOK, CHUNK * TOK)],
                    ctok_v.at[pl.ds(0, CHUNK * TOK)])
    pltpu.sync_copy(gtok_hbm.at[pl.ds(rbase * TOK, CHUNK * TOK)],
                    gtok_v.at[pl.ds(0, CHUNK * TOK)])
    pltpu.sync_copy(ts_hbm.at[pl.ds(rbase, CHUNK)], ts_v.at[pl.ds(0, CHUNK)])

    cps = [
        pltpu.async_copy(ts_t.at[idx_ts], tsrows, sem),
        pltpu.async_copy(city_t.at[idx_city], cityrows, sem),
        pltpu.async_copy(cat_t.at[idx_cat], catrows, sem),
    ]
    for k in range(TOK):
      cps.append(pltpu.async_copy(
          ctext_t.at[ctok_v.at[pl.ds(k * CHUNK, CHUNK)]],
          ctrows.at[pl.ds(k * CHUNK, CHUNK)], sem))
      cps.append(pltpu.async_copy(
          gtext_t.at[gtok_v.at[pl.ds(k * CHUNK, CHUNK)]],
          gtrows.at[pl.ds(k * CHUNK, CHUNK)], sem))
    for cp in cps:
      cp.wait()

    @plsc.parallel_loop(0, CHUNK, unroll=2)
    def row_body(r):
      out_v[r, pl.ds(0, 16)] = urows[r, pl.ds(0, 16)]
      out_v[r, pl.ds(16, 16)] = urows[r, pl.ds(16, 16)]
      out_v[r, pl.ds(32, 16)] = tsrows[r, pl.ds(0, 16)]
      out_v[r, pl.ds(48, 16)] = tsrows[r, pl.ds(16, 16)]
      tsv = ts_v[pl.ds(r, 16)]
      nt = (tsv[0] - mean_s) * scale_s
      out_v[r, pl.ds(64, 16)] = jnp.full((16,), nt, jnp.float32)
      out_v[r, pl.ds(65, 16)] = cityrows[r, pl.ds(0, 16)]
      out_v[r, pl.ds(81, 16)] = cityrows[r, pl.ds(16, 16)]
      _masked_avg_cols(ctok_v, ctrows, out_v, r, 97)
      out_v[r, pl.ds(129, 16)] = catrows[r, pl.ds(0, 16)]
      out_v[r, pl.ds(145, 16)] = catrows[r, pl.ds(16, 16)]
      _masked_avg_cols(gtok_v, gtrows, out_v, r, 161)

    pltpu.sync_copy(out_v, out_hbm.at[pl.ds(rbase, CHUNK)])
    return carry

  lax.fori_loop(0, nchunk, chunk_body, 0)


def _user_body(uid_hbm, ut_T, ue_hbm, idx_u, tiles, outbuf, sem):
  B = ue_hbm.shape[0]
  rows_w = B // NW
  nchunk = rows_w // CHUNK
  NB = 16

  wid = lax.axis_index("s") * NC + lax.axis_index("c")
  base = wid * rows_w
  lane = lax.iota(jnp.int32, 16)

  def chunk_body(ci, carry):
    rbase = base + ci * CHUNK
    pltpu.sync_copy(uid_hbm.at[pl.ds(rbase, CHUNK)], idx_u.at[pl.ds(0, CHUNK)])

    def group_body(g, carry2):
      j0 = g * NB
      rs = []
      cps = []
      for b in range(NB):
        r = idx_u[pl.ds(j0 + b, 16)][0]
        rs.append(r)
        c128 = pl.multiple_of((r >> 7) << 7, 128)
        cps.append(pltpu.async_copy(
            ut_T.at[pl.ds(0, 32), pl.ds(c128, 128)], tiles.at[b], sem))
      for cp in cps:
        cp.wait()
      for b in range(NB):
        rmv = jnp.full((16,), rs[b] & 127, jnp.int32)
        bv = jnp.full((16,), b, jnp.int32)
        g0 = plsc.load_gather(tiles, [bv, lane, rmv])
        g1 = plsc.load_gather(tiles, [bv, 16 + lane, rmv])
        outbuf[j0 + b, pl.ds(0, 16)] = g0
        outbuf[j0 + b, pl.ds(16, 16)] = g1
      return carry2

    lax.fori_loop(0, CHUNK // NB, group_body, 0)
    pltpu.sync_copy(outbuf, ue_hbm.at[pl.ds(rbase, CHUNK)])
    return carry

  lax.fori_loop(0, nchunk, chunk_body, 0)


def kernel(user_id, timestamp_bucket, timestamp, customer_city, city_tokens,
           product_category, cat_tokens, user_table, ts_table, city_table,
           city_text_table, cat_table, cat_text_table, norm_mean, norm_var):
  B = user_id.shape[0]
  scale = jax.lax.rsqrt(norm_var + 1e-7)
  mean16 = jnp.full((16,), norm_mean, jnp.float32)
  scale16 = jnp.full((16,), scale, jnp.float32)

  mesh = plsc.VectorSubcoreMesh(core_axis_name="c", subcore_axis_name="s")

  pre = pl.kernel(
      _pre_body,
      out_type=jax.ShapeDtypeStruct((B, OUT_W), jnp.float32),
      mesh=mesh,
      compiler_params=pltpu.CompilerParams(use_tc_tiling_on_sc=False),
      scratch_types=[
          pltpu.VMEM((CHUNK,), jnp.int32),
          pltpu.VMEM((CHUNK,), jnp.int32),
          pltpu.VMEM((CHUNK,), jnp.int32),
          pltpu.VMEM((CHUNK + 16,), jnp.float32),
          pltpu.VMEM((CHUNK * TOK + 16,), jnp.int32),
          pltpu.VMEM((CHUNK * TOK + 16,), jnp.int32),
          pltpu.VMEM((CHUNK, D), jnp.float32),
          pltpu.VMEM((CHUNK, D), jnp.float32),
          pltpu.VMEM((CHUNK, D), jnp.float32),
          pltpu.VMEM((CHUNK, D), jnp.float32),
          pltpu.VMEM((CHUNK * TOK, D), jnp.float32),
          pltpu.VMEM((CHUNK * TOK, D), jnp.float32),
          pltpu.VMEM((CHUNK, OUT_W), jnp.float32),
          pltpu.VMEM((16,), jnp.float32),
          pltpu.VMEM((16,), jnp.float32),
          pltpu.SemaphoreType.DMA,
      ],
  )

  gather_user = pl.kernel(
      _user_body,
      out_type=jax.ShapeDtypeStruct((B, D), jnp.float32),
      mesh=mesh,
      compiler_params=pltpu.CompilerParams(use_tc_tiling_on_sc=True,
                                           needs_layout_passes=False),
      scratch_types=[
          pltpu.VMEM((CHUNK + 16,), jnp.int32),
          pltpu.VMEM((16, 32, 128), jnp.float32),
          pltpu.VMEM((CHUNK, D), jnp.float32),
          pltpu.SemaphoreType.DMA,
      ],
  )

  ue = gather_user(user_id, user_table.T)
  return pre(ue, timestamp_bucket, timestamp, customer_city,
             city_tokens.reshape(-1), product_category, cat_tokens.reshape(-1),
             ts_table, city_table, city_text_table, cat_table, cat_text_table,
             mean16, scale16)

# --- scband reference (transcript-rebuilt; emitter-appended) ---
"""Pipeline reference for scband-user-model-25271587569989 (READ-ONLY COPY).

The authoritative reference and input builder live on the scoring server;
editing this copy changes nothing except your own understanding.
"""

import jax, jax.numpy as jnp
import numpy as np

B = 16384
D = 32
USER_V = 1000001
TS_V = 1001
CITY_V = 1001
CAT_V = 101
TEXT_V = 10000
TOK = 4


def setup_inputs(seed: int = 0) -> dict:
    key = jax.random.key(seed)
    ks = jax.random.split(key, 16)
    inp = {}
    inp["user_id"] = jax.random.randint(ks[0], (B,), 0, USER_V, dtype=jnp.int64 if jax.config.jax_enable_x64 else jnp.int32).astype(jnp.int32)
    inp["timestamp_bucket"] = jax.random.randint(ks[1], (B,), 0, TS_V).astype(jnp.int32)
    inp["timestamp"] = jax.random.uniform(ks[2], (B,), dtype=jnp.float32)
    inp["customer_city"] = jax.random.randint(ks[3], (B,), 0, CITY_V).astype(jnp.int32)
    inp["city_tokens"] = jax.random.randint(ks[4], (B, TOK), 0, TEXT_V).astype(jnp.int32)
    inp["product_category"] = jax.random.randint(ks[5], (B,), 0, CAT_V).astype(jnp.int32)
    inp["cat_tokens"] = jax.random.randint(ks[6], (B, TOK), 0, TEXT_V).astype(jnp.int32)
    inp["user_table"] = jax.random.normal(ks[7], (USER_V, D), dtype=jnp.float32) * 0.02
    inp["ts_table"] = jax.random.normal(ks[8], (TS_V, D), dtype=jnp.float32) * 0.02
    inp["city_table"] = jax.random.normal(ks[9], (CITY_V, D), dtype=jnp.float32) * 0.02
    inp["city_text_table"] = jax.random.normal(ks[10], (TEXT_V, D), dtype=jnp.float32) * 0.02
    inp["cat_table"] = jax.random.normal(ks[11], (CAT_V, D), dtype=jnp.float32) * 0.02
    inp["cat_text_table"] = jax.random.normal(ks[12], (TEXT_V, D), dtype=jnp.float32) * 0.02
    inp["norm_mean"] = jnp.float32(0.5)
    inp["norm_var"] = jnp.float32(1.0 / 12.0)
    return inp


def _masked_avg(table, tokens):
    # Embedding(mask_zero=True) followed by GlobalAveragePooling1D with mask
    emb = jnp.take(table, tokens, axis=0)                 # [B, TOK, D]
    mask = (tokens != 0).astype(emb.dtype)                # [B, TOK]
    s = jnp.sum(emb * mask[..., None], axis=1)            # [B, D]
    d = jnp.maximum(jnp.sum(mask, axis=1, keepdims=True), 1.0)
    return s / d


def reference(user_id, timestamp_bucket, timestamp, customer_city, city_tokens,
              product_category, cat_tokens, user_table, ts_table, city_table,
              city_text_table, cat_table, cat_text_table, norm_mean, norm_var):
    ue = jnp.take(user_table, user_id, axis=0)                    # StringLookup+Embedding
    te = jnp.take(ts_table, timestamp_bucket, axis=0)             # Discretization+Embedding
    nt = ((timestamp - norm_mean) / jnp.sqrt(norm_var + 1e-7))[:, None]  # Normalization
    ce = jnp.take(city_table, customer_city, axis=0)
    cte = _masked_avg(city_text_table, city_tokens)               # TextVectorization+Embedding+GAP
    ge = jnp.take(cat_table, product_category, axis=0)
    gte = _masked_avg(cat_text_table, cat_tokens)
    return jnp.concatenate([ue, te, nt, ce, cte, ge, gte], axis=1)


if False:  # reference __main__ guard neutralized (emitter)
    out = reference(**setup_inputs())
    print(out.shape)

if __name__ == "__main__":
    import jax
    _d = setup_inputs()
    print(jax.jit(kernel)(*tuple(_d.values())))

</pallas_src>

<mosaic_0001>
#map = affine_map<(d0, d1) -> (0)>
#map1 = affine_map<(d0, d1) -> (0, 0)>
module attributes {stable_mosaic.version = 14 : i64} {
  func.func @_user_body(%arg0: i32, %arg1: i32, %arg2: memref<16384xi32, #tpu.memory_space<hbm>>, %arg3: memref<32x1000001xf32, #tpu.memory_space<hbm>>, %arg4: memref<16384x32xf32, #tpu.memory_space<hbm>>, %arg5: memref<144xi32, #tpu.memory_space<vmem>>, %arg6: memref<16x32x128xf32, #tpu.memory_space<vmem>>, %arg7: memref<128x32xf32, #tpu.memory_space<vmem>>, %arg8: memref<!tpu.dma_semaphore, #tpu.memory_space<semaphore_mem>>) attributes {dimension_semantics = [#tpu.dimension_semantics<core_parallel>, #tpu.dimension_semantics<subcore_parallel>], iteration_bounds = array<i64: 2, 16>, scalar_prefetch = 0 : i64, scratch_operands = 4 : i64, tpu.core_type = #tpu.core_type<sc_vector_subcore>, window_params = [{transform_indices = #map}, {transform_indices = #map1}, {transform_indices = #map1}]} {
    %mul3A = arith.constant 2 : i32
    %mul3A_0 = arith.muli %arg1, %mul3A : i32
    %add3A = arith.addi %mul3A_0, %arg0 : i32
    %mul3A_1 = arith.constant 512 : i32
    %mul3A_2 = arith.muli %add3A, %mul3A_1 : i32
    %iota3A = tpu.iota {dimensions = array<i32: 0>} : vector<16xi32>
    %scan3A = arith.constant 0 : i32
    %scan3A_3 = arith.constant 0 : i32
    %scan3A_4 = arith.constant 4 : i32
    %scan3A_5 = arith.addi %scan3A_3, %scan3A_4 : i32
    %scan3A_6 = arith.constant 1 : i32
    scf.for %scan3A_8 = %scan3A_3 to %scan3A_5 step %scan3A_6  : i32 {
      %mul3A_9 = arith.constant 128 : i32
      %mul3A_10 = arith.muli %scan3A_8, %mul3A_9 : i32
      %add3A_11 = arith.addi %mul3A_2, %mul3A_10 : i32
      "tpu.region"() ({
        %run_scoped3A = tpu.sem_alloc : memref<!tpu.dma_semaphore, #tpu.memory_space<semaphore_mem>>
        %dma_start3A = arith.constant 0 : i32
        %dma_start3A_18 = tpu.memref_slice %arg5[%dma_start3A] : memref<144xi32, #tpu.memory_space<vmem>> -> memref<128xi32, #tpu.memory_space<vmem>>
        %dma_start3A_19 = tpu.memref_slice %arg2[%add3A_11] : memref<16384xi32, #tpu.memory_space<hbm>> -> memref<128xi32, #tpu.memory_space<hbm>>
        %dma_start3A_20 = arith.constant 0 : i32
        %dma_start3A_21 = tpu.memref_slice %arg5[%dma_start3A_20] : memref<144xi32, #tpu.memory_space<vmem>> -> memref<128xi32, #tpu.memory_space<vmem>>
        %dma_start3A_22 = tpu.memref_slice %arg2[%add3A_11] : memref<16384xi32, #tpu.memory_space<hbm>> -> memref<128xi32, #tpu.memory_space<hbm>>
        tpu.enqueue_dma source(%dma_start3A_22 : memref<128xi32, #tpu.memory_space<hbm>>) target(%dma_start3A_21 : memref<128xi32, #tpu.memory_space<vmem>>) target_semaphore(%run_scoped3A : memref<!tpu.dma_semaphore, #tpu.memory_space<semaphore_mem>>)
        %dma_wait3A = arith.constant 0 : i32
        %dma_wait3A_23 = tpu.memref_slice %arg5[%dma_wait3A] : memref<144xi32, #tpu.memory_space<vmem>> -> memref<128xi32, #tpu.memory_space<vmem>>
        %dma_wait3A_24 = tpu.memref_slice %arg2[%add3A_11] : memref<16384xi32, #tpu.memory_space<hbm>> -> memref<128xi32, #tpu.memory_space<hbm>>
        %dma_wait3A_25 = arith.constant 0 : i32
        %dma_wait3A_26 = tpu.memref_slice %arg5[%dma_wait3A_25] : memref<144xi32, #tpu.memory_space<vmem>> -> memref<128xi32, #tpu.memory_space<vmem>>
        %dma_wait3A_27 = tpu.memref_slice %arg2[%add3A_11] : memref<16384xi32, #tpu.memory_space<hbm>> -> memref<128xi32, #tpu.memory_space<hbm>>
        tpu.wait_dma2 semaphore(%run_scoped3A : memref<!tpu.dma_semaphore, #tpu.memory_space<semaphore_mem>>) src(%dma_wait3A_27 : memref<128xi32, #tpu.memory_space<hbm>>) dst(%dma_wait3A_26 : memref<128xi32, #tpu.memory_space<vmem>>)
        tpu.yield
      }) : () -> ()
      %scan3A_12 = arith.constant 0 : i32
      %scan3A_13 = arith.constant 0 : i32
      %scan3A_14 = arith.constant 8 : i32
      %scan3A_15 = arith.addi %scan3A_13, %scan3A_14 : i32
      %scan3A_16 = arith.constant 1 : i32
      scf.for %scan3A_18 = %scan3A_13 to %scan3A_15 step %scan3A_16  : i32 {
        %mul3A_19 = arith.constant 16 : i32
        %mul3A_20 = arith.muli %scan3A_18, %mul3A_19 : i32
        %add3A_21 = arith.constant 0 : i32
        %add3A_22 = arith.addi %mul3A_20, %add3A_21 : i32
        %get3A = arith.index_cast %add3A_22 : i32 to index
        %get3A_23 = tpu.vector_load %arg5[%get3A] {strides = array<i32>} : memref<144xi32, #tpu.memory_space<vmem>>, vector<16xi32>,
        %slice3A = vector.extract_strided_slice %get3A_23 {offsets = [0], sizes = [1], strides = [1]} : vector<16xi32> to vector<1xi32>
        %squeeze3A = vector.extract %slice3A[0] : i32 from vector<1xi32>
        %shift_right_arithmetic3A = arith.constant 7 : i32
        %shift_right_arithmetic3A_24 = arith.shrsi %squeeze3A, %shift_right_arithmetic3A : i32
        %shift_left3A = arith.constant 7 : i32
        %shift_left3A_25 = arith.shli %shift_right_arithmetic3A_24, %shift_left3A : i32
        %multiple_of3A = tpu.assume_multiple %shift_left3A_25, 128 : i32
        %dma_start3A = arith.constant 0 : i32
        %dma_start3A_26 = arith.constant 0 : i32
        %dma_start3A_27 = arith.constant 0 : i32
        %dma_start3A_28 = tpu.memref_slice %arg6[%dma_start3A, %dma_start3A_26, %dma_start3A_27] : memref<16x32x128xf32, #tpu.memory_space<vmem>> -> memref<1x32x128xf32, #tpu.memory_space<vmem>>
        %dma_start3A_29 = tpu.memref_squeeze %dma_start3A_28 : memref<1x32x128xf32, #tpu.memory_space<vmem>> -> memref<32x128xf32, #tpu.memory_space<vmem>>
        %dma_start3A_30 = arith.constant 0 : i32
        %dma_start3A_31 = tpu.memref_slice %arg3[%dma_start3A_30, %multiple_of3A] : memref<32x1000001xf32, #tpu.memory_space<hbm>> -> memref<32x128xf32, #tpu.memory_space<hbm>>
        %dma_start3A_32 = arith.constant 0 : i32
        %dma_start3A_33 = arith.constant 0 : i32
        %dma_start3A_34 = tpu.memref_slice %arg6[%dma_start3A, %dma_start3A_32, %dma_start3A_33] : memref<16x32x128xf32, #tpu.memory_space<vmem>> -> memref<1x32x128xf32, #tpu.memory_space<vmem>>
        %dma_start3A_35 = tpu.memref_squeeze %dma_start3A_34 : memref<1x32x128xf32, #tpu.memory_space<vmem>> -> memref<32x128xf32, #tpu.memory_space<vmem>>
        %dma_start3A_36 = arith.constant 0 : i32
        %dma_start3A_37 = tpu.memref_slice %arg3[%dma_start3A_36, %multiple_of3A] : memref<32x1000001xf32, #tpu.memory_space<hbm>> -> memref<32x128xf32, #tpu.memory_space<hbm>>
        tpu.enqueue_dma source(%dma_start3A_37 : memref<32x128xf32, #tpu.memory_space<hbm>>) target(%dma_start3A_35 : memref<32x128xf32, #tpu.memory_space<vmem>>) target_semaphore(%arg8 : memref<!tpu.dma_semaphore, #tpu.memory_space<semaphore_mem>>)
        %add3A_38 = arith.constant 1 : i32
        %add3A_39 = arith.addi %mul3A_20, %add3A_38 : i32
        %get3A_40 = arith.index_cast %add3A_39 : i32 to index
        %get3A_41 = tpu.vector_load %arg5[%get3A_40] {strides = array<i32>} : memref<144xi32, #tpu.memory_space<vmem>>, vector<16xi32>,
        %slice3A_42 = vector.extract_strided_slice %get3A_41 {offsets = [0], sizes = [1], strides = [1]} : vector<16xi32> to vector<1xi32>
        %squeeze3A_43 = vector.extract %slice3A_42[0] : i32 from vector<1xi32>
        %shift_right_arithmetic3A_44 = arith.constant 7 : i32
        %shift_right_arithmetic3A_45 = arith.shrsi %squeeze3A_43, %shift_right_arithmetic3A_44 : i32
        %shift_left3A_46 = arith.constant 7 : i32
        %shift_left3A_47 = arith.shli %shift_right_arithmetic3A_45, %shift_left3A_46 : i32
        %multiple_of3A_48 = tpu.assume_multiple %shift_left3A_47, 128 : i32
        %dma_start3A_49 = arith.constant 1 : i32
        %dma_start3A_50 = arith.constant 0 : i32
        %dma_start3A_51 = arith.constant 0 : i32
        %dma_start3A_52 = tpu.memref_slice %arg6[%dma_start3A_49, %dma_start3A_50, %dma_start3A_51] : memref<16x32x128xf32, #tpu.memory_space<vmem>> -> memref<1x32x128xf32, #tpu.memory_space<vmem>>
        %dma_start3A_53 = tpu.memref_squeeze %dma_start3A_52 : memref<1x32x128xf32, #tpu.memory_space<vmem>> -> memref<32x128xf32, #tpu.memory_space<vmem>>
        %dma_start3A_54 = arith.constant 0 : i32
        %dma_start3A_55 = tpu.memref_slice %arg3[%dma_start3A_54, %multiple_of3A_48] : memref<32x1000001xf32, #tpu.memory_space<hbm>> -> memref<32x128xf32, #tpu.memory_space<hbm>>
        %dma_start3A_56 = arith.constant 0 : i32
        %dma_start3A_57 = arith.constant 0 : i32
        %dma_start3A_58 = tpu.memref_slice %arg6[%dma_start3A_49, %dma_start3A_56, %dma_start3A_57] : memref<16x32x128xf32, #tpu.memory_space<vmem>> -> memref<1x32x128xf32, #tpu.memory_space<vmem>>
        %dma_start3A_59 = tpu.memref_squeeze %dma_start3A_58 : memref<1x32x128xf32, #tpu.memory_space<vmem>> -> memref<32x128xf32, #tpu.memory_space<vmem>>
        %dma_start3A_60 = arith.constant 0 : i32
        %dma_start3A_61 = tpu.memref_slice %arg3[%dma_start3A_60, %multiple_of3A_48] : memref<32x1000001xf32, #tpu.memory_space<hbm>> -> memref<32x128xf32, #tpu.memory_space<hbm>>
        tpu.enqueue_dma source(%dma_start3A_61 : memref<32x128xf32, #tpu.memory_space<hbm>>) target(%dma_start3A_59 : memref<32x128xf32, #tpu.memory_space<vmem>>) target_semaphore(%arg8 : memref<!tpu.dma_semaphore, #tpu.memory_space<semaphore_mem>>)
        %add3A_62 = arith.constant 2 : i32
        %add3A_63 = arith.addi %mul3A_20, %add3A_62 : i32
        %get3A_64 = arith.index_cast %add3A_63 : i32 to index
        %get3A_65 = tpu.vector_load %arg5[%get3A_64] {strides = array<i32>} : memref<144xi32, #tpu.memory_space<vmem>>, vector<16xi32>,
        %slice3A_66 = vector.extract_strided_slice %get3A_65 {offsets = [0], sizes = [1], strides = [1]} : vector<16xi32> to vector<1xi32>
        %squeeze3A_67 = vector.extract %slice3A_66[0] : i32 from vector<1xi32>
        %shift_right_arithmetic3A_68 = arith.constant 7 : i32
        %shift_right_arithmetic3A_69 = arith.shrsi %squeeze3A_67, %shift_right_arithmetic3A_68 : i32
        %shift_left3A_70 = arith.constant 7 : i32
        %shift_left3A_71 = arith.shli %shift_right_arithmetic3A_69, %shift_left3A_70 : i32
        %multiple_of3A_72 = tpu.assume_multiple %shift_left3A_71, 128 : i32
        %dma_start3A_73 = arith.constant 2 : i32
        %dma_start3A_74 = arith.constant 0 : i32
        %dma_start3A_75 = arith.constant 0 : i32
        %dma_start3A_76 = tpu.memref_slice %arg6[%dma_start3A_73, %dma_start3A_74, %dma_start3A_75] : memref<16x32x128xf32, #tpu.memory_space<vmem>> -> memref<1x32x128xf32, #tpu.memory_space<vmem>>
        %dma_start3A_77 = tpu.memref_squeeze %dma_start3A_76 : memref<1x32x128xf32, #tpu.memory_space<vmem>> -> memref<32x128xf32, #tpu.memory_space<vmem>>
        %dma_start3A_78 = arith.constant 0 : i32
        %dma_start3A_79 = tpu.memref_slice %arg3[%dma_start3A_78, %multiple_of3A_72] : memref<32x1000001xf32, #tpu.memory_space<hbm>> -> memref<32x128xf32, #tpu.memory_space<hbm>>
        %dma_start3A_80 = arith.constant 0 : i32
        %dma_start3A_81 = arith.constant 0 : i32
        %dma_start3A_82 = tpu.memref_slice %arg6[%dma_start3A_73, %dma_start3A_80, %dma_start3A_81] : memref<16x32x128xf32, #tpu.memory_space<vmem>> -> memref<1x32x128xf32, #tpu.memory_space<vmem>>
        %dma_start3A_83 = tpu.memref_squeeze %dma_start3A_82 : memref<1x32x128xf32, #tpu.memory_space<vmem>> -> memref<32x128xf32, #tpu.memory_space<vmem>>
        %dma_start3A_84 = arith.constant 0 : i32
        %dma_start3A_85 = tpu.memref_slice %arg3[%dma_start3A_84, %multiple_of3A_72] : memref<32x1000001xf32, #tpu.memory_space<hbm>> -> memref<32x128xf32, #tpu.memory_space<hbm>>
        tpu.enqueue_dma source(%dma_start3A_85 : memref<32x128xf32, #tpu.memory_space<hbm>>) target(%dma_start3A_83 : memref<32x128xf32, #tpu.memory_space<vmem>>) target_semaphore(%arg8 : memref<!tpu.dma_semaphore, #tpu.memory_space<semaphore_mem>>)
        %add3A_86 = arith.constant 3 : i32
        %add3A_87 = arith.addi %mul3A_20, %add3A_86 : i32
        %get3A_88 = arith.index_cast %add3A_87 : i32 to index
        %get3A_89 = tpu.vector_load %arg5[%get3A_88] {strides = array<i32>} : memref<144xi32, #tpu.memory_space<vmem>>, vector<16xi32>,
        %slice3A_90 = vector.extract_strided_slice %get3A_89 {offsets = [0], sizes = [1], strides = [1]} : vector<16xi32> to vector<1xi32>
        %squeeze3A_91 = vector.extract %slice3A_90[0] : i32 from vector<1xi32>
        %shift_right_arithmetic3A_92 = arith.constant 7 : i32
        %shift_right_arithmetic3A_93 = arith.shrsi %squeeze3A_91, %shift_right_arithmetic3A_92 : i32
        %shift_left3A_94 = arith.constant 7 : i32
        %shift_left3A_95 = arith.shli %shift_right_arithmetic3A_93, %shift_left3A_94 : i32
        %multiple_of3A_96 = tpu.assume_multiple %shift_left3A_95, 128 : i32
        %dma_start3A_97 = arith.constant 3 : i32
        %dma_start3A_98 = arith.constant 0 : i32
        %dma_start3A_99 = arith.constant 0 : i32
        %dma_start3A_100 = tpu.memref_slice %arg6[%dma_start3A_97, %dma_start3A_98, %dma_start3A_99] : memref<16x32x128xf32, #tpu.memory_space<vmem>> -> memref<1x32x128xf32, #tpu.memory_space<vmem>>
        %dma_start3A_101 = tpu.memref_squeeze %dma_start3A_100 : memref<1x32x128xf32, #tpu.memory_space<vmem>> -> memref<32x128xf32, #tpu.memory_space<vmem>>
        %dma_start3A_102 = arith.constant 0 : i32
        %dma_start3A_103 = tpu.memref_slice %arg3[%dma_start3A_102, %multiple_of3A_96] : memref<32x1000001xf32, #tpu.memory_space<hbm>> -> memref<32x128xf32, #tpu.memory_space<hbm>>
        %dma_start3A_104 = arith.constant 0 : i32
        %dma_start3A_105 = arith.constant 0 : i32
        %dma_start3A_106 = tpu.memref_slice %arg6[%dma_start3A_97, %dma_start3A_104, %dma_start3A_105] : memref<16x32x128xf32, #tpu.memory_space<vmem>> -> memref<1x32x128xf32, #tpu.memory_space<vmem>>
        %dma_start3A_107 = tpu.memref_squeeze %dma_start3A_106 : memref<1x32x128xf32, #tpu.memory_space<vmem>> -> memref<32x128xf32, #tpu.memory_space<vmem>>
        %dma_start3A_108 = arith.constant 0 : i32
        %dma_start3A_109 = tpu.memref_slice %arg3[%dma_start3A_108, %multiple_of3A_96] : memref<32x1000001xf32, #tpu.memory_space<hbm>> -> memref<32x128xf32, #tpu.memory_space<hbm>>
        tpu.enqueue_dma source(%dma_start3A_109 : memref<32x128xf32, #tpu.memory_space<hbm>>) target(%dma_start3A_107 : memref<32x128xf32, #tpu.memory_space<vmem>>) target_semaphore(%arg8 : memref<!tpu.dma_semaphore, #tpu.memory_space<semaphore_mem>>)
        %add3A_110 = arith.constant 4 : i32
        %add3A_111 = arith.addi %mul3A_20, %add3A_110 : i32
        %get3A_112 = arith.index_cast %add3A_111 : i32 to index
        %get3A_113 = tpu.vector_load %arg5[%get3A_112] {strides = array<i32>} : memref<144xi32, #tpu.memory_space<vmem>>, vector<16xi32>,
        %slice3A_114 = vector.extract_strided_slice %get3A_113 {offsets = [0], sizes = [1], strides = [1]} : vector<16xi32> to vector<1xi32>
        %squeeze3A_115 = vector.extract %slice3A_114[0] : i32 from vector<1xi32>
        %shift_right_arithmetic3A_116 = arith.constant 7 : i32
        %shift_right_arithmetic3A_117 = arith.shrsi %squeeze3A_115, %shift_right_arithmetic3A_116 : i32
        %shift_left3A_118 = arith.constant 7 : i32
        %shift_left3A_119 = arith.shli %shift_right_arithmetic3A_117, %shift_left3A_118 : i32
        %multiple_of3A_120 = tpu.assume_multiple %shift_left3A_119, 128 : i32
        %dma_start3A_121 = arith.constant 4 : i32
        %dma_start3A_122 = arith.constant 0 : i32
        %dma_start3A_123 = arith.constant 0 : i32
        %dma_start3A_124 = tpu.memref_slice %arg6[%dma_start3A_121, %dma_start3A_122, %dma_start3A_123] : memref<16x32x128xf32, #tpu.memory_space<vmem>> -> memref<1x32x128xf32, #tpu.memory_space<vmem>>
        %dma_start3A_125 = tpu.memref_squeeze %dma_start3A_124 : memref<1x32x128xf32, #tpu.memory_space<vmem>> -> memref<32x128xf32, #tpu.memory_space<vmem>>
        %dma_start3A_126 = arith.constant 0 : i32
        %dma_start3A_127 = tpu.memref_slice %arg3[%dma_start3A_126, %multiple_of3A_120] : memref<32x1000001xf32, #tpu.memory_space<hbm>> -> memref<32x128xf32, #tpu.memory_space<hbm>>
        %dma_start3A_128 = arith.constant 0 : i32
        %dma_start3A_129 = arith.constant 0 : i32
        %dma_start3A_130 = tpu.memref_slice %arg6[%dma_start3A_121, %dma_start3A_128, %dma_start3A_129] : memref<16x32x128xf32, #tpu.memory_space<vmem>> -> memref<1x32x128xf32, #tpu.memory_space<vmem>>
        %dma_start3A_131 = tpu.memref_squeeze %dma_start3A_130 : memref<1x32x128xf32, #tpu.memory_space<vmem>> -> memref<32x128xf32, #tpu.memory_space<vmem>>
        %dma_start3A_132 = arith.constant 0 : i32
        %dma_start3A_133 = tpu.memref_slice %arg3[%dma_start3A_132, %multiple_of3A_120] : memref<32x1000001xf32, #tpu.memory_space<hbm>> -> memref<32x128xf32, #tpu.memory_space<hbm>>
        tpu.enqueue_dma source(%dma_start3A_133 : memref<32x128xf32, #tpu.memory_space<hbm>>) target(%dma_start3A_131 : memref<32x128xf32, #tpu.memory_space<vmem>>) target_semaphore(%arg8 : memref<!tpu.dma_semaphore, #tpu.memory_space<semaphore_mem>>)
        %add3A_134 = arith.constant 5 : i32
        %add3A_135 = arith.addi %mul3A_20, %add3A_134 : i32
        %get3A_136 = arith.index_cast %add3A_135 : i32 to index
        %get3A_137 = tpu.vector_load %arg5[%get3A_136] {strides = array<i32>} : memref<144xi32, #tpu.memory_space<vmem>>, vector<16xi32>,
        %slice3A_138 = vector.extract_strided_slice %get3A_137 {offsets = [0], sizes = [1], strides = [1]} : vector<16xi32> to vector<1xi32>
        %squeeze3A_139 = vector.extract %slice3A_138[0] : i32 from vector<1xi32>
        %shift_right_arithmetic3A_140 = arith.constant 7 : i32
        %shift_right_arithmetic3A_141 = arith.shrsi %squeeze3A_139, %shift_right_arithmetic3A_140 : i32
        %shift_left3A_142 = arith.constant 7 : i32
        %shift_left3A_143 = arith.shli %shift_right_arithmetic3A_141, %shift_left3A_142 : i32
        %multiple_of3A_144 = tpu.assume_multiple %shift_left3A_143, 128 : i32
        %dma_start3A_145 = arith.constant 5 : i32
        %dma_start3A_146 = arith.constant 0 : i32
        %dma_start3A_147 = arith.constant 0 : i32
        %dma_start3A_148 = tpu.memref_slice %arg6[%dma_start3A_145, %dma_start3A_146, %dma_start3A_147] : memref<16x32x128xf32, #tpu.memory_space<vmem>> -> memref<1x32x128xf32, #tpu.memory_space<vmem>>
        %dma_start3A_149 = tpu.memref_squeeze %dma_start3A_148 : memref<1x32x128xf32, #tpu.memory_space<vmem>> -> memref<32x128xf32, #tpu.memory_space<vmem>>
        %dma_start3A_150 = arith.constant 0 : i32
        %dma_start3A_151 = tpu.memref_slice %arg3[%dma_start3A_150, %multiple_of3A_144] : memref<32x1000001xf32, #tpu.memory_space<hbm>> -> memref<32x128xf32, #tpu.memory_space<hbm>>
        %dma_start3A_152 = arith.constant 0 : i32
        %dma_start3A_153 = arith.constant 0 : i32
        %dma_start3A_154 = tpu.memref_slice %arg6[%dma_start3A_145, %dma_start3A_152, %dma_start3A_153] : memref<16x32x128xf32, #tpu.memory_space<vmem>> -> memref<1x32x128xf32, #tpu.memory_space<vmem>>
        %dma_start3A_155 = tpu.memref_squeeze %dma_start3A_154 : memref<1x32x128xf32, #tpu.memory_space<vmem>> -> memref<32x128xf32, #tpu.memory_space<vmem>>
        %dma_start3A_156 = arith.constant 0 : i32
        %dma_start3A_157 = tpu.memref_slice %arg3[%dma_start3A_156, %multiple_of3A_144] : memref<32x1000001xf32, #tpu.memory_space<hbm>> -> memref<32x128xf32, #tpu.memory_space<hbm>>
        tpu.enqueue_dma source(%dma_start3A_157 : memref<32x128xf32, #tpu.memory_space<hbm>>) target(%dma_start3A_155 : memref<32x128xf32, #tpu.memory_space<vmem>>) target_semaphore(%arg8 : memref<!tpu.dma_semaphore, #tpu.memory_space<semaphore_mem>>)
        %add3A_158 = arith.constant 6 : i32
        %add3A_159 = arith.addi %mul3A_20, %add3A_158 : i32
        %get3A_160 = arith.index_cast %add3A_159 : i32 to index
        %get3A_161 = tpu.vector_load %arg5[%get3A_160] {strides = array<i32>} : memref<144xi32, #tpu.memory_space<vmem>>, vector<16xi32>,
        %slice3A_162 = vector.extract_strided_slice %get3A_161 {offsets = [0], sizes = [1], strides = [1]} : vector<16xi32> to vector<1xi32>
        %squeeze3A_163 = vector.extract %slice3A_162[0] : i32 from vector<1xi32>
        %shift_right_arithmetic3A_164 = arith.constant 7 : i32
        %shift_right_arithmetic3A_165 = arith.shrsi %squeeze3A_163, %shift_right_arithmetic3A_164 : i32
        %shift_left3A_166 = arith.constant 7 : i32
        %shift_left3A_167 = arith.shli %shift_right_arithmetic3A_165, %shift_left3A_166 : i32
        %multiple_of3A_168 = tpu.assume_multiple %shift_left3A_167, 128 : i32
        %dma_start3A_169 = arith.constant 6 : i32
        %dma_start3A_170 = arith.constant 0 : i32
        %dma_start3A_171 = arith.constant 0 : i32
        %dma_start3A_172 = tpu.memref_slice %arg6[%dma_start3A_169, %dma_start3A_170, %dma_start3A_171] : memref<16x32x128xf32, #tpu.memory_space<vmem>> -> memref<1x32x128xf32, #tpu.memory_space<vmem>>
        %dma_start3A_173 = tpu.memref_squeeze %dma_start3A_172 : memref<1x32x128xf32, #tpu.memory_space<vmem>> -> memref<32x128xf32, #tpu.memory_space<vmem>>
        %dma_start3A_174 = arith.constant 0 : i32
        %dma_start3A_175 = tpu.memref_slice %arg3[%dma_start3A_174, %multiple_of3A_168] : memref<32x1000001xf32, #tpu.memory_space<hbm>> -> memref<32x128xf32, #tpu.memory_space<hbm>>
        %dma_start3A_176 = arith.constant 0 : i32
        %dma_start3A_177 = arith.constant 0 : i32
        %dma_start3A_178 = tpu.memref_slice %arg6[%dma_start3A_169, %dma_start3A_176, %dma_start3A_177] : memref<16x32x128xf32, #tpu.memory_space<vmem>> -> memref<1x32x128xf32, #tpu.memory_space<vmem>>
        %dma_start3A_179 = tpu.memref_squeeze %dma_start3A_178 : memref<1x32x128xf32, #tpu.memory_space<vmem>> -> memref<32x128xf32, #tpu.memory_space<vmem>>
        %dma_start3A_180 = arith.constant 0 : i32
        %dma_start3A_181 = tpu.memref_slice %arg3[%dma_start3A_180, %multiple_of3A_168] : memref<32x1000001xf32, #tpu.memory_space<hbm>> -> memref<32x128xf32, #tpu.memory_space<hbm>>
        tpu.enqueue_dma source(%dma_start3A_181 : memref<32x128xf32, #tpu.memory_space<hbm>>) target(%dma_start3A_179 : memref<32x128xf32, #tpu.memory_space<vmem>>) target_semaphore(%arg8 : memref<!tpu.dma_semaphore, #tpu.memory_space<semaphore_mem>>)
        %add3A_182 = arith.constant 7 : i32
        %add3A_183 = arith.addi %mul3A_20, %add3A_182 : i32
        %get3A_184 = arith.index_cast %add3A_183 : i32 to index
        %get3A_185 = tpu.vector_load %arg5[%get3A_184] {strides = array<i32>} : memref<144xi32, #tpu.memory_space<vmem>>, vector<16xi32>,
        %slice3A_186 = vector.extract_strided_slice %get3A_185 {offsets = [0], sizes = [1], strides = [1]} : vector<16xi32> to vector<1xi32>
        %squeeze3A_187 = vector.extract %slice3A_186[0] : i32 from vector<1xi32>
        %shift_right_arithmetic3A_188 = arith.constant 7 : i32
        %shift_right_arithmetic3A_189 = arith.shrsi %squeeze3A_187, %shift_right_arithmetic3A_188 : i32
        %shift_left3A_190 = arith.constant 7 : i32
        %shift_left3A_191 = arith.shli %shift_right_arithmetic3A_189, %shift_left3A_190 : i32
        %multiple_of3A_192 = tpu.assume_multiple %shift_left3A_191, 128 : i32
        %dma_start3A_193 = arith.constant 7 : i32
        %dma_start3A_194 = arith.constant 0 : i32
        %dma_start3A_195 = arith.constant 0 : i32
        %dma_start3A_196 = tpu.memref_slice %arg6[%dma_start3A_193, %dma_start3A_194, %dma_start3A_195] : memref<16x32x128xf32, #tpu.memory_space<vmem>> -> memref<1x32x128xf32, #tpu.memory_space<vmem>>
        %dma_start3A_197 = tpu.memref_squeeze %dma_start3A_196 : memref<1x32x128xf32, #tpu.memory_space<vmem>> -> memref<32x128xf32, #tpu.memory_space<vmem>>
        %dma_start3A_198 = arith.constant 0 : i32
        %dma_start3A_199 = tpu.memref_slice %arg3[%dma_start3A_198, %multiple_of3A_192] : memref<32x1000001xf32, #tpu.memory_space<hbm>> -> memref<32x128xf32, #tpu.memory_space<hbm>>
        %dma_start3A_200 = arith.constant 0 : i32
        %dma_start3A_201 = arith.constant 0 : i32
        %dma_start3A_202 = tpu.memref_slice %arg6[%dma_start3A_193, %dma_start3A_200, %dma_start3A_201] : memref<16x32x128xf32, #tpu.memory_space<vmem>> -> memref<1x32x128xf32, #tpu.memory_space<vmem>>
        %dma_start3A_203 = tpu.memref_squeeze %dma_start3A_202 : memref<1x32x128xf32, #tpu.memory_space<vmem>> -> memref<32x128xf32, #tpu.memory_space<vmem>>
        %dma_start3A_204 = arith.constant 0 : i32
        %dma_start3A_205 = tpu.memref_slice %arg3[%dma_start3A_204, %multiple_of3A_192] : memref<32x1000001xf32, #tpu.memory_space<hbm>> -> memref<32x128xf32, #tpu.memory_space<hbm>>
        tpu.enqueue_dma source(%dma_start3A_205 : memref<32x128xf32, #tpu.memory_space<hbm>>) target(%dma_start3A_203 : memref<32x128xf32, #tpu.memory_space<vmem>>) target_semaphore(%arg8 : memref<!tpu.dma_semaphore, #tpu.memory_space<semaphore_mem>>)
        %add3A_206 = arith.constant 8 : i32
        %add3A_207 = arith.addi %mul3A_20, %add3A_206 : i32
        %get3A_208 = arith.index_cast %add3A_207 : i32 to index
        %get3A_209 = tpu.vector_load %arg5[%get3A_208] {strides = array<i32>} : memref<144xi32, #tpu.memory_space<vmem>>, vector<16xi32>,
        %slice3A_210 = vector.extract_strided_slice %get3A_209 {offsets = [0], sizes = [1], strides = [1]} : vector<16xi32> to vector<1xi32>
        %squeeze3A_211 = vector.extract %slice3A_210[0] : i32 from vector<1xi32>
        %shift_right_arithmetic3A_212 = arith.constant 7 : i32
        %shift_right_arithmetic3A_213 = arith.shrsi %squeeze3A_211, %shift_right_arithmetic3A_212 : i32
        %shift_left3A_214 = arith.constant 7 : i32
        %shift_left3A_215 = arith.shli %shift_right_arithmetic3A_213, %shift_left3A_214 : i32
        %multiple_of3A_216 = tpu.assume_multiple %shift_left3A_215, 128 : i32
        %dma_start3A_217 = arith.constant 8 : i32
        %dma_start3A_218 = arith.constant 0 : i32
        %dma_start3A_219 = arith.constant 0 : i32
        %dma_start3A_220 = tpu.memref_slice %arg6[%dma_start3A_217, %dma_start3A_218, %dma_start3A_219] : memref<16x32x128xf32, #tpu.memory_space<vmem>> -> memref<1x32x128xf32, #tpu.memory_space<vmem>>
        %dma_start3A_221 = tpu.memref_squeeze %dma_start3A_220 : memref<1x32x128xf32, #tpu.memory_space<vmem>> -> memref<32x128xf32, #tpu.memory_space<vmem>>
        %dma_start3A_222 = arith.constant 0 : i32
        %dma_start3A_223 = tpu.memref_slice %arg3[%dma_start3A_222, %multiple_of3A_216] : memref<32x1000001xf32, #tpu.memory_space<hbm>> -> memref<32x128xf32, #tpu.memory_space<hbm>>
        %dma_start3A_224 = arith.constant 0 : i32
        %dma_start3A_225 = arith.constant 0 : i32
        %dma_start3A_226 = tpu.memref_slice %arg6[%dma_start3A_217, %dma_start3A_224, %dma_start3A_225] : memref<16x32x128xf32, #tpu.memory_space<vmem>> -> memref<1x32x128xf32, #tpu.memory_space<vmem>>
        %dma_start3A_227 = tpu.memref_squeeze %dma_start3A_226 : memref<1x32x128xf32, #tpu.memory_space<vmem>> -> memref<32x128xf32, #tpu.memory_space<vmem>>
        %dma_start3A_228 = arith.constant 0 : i32
        %dma_start3A_229 = tpu.memref_slice %arg3[%dma_start3A_228, %multiple_of3A_216] : memref<32x1000001xf32, #tpu.memory_space<hbm>> -> memref<32x128xf32, #tpu.memory_space<hbm>>
        tpu.enqueue_dma source(%dma_start3A_229 : memref<32x128xf32, #tpu.memory_space<hbm>>) target(%dma_start3A_227 : memref<32x128xf32, #tpu.memory_space<vmem>>) target_semaphore(%arg8 : memref<!tpu.dma_semaphore, #tpu.memory_space<semaphore_mem>>)
        %add3A_230 = arith.constant 9 : i32
        %add3A_231 = arith.addi %mul3A_20, %add3A_230 : i32
        %get3A_232 = arith.index_cast %add3A_231 : i32 to index
        %get3A_233 = tpu.vector_load %arg5[%get3A_232] {strides = array<i32>} : memref<144xi32, #tpu.memory_space<vmem>>, vector<16xi32>,
        %slice3A_234 = vector.extract_strided_slice %get3A_233 {offsets = [0], sizes = [1], strides = [1]} : vector<16xi32> to vector<1xi32>
        %squeeze3A_235 = vector.extract %slice3A_234[0] : i32 from vector<1xi32>
        %shift_right_arithmetic3A_236 = arith.constant 7 : i32
        %shift_right_arithmetic3A_237 = arith.shrsi %squeeze3A_235, %shift_right_arithmetic3A_236 : i32
        %shift_left3A_238 = arith.constant 7 : i32
        %shift_left3A_239 = arith.shli %shift_right_arithmetic3A_237, %shift_left3A_238 : i32
        %multiple_of3A_240 = tpu.assume_multiple %shift_left3A_239, 128 : i32
        %dma_start3A_241 = arith.constant 9 : i32
        %dma_start3A_242 = arith.constant 0 : i32
        %dma_start3A_243 = arith.constant 0 : i32
        %dma_start3A_244 = tpu.memref_slice %arg6[%dma_start3A_241, %dma_start3A_242, %dma_start3A_243] : memref<16x32x128xf32, #tpu.memory_space<vmem>> -> memref<1x32x128xf32, #tpu.memory_space<vmem>>
        %dma_start3A_245 = tpu.memref_squeeze %dma_start3A_244 : memref<1x32x128xf32, #tpu.memory_space<vmem>> -> memref<32x128xf32, #tpu.memory_space<vmem>>
        %dma_start3A_246 = arith.constant 0 : i32
        %dma_start3A_247 = tpu.memref_slice %arg3[%dma_start3A_246, %multiple_of3A_240] : memref<32x1000001xf32, #tpu.memory_space<hbm>> -> memref<32x128xf32, #tpu.memory_space<hbm>>
        %dma_start3A_248 = arith.constant 0 : i32
        %dma_start3A_249 = arith.constant 0 : i32
        %dma_start3A_250 = tpu.memref_slice %arg6[%dma_start3A_241, %dma_start3A_248, %dma_start3A_249] : memref<16x32x128xf32, #tpu.memory_space<vmem>> -> memref<1x32x128xf32, #tpu.memory_space<vmem>>
        %dma_start3A_251 = tpu.memref_squeeze %dma_start3A_250 : memref<1x32x128xf32, #tpu.memory_space<vmem>> -> memref<32x128xf32, #tpu.memory_space<vmem>>
        %dma_start3A_252 = arith.constant 0 : i32
        %dma_start3A_253 = tpu.memref_slice %arg3[%dma_start3A_252, %multiple_of3A_240] : memref<32x1000001xf32, #tpu.memory_space<hbm>> -> memref<32x128xf32, #tpu.memory_space<hbm>>
        tpu.enqueue_dma source(%dma_start3A_253 : memref<32x128xf32, #tpu.memory_space<hbm>>) target(%dma_start3A_251 : memref<32x128xf32, #tpu.memory_space<vmem>>) target_semaphore(%arg8 : memref<!tpu.dma_semaphore, #tpu.memory_space<semaphore_mem>>)
        %add3A_254 = arith.constant 10 : i32
        %add3A_255 = arith.addi %mul3A_20, %add3A_254 : i32
        %get3A_256 = arith.index_cast %add3A_255 : i32 to index
        %get3A_257 = tpu.vector_load %arg5[%get3A_256] {strides = array<i32>} : memref<144xi32, #tpu.memory_space<vmem>>, vector<16xi32>,
        %slice3A_258 = vector.extract_strided_slice %get3A_257 {offsets = [0], sizes = [1], strides = [1]} : vector<16xi32> to vector<1xi32>
        %squeeze3A_259 = vector.extract %slice3A_258[0] : i32 from vector<1xi32>
        %shift_right_arithmetic3A_260 = arith.constant 7 : i32
        %shift_right_arithmetic3A_261 = arith.shrsi %squeeze3A_259, %shift_right_arithmetic3A_260 : i32
        %shift_left3A_262 = arith.constant 7 : i32
        %shift_left3A_263 = arith.shli %shift_right_arithmetic3A_261, %shift_left3A_262 : i32
        %multiple_of3A_264 = tpu.assume_multiple %shift_left3A_263, 128 : i32
        %dma_start3A_265 = arith.constant 10 : i32
        %dma_start3A_266 = arith.constant 0 : i32
        %dma_start3A_267 = arith.constant 0 : i32
        %dma_start3A_268 = tpu.memref_slice %arg6[%dma_start3A_265, %dma_start3A_266, %dma_start3A_267] : memref<16x32x128xf32, #tpu.memory_space<vmem>> -> memref<1x32x128xf32, #tpu.memory_space<vmem>>
        %dma_start3A_269 = tpu.memref_squeeze %dma_start3A_268 : memref<1x32x128xf32, #tpu.memory_space<vmem>> -> memref<32x128xf32, #tpu.memory_space<vmem>>
        %dma_start3A_270 = arith.constant 0 : i32
        %dma_start3A_271 = tpu.memref_slice %arg3[%dma_start3A_270, %multiple_of3A_264] : memref<32x1000001xf32, #tpu.memory_space<hbm>> -> memref<32x128xf32, #tpu.memory_space<hbm>>
        %dma_start3A_272 = arith.constant 0 : i32
        %dma_start3A_273 = arith.constant 0 : i32
        %dma_start3A_274 = tpu.memref_slice %arg6[%dma_start3A_265, %dma_start3A_272, %dma_start3A_273] : memref<16x32x128xf32, #tpu.memory_space<vmem>> -> memref<1x32x128xf32, #tpu.memory_space<vmem>>
        %dma_start3A_275 = tpu.memref_squeeze %dma_start3A_274 : memref<1x32x128xf32, #tpu.memory_space<vmem>> -> memref<32x128xf32, #tpu.memory_space<vmem>>
        %dma_start3A_276 = arith.constant 0 : i32
        %dma_start3A_277 = tpu.memref_slice %arg3[%dma_start3A_276, %multiple_of3A_264] : memref<32x1000001xf32, #tpu.memory_space<hbm>> -> memref<32x128xf32, #tpu.memory_space<hbm>>
        tpu.enqueue_dma source(%dma_start3A_277 : memref<32x128xf32, #tpu.memory_space<hbm>>) target(%dma_start3A_275 : memref<32x128xf32, #tpu.memory_space<vmem>>) target_semaphore(%arg8 : memref<!tpu.dma_semaphore, #tpu.memory_space<semaphore_mem>>)
        %add3A_278 = arith.constant 11 : i32
        %add3A_279 = arith.addi %mul3A_20, %add3A_278 : i32
        %get3A_280 = arith.index_cast %add3A_279 : i32 to index
        %get3A_281 = tpu.vector_load %arg5[%get3A_280] {strides = array<i32>} : memref<144xi32, #tpu.memory_space<vmem>>, vector<16xi32>,
        %slice3A_282 = vector.extract_strided_slice %get3A_281 {offsets = [0], sizes = [1], strides = [1]} : vector<16xi32> to vector<1xi32>
        %squeeze3A_283 = vector.extract %slice3A_282[0] : i32 from vector<1xi32>
        %shift_right_arithmetic3A_284 = arith.constant 7 : i32
        %shift_right_arithmetic3A_285 = arith.shrsi %squeeze3A_283, %shift_right_arithmetic3A_284 : i32
        %shift_left3A_286 = arith.constant 7 : i32
        %shift_left3A_287 = arith.shli %shift_right_arithmetic3A_285, %shift_left3A_286 : i32
        %multiple_of3A_288 = tpu.assume_multiple %shift_left3A_287, 128 : i32
        %dma_start3A_289 = arith.constant 11 : i32
        %dma_start3A_290 = arith.constant 0 : i32
        %dma_start3A_291 = arith.constant 0 : i32
        %dma_start3A_292 = tpu.memref_slice %arg6[%dma_start3A_289, %dma_start3A_290, %dma_start3A_291] : memref<16x32x128xf32, #tpu.memory_space<vmem>> -> memref<1x32x128xf32, #tpu.memory_space<vmem>>
        %dma_start3A_293 = tpu.memref_squeeze %dma_start3A_292 : memref<1x32x128xf32, #tpu.memory_space<vmem>> -> memref<32x128xf32, #tpu.memory_space<vmem>>
        %dma_start3A_294 = arith.constant 0 : i32
        %dma_start3A_295 = tpu.memref_slice %arg3[%dma_start3A_294, %multiple_of3A_288] : memref<32x1000001xf32, #tpu.memory_space<hbm>> -> memref<32x128xf32, #tpu.memory_space<hbm>>
        %dma_start3A_296 = arith.constant 0 : i32
        %dma_start3A_297 = arith.constant 0 : i32
        %dma_start3A_298 = tpu.memref_slice %arg6[%dma_start3A_289, %dma_start3A_296, %dma_start3A_297] : memref<16x32x128xf32, #tpu.memory_space<vmem>> -> memref<1x32x128xf32, #tpu.memory_space<vmem>>
        %dma_start3A_299 = tpu.memref_squeeze %dma_start3A_298 : memref<1x32x128xf32, #tpu.memory_space<vmem>> -> memref<32x128xf32, #tpu.memory_space<vmem>>
        %dma_start3A_300 = arith.constant 0 : i32
        %dma_start3A_301 = tpu.memref_slice %arg3[%dma_start3A_300, %multiple_of3A_288] : memref<32x1000001xf32, #tpu.memory_space<hbm>> -> memref<32x128xf32, #tpu.memory_space<hbm>>
        tpu.enqueue_dma source(%dma_start3A_301 : memref<32x128xf32, #tpu.memory_space<hbm>>) target(%dma_start3A_299 : memref<32x128xf32, #tpu.memory_space<vmem>>) target_semaphore(%arg8 : memref<!tpu.dma_semaphore, #tpu.memory_space<semaphore_mem>>)
        %add3A_302 = arith.constant 12 : i32
        %add3A_303 = arith.addi %mul3A_20, %add3A_302 : i32
        %get3A_304 = arith.index_cast %add3A_303 : i32 to index
        %get3A_305 = tpu.vector_load %arg5[%get3A_304] {strides = array<i32>} : memref<144xi32, #tpu.memory_space<vmem>>, vector<16xi32>,
        %slice3A_306 = vector.extract_strided_slice %get3A_305 {offsets = [0], sizes = [1], strides = [1]} : vector<16xi32> to vector<1xi32>
        %squeeze3A_307 = vector.extract %slice3A_306[0] : i32 from vector<1xi32>
        %shift_right_arithmetic3A_308 = arith.constant 7 : i32
        %shift_right_arithmetic3A_309 = arith.shrsi %squeeze3A_307, %shift_right_arithmetic3A_308 : i32
        %shift_left3A_310 = arith.constant 7 : i32
        %shift_left3A_311 = arith.shli %shift_right_arithmetic3A_309, %shift_left3A_310 : i32
        %multiple_of3A_312 = tpu.assume_multiple %shift_left3A_311, 128 : i32
        %dma_start3A_313 = arith.constant 12 : i32
        %dma_start3A_314 = arith.constant 0 : i32
        %dma_start3A_315 = arith.constant 0 : i32
        %dma_start3A_316 = tpu.memref_slice %arg6[%dma_start3A_313, %dma_start3A_314, %dma_start3A_315] : memref<16x32x128xf32, #tpu.memory_space<vmem>> -> memref<1x32x128xf32, #tpu.memory_space<vmem>>
        %dma_start3A_317 = tpu.memref_squeeze %dma_start3A_316 : memref<1x32x128xf32, #tpu.memory_space<vmem>> -> memref<32x128xf32, #tpu.memory_space<vmem>>
        %dma_start3A_318 = arith.constant 0 : i32
        %dma_start3A_319 = tpu.memref_slice %arg3[%dma_start3A_318, %multiple_of3A_312] : memref<32x1000001xf32, #tpu.memory_space<hbm>> -> memref<32x128xf32, #tpu.memory_space<hbm>>
        %dma_start3A_320 = arith.constant 0 : i32
        %dma_start3A_321 = arith.constant 0 : i32
        %dma_start3A_322 = tpu.memref_slice %arg6[%dma_start3A_313, %dma_start3A_320, %dma_start3A_321] : memref<16x32x128xf32, #tpu.memory_space<vmem>> -> memref<1x32x128xf32, #tpu.memory_space<vmem>>
        %dma_start3A_323 = tpu.memref_squeeze %dma_start3A_322 : memref<1x32x128xf32, #tpu.memory_space<vmem>> -> memref<32x128xf32, #tpu.memory_space<vmem>>
        %dma_start3A_324 = arith.constant 0 : i32
        %dma_start3A_325 = tpu.memref_slice %arg3[%dma_start3A_324, %multiple_of3A_312] : memref<32x1000001xf32, #tpu.memory_space<hbm>> -> memref<32x128xf32, #tpu.memory_space<hbm>>
        tpu.enqueue_dma source(%dma_start3A_325 : memref<32x128xf32, #tpu.memory_space<hbm>>) target(%dma_start3A_323 : memref<32x128xf32, #tpu.memory_space<vmem>>) target_semaphore(%arg8 : memref<!tpu.dma_semaphore, #tpu.memory_space<semaphore_mem>>)
        %add3A_326 = arith.constant 13 : i32
        %add3A_327 = arith.addi %mul3A_20, %add3A_326 : i32
        %get3A_328 = arith.index_cast %add3A_327 : i32 to index
        %get3A_329 = tpu.vector_load %arg5[%get3A_328] {strides = array<i32>} : memref<144xi32, #tpu.memory_space<vmem>>, vector<16xi32>,
        %slice3A_330 = vector.extract_strided_slice %get3A_329 {offsets = [0], sizes = [1], strides = [1]} : vector<16xi32> to vector<1xi32>
        %squeeze3A_331 = vector.extract %slice3A_330[0] : i32 from vector<1xi32>
        %shift_right_arithmetic3A_332 = arith.constant 7 : i32
        %shift_right_arithmetic3A_333 = arith.shrsi %squeeze3A_331, %shift_right_arithmetic3A_332 : i32
        %shift_left3A_334 = arith.constant 7 : i32
        %shift_left3A_335 = arith.shli %shift_right_arithmetic3A_333, %shift_left3A_334 : i32
        %multiple_of3A_336 = tpu.assume_multiple %shift_left3A_335, 128 : i32
        %dma_start3A_337 = arith.constant 13 : i32
        %dma_start3A_338 = arith.constant 0 : i32
        %dma_start3A_339 = arith.constant 0 : i32
        %dma_start3A_340 = tpu.memref_slice %arg6[%dma_start3A_337, %dma_start3A_338, %dma_start3A_339] : memref<16x32x128xf32, #tpu.memory_space<vmem>> -> memref<1x32x128xf32, #tpu.memory_space<vmem>>
        %dma_start3A_341 = tpu.memref_squeeze %dma_start3A_340 : memref<1x32x128xf32, #tpu.memory_space<vmem>> -> memref<32x128xf32, #tpu.memory_space<vmem>>
        %dma_start3A_342 = arith.constant 0 : i32
        %dma_start3A_343 = tpu.memref_slice %arg3[%dma_start3A_342, %multiple_of3A_336] : memref<32x1000001xf32, #tpu.memory_space<hbm>> -> memref<32x128xf32, #tpu.memory_space<hbm>>
        %dma_start3A_344 = arith.constant 0 : i32
        %dma_start3A_345 = arith.constant 0 : i32
        %dma_start3A_346 = tpu.memref_slice %arg6[%dma_start3A_337, %dma_start3A_344, %dma_start3A_345] : memref<16x32x128xf32, #tpu.memory_space<vmem>> -> memref<1x32x128xf32, #tpu.memory_space<vmem>>
        %dma_start3A_347 = tpu.memref_squeeze %dma_start3A_346 : memref<1x32x128xf32, #tpu.memory_space<vmem>> -> memref<32x128xf32, #tpu.memory_space<vmem>>
        %dma_start3A_348 = arith.constant 0 : i32
        %dma_start3A_349 = tpu.memref_slice %arg3[%dma_start3A_348, %multiple_of3A_336] : memref<32x1000001xf32, #tpu.memory_space<hbm>> -> memref<32x128xf32, #tpu.memory_space<hbm>>
        tpu.enqueue_dma source(%dma_start3A_349 : memref<32x128xf32, #tpu.memory_space<hbm>>) target(%dma_start3A_347 : memref<32x128xf32, #tpu.memory_space<vmem>>) target_semaphore(%arg8 : memref<!tpu.dma_semaphore, #tpu.memory_space<semaphore_mem>>)
        %add3A_350 = arith.constant 14 : i32
        %add3A_351 = arith.addi %mul3A_20, %add3A_350 : i32
        %get3A_352 = arith.index_cast %add3A_351 : i32 to index
        %get3A_353 = tpu.vector_load %arg5[%get3A_352] {strides = array<i32>} : memref<144xi32, #tpu.memory_space<vmem>>, vector<16xi32>,
        %slice3A_354 = vector.extract_strided_slice %get3A_353 {offsets = [0], sizes = [1], strides = [1]} : vector<16xi32> to vector<1xi32>
        %squeeze3A_355 = vector.extract %slice3A_354[0] : i32 from vector<1xi32>
        %shift_right_arithmetic3A_356 = arith.constant 7 : i32
        %shift_right_arithmetic3A_357 = arith.shrsi %squeeze3A_355, %shift_right_arithmetic3A_356 : i32
        %shift_left3A_358 = arith.constant 7 : i32
        %shift_left3A_359 = arith.shli %shift_right_arithmetic3A_357, %shift_left3A_358 : i32
        %multiple_of3A_360 = tpu.assume_multiple %shift_left3A_359, 128 : i32
        %dma_start3A_361 = arith.constant 14 : i32
        %dma_start3A_362 = arith.constant 0 : i32
        %dma_start3A_363 = arith.constant 0 : i32
        %dma_start3A_364 = tpu.memref_slice %arg6[%dma_start3A_361, %dma_start3A_362, %dma_start3A_363] : memref<16x32x128xf32, #tpu.memory_space<vmem>> -> memref<1x32x128xf32, #tpu.memory_space<vmem>>
        %dma_start3A_365 = tpu.memref_squeeze %dma_start3A_364 : memref<1x32x128xf32, #tpu.memory_space<vmem>> -> memref<32x128xf32, #tpu.memory_space<vmem>>
        %dma_start3A_366 = arith.constant 0 : i32
        %dma_start3A_367 = tpu.memref_slice %arg3[%dma_start3A_366, %multiple_of3A_360] : memref<32x1000001xf32, #tpu.memory_space<hbm>> -> memref<32x128xf32, #tpu.memory_space<hbm>>
        %dma_start3A_368 = arith.constant 0 : i32
        %dma_start3A_369 = arith.constant 0 : i32
        %dma_start3A_370 = tpu.memref_slice %arg6[%dma_start3A_361, %dma_start3A_368, %dma_start3A_369] : memref<16x32x128xf32, #tpu.memory_space<vmem>> -> memref<1x32x128xf32, #tpu.memory_space<vmem>>
        %dma_start3A_371 = tpu.memref_squeeze %dma_start3A_370 : memref<1x32x128xf32, #tpu.memory_space<vmem>> -> memref<32x128xf32, #tpu.memory_space<vmem>>
        %dma_start3A_372 = arith.constant 0 : i32
        %dma_start3A_373 = tpu.memref_slice %arg3[%dma_start3A_372, %multiple_of3A_360] : memref<32x1000001xf32, #tpu.memory_space<hbm>> -> memref<32x128xf32, #tpu.memory_space<hbm>>
        tpu.enqueue_dma source(%dma_start3A_373 : memref<32x128xf32, #tpu.memory_space<hbm>>) target(%dma_start3A_371 : memref<32x128xf32, #tpu.memory_space<vmem>>) target_semaphore(%arg8 : memref<!tpu.dma_semaphore, #tpu.memory_space<semaphore_mem>>)
        %add3A_374 = arith.constant 15 : i32
        %add3A_375 = arith.addi %mul3A_20, %add3A_374 : i32
        %get3A_376 = arith.index_cast %add3A_375 : i32 to index
        %get3A_377 = tpu.vector_load %arg5[%get3A_376] {strides = array<i32>} : memref<144xi32, #tpu.memory_space<vmem>>, vector<16xi32>,
        %slice3A_378 = vector.extract_strided_slice %get3A_377 {offsets = [0], sizes = [1], strides = [1]} : vector<16xi32> to vector<1xi32>
        %squeeze3A_379 = vector.extract %slice3A_378[0] : i32 from vector<1xi32>
        %shift_right_arithmetic3A_380 = arith.constant 7 : i32
        %shift_right_arithmetic3A_381 = arith.shrsi %squeeze3A_379, %shift_right_arithmetic3A_380 : i32
        %shift_left3A_382 = arith.constant 7 : i32
        %shift_left3A_383 = arith.shli %shift_right_arithmetic3A_381, %shift_left3A_382 : i32
        %multiple_of3A_384 = tpu.assume_multiple %shift_left3A_383, 128 : i32
        %dma_start3A_385 = arith.constant 15 : i32
        %dma_start3A_386 = arith.constant 0 : i32
        %dma_start3A_387 = arith.constant 0 : i32
        %dma_start3A_388 = tpu.memref_slice %arg6[%dma_start3A_385, %dma_start3A_386, %dma_start3A_387] : memref<16x32x128xf32, #tpu.memory_space<vmem>> -> memref<1x32x128xf32, #tpu.memory_space<vmem>>
        %dma_start3A_389 = tpu.memref_squeeze %dma_start3A_388 : memref<1x32x128xf32, #tpu.memory_space<vmem>> -> memref<32x128xf32, #tpu.memory_space<vmem>>
        %dma_start3A_390 = arith.constant 0 : i32
        %dma_start3A_391 = tpu.memref_slice %arg3[%dma_start3A_390, %multiple_of3A_384] : memref<32x1000001xf32, #tpu.memory_space<hbm>> -> memref<32x128xf32, #tpu.memory_space<hbm>>
        %dma_start3A_392 = arith.constant 0 : i32
        %dma_start3A_393 = arith.constant 0 : i32
        %dma_start3A_394 = tpu.memref_slice %arg6[%dma_start3A_385, %dma_start3A_392, %dma_start3A_393] : memref<16x32x128xf32, #tpu.memory_space<vmem>> -> memref<1x32x128xf32, #tpu.memory_space<vmem>>
        %dma_start3A_395 = tpu.memref_squeeze %dma_start3A_394 : memref<1x32x128xf32, #tpu.memory_space<vmem>> -> memref<32x128xf32, #tpu.memory_space<vmem>>
        %dma_start3A_396 = arith.constant 0 : i32
        %dma_start3A_397 = tpu.memref_slice %arg3[%dma_start3A_396, %multiple_of3A_384] : memref<32x1000001xf32, #tpu.memory_space<hbm>> -> memref<32x128xf32, #tpu.memory_space<hbm>>
        tpu.enqueue_dma source(%dma_start3A_397 : memref<32x128xf32, #tpu.memory_space<hbm>>) target(%dma_start3A_395 : memref<32x128xf32, #tpu.memory_space<vmem>>) target_semaphore(%arg8 : memref<!tpu.dma_semaphore, #tpu.memory_space<semaphore_mem>>)
        %dma_wait3A = arith.constant 0 : i32
        %dma_wait3A_398 = arith.constant 0 : i32
        %dma_wait3A_399 = arith.constant 0 : i32
        %dma_wait3A_400 = tpu.memref_slice %arg6[%dma_wait3A, %dma_wait3A_398, %dma_wait3A_399] : memref<16x32x128xf32, #tpu.memory_space<vmem>> -> memref<1x32x128xf32, #tpu.memory_space<vmem>>
        %dma_wait3A_401 = tpu.memref_squeeze %dma_wait3A_400 : memref<1x32x128xf32, #tpu.memory_space<vmem>> -> memref<32x128xf32, #tpu.memory_space<vmem>>
        %dma_wait3A_402 = arith.constant 0 : i32
        %dma_wait3A_403 = tpu.memref_slice %arg3[%dma_wait3A_402, %multiple_of3A] : memref<32x1000001xf32, #tpu.memory_space<hbm>> -> memref<32x128xf32, #tpu.memory_space<hbm>>
        %dma_wait3A_404 = arith.constant 0 : i32
        %dma_wait3A_405 = arith.constant 0 : i32
        %dma_wait3A_406 = tpu.memref_slice %arg6[%dma_wait3A, %dma_wait3A_404, %dma_wait3A_405] : memref<16x32x128xf32, #tpu.memory_space<vmem>> -> memref<1x32x128xf32, #tpu.memory_space<vmem>>
        %dma_wait3A_407 = tpu.memref_squeeze %dma_wait3A_406 : memref<1x32x128xf32, #tpu.memory_space<vmem>> -> memref<32x128xf32, #tpu.memory_space<vmem>>
        %dma_wait3A_408 = arith.constant 0 : i32
        %dma_wait3A_409 = tpu.memref_slice %arg3[%dma_wait3A_408, %multiple_of3A] : memref<32x1000001xf32, #tpu.memory_space<hbm>> -> memref<32x128xf32, #tpu.memory_space<hbm>>
        tpu.wait_dma2 semaphore(%arg8 : memref<!tpu.dma_semaphore, #tpu.memory_space<semaphore_mem>>) src(%dma_wait3A_409 : memref<32x128xf32, #tpu.memory_space<hbm>>) dst(%dma_wait3A_407 : memref<32x128xf32, #tpu.memory_space<vmem>>)
        %dma_wait3A_410 = arith.constant 1 : i32
        %dma_wait3A_411 = arith.constant 0 : i32
        %dma_wait3A_412 = arith.constant 0 : i32
        %dma_wait3A_413 = tpu.memref_slice %arg6[%dma_wait3A_410, %dma_wait3A_411, %dma_wait3A_412] : memref<16x32x128xf32, #tpu.memory_space<vmem>> -> memref<1x32x128xf32, #tpu.memory_space<vmem>>
        %dma_wait3A_414 = tpu.memref_squeeze %dma_wait3A_413 : memref<1x32x128xf32, #tpu.memory_space<vmem>> -> memref<32x128xf32, #tpu.memory_space<vmem>>
        %dma_wait3A_415 = arith.constant 0 : i32
        %dma_wait3A_416 = tpu.memref_slice %arg3[%dma_wait3A_415, %multiple_of3A_48] : memref<32x1000001xf32, #tpu.memory_space<hbm>> -> memref<32x128xf32, #tpu.memory_space<hbm>>
        %dma_wait3A_417 = arith.constant 0 : i32
        %dma_wait3A_418 = arith.constant 0 : i32
        %dma_wait3A_419 = tpu.memref_slice %arg6[%dma_wait3A_410, %dma_wait3A_417, %dma_wait3A_418] : memref<16x32x128xf32, #tpu.memory_space<vmem>> -> memref<1x32x128xf32, #tpu.memory_space<vmem>>
        %dma_wait3A_420 = tpu.memref_squeeze %dma_wait3A_419 : memref<1x32x128xf32, #tpu.memory_space<vmem>> -> memref<32x128xf32, #tpu.memory_space<vmem>>
        %dma_wait3A_421 = arith.constant 0 : i32
        %dma_wait3A_422 = tpu.memref_slice %arg3[%dma_wait3A_421, %multiple_of3A_48] : memref<32x1000001xf32, #tpu.memory_space<hbm>> -> memref<32x128xf32, #tpu.memory_space<hbm>>
        tpu.wait_dma2 semaphore(%arg8 : memref<!tpu.dma_semaphore, #tpu.memory_space<semaphore_mem>>) src(%dma_wait3A_422 : memref<32x128xf32, #tpu.memory_space<hbm>>) dst(%dma_wait3A_420 : memref<32x128xf32, #tpu.memory_space<vmem>>)
        %dma_wait3A_423 = arith.constant 2 : i32
        %dma_wait3A_424 = arith.constant 0 : i32
        %dma_wait3A_425 = arith.constant 0 : i32
        %dma_wait3A_426 = tpu.memref_slice %arg6[%dma_wait3A_423, %dma_wait3A_424, %dma_wait3A_425] : memref<16x32x128xf32, #tpu.memory_space<vmem>> -> memref<1x32x128xf32, #tpu.memory_space<vmem>>
        %dma_wait3A_427 = tpu.memref_squeeze %dma_wait3A_426 : memref<1x32x128xf32, #tpu.memory_space<vmem>> -> memref<32x128xf32, #tpu.memory_space<vmem>>
        %dma_wait3A_428 = arith.constant 0 : i32
        %dma_wait3A_429 = tpu.memref_slice %arg3[%dma_wait3A_428, %multiple_of3A_72] : memref<32x1000001xf32, #tpu.memory_space<hbm>> -> memref<32x128xf32, #tpu.memory_space<hbm>>
        %dma_wait3A_430 = arith.constant 0 : i32
        %dma_wait3A_431 = arith.constant 0 : i32
        %dma_wait3A_432 = tpu.memref_slice %arg6[%dma_wait3A_423, %dma_wait3A_430, %dma_wait3A_431] : memref<16x32x128xf32, #tpu.memory_space<vmem>> -> memref<1x32x128xf32, #tpu.memory_space<vmem>>
        %dma_wait3A_433 = tpu.memref_squeeze %dma_wait3A_432 : memref<1x32x128xf32, #tpu.memory_space<vmem>> -> memref<32x128xf32, #tpu.memory_space<vmem>>
        %dma_wait3A_434 = arith.constant 0 : i32
        %dma_wait3A_435 = tpu.memref_slice %arg3[%dma_wait3A_434, %multiple_of3A_72] : memref<32x1000001xf32, #tpu.memory_space<hbm>> -> memref<32x128xf32, #tpu.memory_space<hbm>>
        tpu.wait_dma2 semaphore(%arg8 : memref<!tpu.dma_semaphore, #tpu.memory_space<semaphore_mem>>) src(%dma_wait3A_435 : memref<32x128xf32, #tpu.memory_space<hbm>>) dst(%dma_wait3A_433 : memref<32x128xf32, #tpu.memory_space<vmem>>)
        %dma_wait3A_436 = arith.constant 3 : i32
        %dma_wait3A_437 = arith.constant 0 : i32
        %dma_wait3A_438 = arith.constant 0 : i32
        %dma_wait3A_439 = tpu.memref_slice %arg6[%dma_wait3A_436, %dma_wait3A_437, %dma_wait3A_438] : memref<16x32x128xf32, #tpu.memory_space<vmem>> -> memref<1x32x128xf32, #tpu.memory_space<vmem>>
        %dma_wait3A_440 = tpu.memref_squeeze %dma_wait3A_439 : memref<1x32x128xf32, #tpu.memory_space<vmem>> -> memref<32x128xf32, #tpu.memory_space<vmem>>
        %dma_wait3A_441 = arith.constant 0 : i32
        %dma_wait3A_442 = tpu.memref_slice %arg3[%dma_wait3A_441, %multiple_of3A_96] : memref<32x1000001xf32, #tpu.memory_space<hbm>> -> memref<32x128xf32, #tpu.memory_space<hbm>>
        %dma_wait3A_443 = arith.constant 0 : i32
        %dma_wait3A_444 = arith.constant 0 : i32
        %dma_wait3A_445 = tpu.memref_slice %arg6[%dma_wait3A_436, %dma_wait3A_443, %dma_wait3A_444] : memref<16x32x128xf32, #tpu.memory_space<vmem>> -> memref<1x32x128xf32, #tpu.memory_space<vmem>>
        %dma_wait3A_446 = tpu.memref_squeeze %dma_wait3A_445 : memref<1x32x128xf32, #tpu.memory_space<vmem>> -> memref<32x128xf32, #tpu.memory_space<vmem>>
        %dma_wait3A_447 = arith.constant 0 : i32
        %dma_wait3A_448 = tpu.memref_slice %arg3[%dma_wait3A_447, %multiple_of3A_96] : memref<32x1000001xf32, #tpu.memory_space<hbm>> -> memref<32x128xf32, #tpu.memory_space<hbm>>
        tpu.wait_dma2 semaphore(%arg8 : memref<!tpu.dma_semaphore, #tpu.memory_space<semaphore_mem>>) src(%dma_wait3A_448 : memref<32x128xf32, #tpu.memory_space<hbm>>) dst(%dma_wait3A_446 : memref<32x128xf32, #tpu.memory_space<vmem>>)
        %dma_wait3A_449 = arith.constant 4 : i32
        %dma_wait3A_450 = arith.constant 0 : i32
        %dma_wait3A_451 = arith.constant 0 : i32
        %dma_wait3A_452 = tpu.memref_slice %arg6[%dma_wait3A_449, %dma_wait3A_450, %dma_wait3A_451] : memref<16x32x128xf32, #tpu.memory_space<vmem>> -> memref<1x32x128xf32, #tpu.memory_space<vmem>>
        %dma_wait3A_453 = tpu.memref_squeeze %dma_wait3A_452 : memref<1x32x128xf32, #tpu.memory_space<vmem>> -> memref<32x128xf32, #tpu.memory_space<vmem>>
        %dma_wait3A_454 = arith.constant 0 : i32
        %dma_wait3A_455 = tpu.memref_slice %arg3[%dma_wait3A_454, %multiple_of3A_120] : memref<32x1000001xf32, #tpu.memory_space<hbm>> -> memref<32x128xf32, #tpu.memory_space<hbm>>
        %dma_wait3A_456 = arith.constant 0 : i32
        %dma_wait3A_457 = arith.constant 0 : i32
        %dma_wait3A_458 = tpu.memref_slice %arg6[%dma_wait3A_449, %dma_wait3A_456, %dma_wait3A_457] : memref<16x32x128xf32, #tpu.memory_space<vmem>> -> memref<1x32x128xf32, #tpu.memory_space<vmem>>
        %dma_wait3A_459 = tpu.memref_squeeze %dma_wait3A_458 : memref<1x32x128xf32, #tpu.memory_space<vmem>> -> memref<32x128xf32, #tpu.memory_space<vmem>>
        %dma_wait3A_460 = arith.constant 0 : i32
        %dma_wait3A_461 = tpu.memref_slice %arg3[%dma_wait3A_460, %multiple_of3A_120] : memref<32x1000001xf32, #tpu.memory_space<hbm>> -> memref<32x128xf32, #tpu.memory_space<hbm>>
        tpu.wait_dma2 semaphore(%arg8 : memref<!tpu.dma_semaphore, #tpu.memory_space<semaphore_mem>>) src(%dma_wait3A_461 : memref<32x128xf32, #tpu.memory_space<hbm>>) dst(%dma_wait3A_459 : memref<32x128xf32, #tpu.memory_space<vmem>>)
        %dma_wait3A_462 = arith.constant 5 : i32
        %dma_wait3A_463 = arith.constant 0 : i32
        %dma_wait3A_464 = arith.constant 0 : i32
        %dma_wait3A_465 = tpu.memref_slice %arg6[%dma_wait3A_462, %dma_wait3A_463, %dma_wait3A_464] : memref<16x32x128xf32, #tpu.memory_space<vmem>> -> memref<1x32x128xf32, #tpu.memory_space<vmem>>
        %dma_wait3A_466 = tpu.memref_squeeze %dma_wait3A_465 : memref<1x32x128xf32, #tpu.memory_space<vmem>> -> memref<32x128xf32, #tpu.memory_space<vmem>>
        %dma_wait3A_467 = arith.constant 0 : i32
        %dma_wait3A_468 = tpu.memref_slice %arg3[%dma_wait3A_467, %multiple_of3A_144] : memref<32x1000001xf32, #tpu.memory_space<hbm>> -> memref<32x128xf32, #tpu.memory_space<hbm>>
        %dma_wait3A_469 = arith.constant 0 : i32
        %dma_wait3A_470 = arith.constant 0 : i32
        %dma_wait3A_471 = tpu.memref_slice %arg6[%dma_wait3A_462, %dma_wait3A_469, %dma_wait3A_470] : memref<16x32x128xf32, #tpu.memory_space<vmem>> -> memref<1x32x128xf32, #tpu.memory_space<vmem>>
        %dma_wait3A_472 = tpu.memref_squeeze %dma_wait3A_471 : memref<1x32x128xf32, #tpu.memory_space<vmem>> -> memref<32x128xf32, #tpu.memory_space<vmem>>
        %dma_wait3A_473 = arith.constant 0 : i32
        %dma_wait3A_474 = tpu.memref_slice %arg3[%dma_wait3A_473, %multiple_of3A_144] : memref<32x1000001xf32, #tpu.memory_space<hbm>> -> memref<32x128xf32, #tpu.memory_space<hbm>>
        tpu.wait_dma2 semaphore(%arg8 : memref<!tpu.dma_semaphore, #tpu.memory_space<semaphore_mem>>) src(%dma_wait3A_474 : memref<32x128xf32, #tpu.memory_space<hbm>>) dst(%dma_wait3A_472 : memref<32x128xf32, #tpu.memory_space<vmem>>)
        %dma_wait3A_475 = arith.constant 6 : i32
        %dma_wait3A_476 = arith.constant 0 : i32
        %dma_wait3A_477 = arith.constant 0 : i32
        %dma_wait3A_478 = tpu.memref_slice %arg6[%dma_wait3A_475, %dma_wait3A_476, %dma_wait3A_477] : memref<16x32x128xf32, #tpu.memory_space<vmem>> -> memref<1x32x128xf32, #tpu.memory_space<vmem>>
        %dma_wait3A_479 = tpu.memref_squeeze %dma_wait3A_478 : memref<1x32x128xf32, #tpu.memory_space<vmem>> -> memref<32x128xf32, #tpu.memory_space<vmem>>
        %dma_wait3A_480 = arith.constant 0 : i32
        %dma_wait3A_481 = tpu.memref_slice %arg3[%dma_wait3A_480, %multiple_of3A_168] : memref<32x1000001xf32, #tpu.memory_space<hbm>> -> memref<32x128xf32, #tpu.memory_space<hbm>>
        %dma_wait3A_482 = arith.constant 0 : i32
        %dma_wait3A_483 = arith.constant 0 : i32
        %dma_wait3A_484 = tpu.memref_slice %arg6[%dma_wait3A_475, %dma_wait3A_482, %dma_wait3A_483] : memref<16x32x128xf32, #tpu.memory_space<vmem>> -> memref<1x32x128xf32, #tpu.memory_space<vmem>>
        %dma_wait3A_485 = tpu.memref_squeeze %dma_wait3A_484 : memref<1x32x128xf32, #tpu.memory_space<vmem>> -> memref<32x128xf32, #tpu.memory_space<vmem>>
        %dma_wait3A_486 = arith.constant 0 : i32
        %dma_wait3A_487 = tpu.memref_slice %arg3[%dma_wait3A_486, %multiple_of3A_168] : memref<32x1000001xf32, #tpu.memory_space<hbm>> -> memref<32x128xf32, #tpu.memory_space<hbm>>
        tpu.wait_dma2 semaphore(%arg8 : memref<!tpu.dma_semaphore, #tpu.memory_space<semaphore_mem>>) src(%dma_wait3A_487 : memref<32x128xf32, #tpu.memory_space<hbm>>) dst(%dma_wait3A_485 : memref<32x128xf32, #tpu.memory_space<vmem>>)
        %dma_wait3A_488 = arith.constant 7 : i32
        %dma_wait3A_489 = arith.constant 0 : i32
        %dma_wait3A_490 = arith.constant 0 : i32
        %dma_wait3A_491 = tpu.memref_slice %arg6[%dma_wait3A_488, %dma_wait3A_489, %dma_wait3A_490] : memref<16x32x128xf32, #tpu.memory_space<vmem>> -> memref<1x32x128xf32, #tpu.memory_space<vmem>>
        %dma_wait3A_492 = tpu.memref_squeeze %dma_wait3A_491 : memref<1x32x128xf32, #tpu.memory_space<vmem>> -> memref<32x128xf32, #tpu.memory_space<vmem>>
        %dma_wait3A_493 = arith.constant 0 : i32
        %dma_wait3A_494 = tpu.memref_slice %arg3[%dma_wait3A_493, %multiple_of3A_192] : memref<32x1000001xf32, #tpu.memory_space<hbm>> -> memref<32x128xf32, #tpu.memory_space<hbm>>
        %dma_wait3A_495 = arith.constant 0 : i32
        %dma_wait3A_496 = arith.constant 0 : i32
        %dma_wait3A_497 = tpu.memref_slice %arg6[%dma_wait3A_488, %dma_wait3A_495, %dma_wait3A_496] : memref<16x32x128xf32, #tpu.memory_space<vmem>> -> memref<1x32x128xf32, #tpu.memory_space<vmem>>
        %dma_wait3A_498 = tpu.memref_squeeze %dma_wait3A_497 : memref<1x32x128xf32, #tpu.memory_space<vmem>> -> memref<32x128xf32, #tpu.memory_space<vmem>>
        %dma_wait3A_499 = arith.constant 0 : i32
        %dma_wait3A_500 = tpu.memref_slice %arg3[%dma_wait3A_499, %multiple_of3A_192] : memref<32x1000001xf32, #tpu.memory_space<hbm>> -> memref<32x128xf32, #tpu.memory_space<hbm>>
        tpu.wait_dma2 semaphore(%arg8 : memref<!tpu.dma_semaphore, #tpu.memory_space<semaphore_mem>>) src(%dma_wait3A_500 : memref<32x128xf32, #tpu.memory_space<hbm>>) dst(%dma_wait3A_498 : memref<32x128xf32, #tpu.memory_space<vmem>>)
        %dma_wait3A_501 = arith.constant 8 : i32
        %dma_wait3A_502 = arith.constant 0 : i32
        %dma_wait3A_503 = arith.constant 0 : i32
        %dma_wait3A_504 = tpu.memref_slice %arg6[%dma_wait3A_501, %dma_wait3A_502, %dma_wait3A_503] : memref<16x32x128xf32, #tpu.memory_space<vmem>> -> memref<1x32x128xf32, #tpu.memory_space<vmem>>
        %dma_wait3A_505 = tpu.memref_squeeze %dma_wait3A_504 : memref<1x32x128xf32, #tpu.memory_space<vmem>> -> memref<32x128xf32, #tpu.memory_space<vmem>>
        %dma_wait3A_506 = arith.constant 0 : i32
        %dma_wait3A_507 = tpu.memref_slice %arg3[%dma_wait3A_506, %multiple_of3A_216] : memref<32x1000001xf32, #tpu.memory_space<hbm>> -> memref<32x128xf32, #tpu.memory_space<hbm>>
        %dma_wait3A_508 = arith.constant 0 : i32
        %dma_wait3A_509 = arith.constant 0 : i32
        %dma_wait3A_510 = tpu.memref_slice %arg6[%dma_wait3A_501, %dma_wait3A_508, %dma_wait3A_509] : memref<16x32x128xf32, #tpu.memory_space<vmem>> -> memref<1x32x128xf32, #tpu.memory_space<vmem>>
        %dma_wait3A_511 = tpu.memref_squeeze %dma_wait3A_510 : memref<1x32x128xf32, #tpu.memory_space<vmem>> -> memref<32x128xf32, #tpu.memory_space<vmem>>
        %dma_wait3A_512 = arith.constant 0 : i32
        %dma_wait3A_513 = tpu.memref_slice %arg3[%dma_wait3A_512, %multiple_of3A_216] : memref<32x1000001xf32, #tpu.memory_space<hbm>> -> memref<32x128xf32, #tpu.memory_space<hbm>>
        tpu.wait_dma2 semaphore(%arg8 : memref<!tpu.dma_semaphore, #tpu.memory_space<semaphore_mem>>) src(%dma_wait3A_513 : memref<32x128xf32, #tpu.memory_space<hbm>>) dst(%dma_wait3A_511 : memref<32x128xf32, #tpu.memory_space<vmem>>)
        %dma_wait3A_514 = arith.constant 9 : i32
        %dma_wait3A_515 = arith.constant 0 : i32
        %dma_wait3A_516 = arith.constant 0 : i32
        %dma_wait3A_517 = tpu.memref_slice %arg6[%dma_wait3A_514, %dma_wait3A_515, %dma_wait3A_516] : memref<16x32x128xf32, #tpu.memory_space<vmem>> -> memref<1x32x128xf32, #tpu.memory_space<vmem>>
        %dma_wait3A_518 = tpu.memref_squeeze %dma_wait3A_517 : memref<1x32x128xf32, #tpu.memory_space<vmem>> -> memref<32x128xf32, #tpu.memory_space<vmem>>
        %dma_wait3A_519 = arith.constant 0 : i32
        %dma_wait3A_520 = tpu.memref_slice %arg3[%dma_wait3A_519, %multiple_of3A_240] : memref<32x1000001xf32, #tpu.memory_space<hbm>> -> memref<32x128xf32, #tpu.memory_space<hbm>>
        %dma_wait3A_521 = arith.constant 0 : i32
        %dma_wait3A_522 = arith.constant 0 : i32
        %dma_wait3A_523 = tpu.memref_slice %arg6[%dma_wait3A_514, %dma_wait3A_521, %dma_wait3A_522] : memref<16x32x128xf32, #tpu.memory_space<vmem>> -> memref<1x32x128xf32, #tpu.memory_space<vmem>>
        %dma_wait3A_524 = tpu.memref_squeeze %dma_wait3A_523 : memref<1x32x128xf32, #tpu.memory_space<vmem>> -> memref<32x128xf32, #tpu.memory_space<vmem>>
        %dma_wait3A_525 = arith.constant 0 : i32
        %dma_wait3A_526 = tpu.memref_slice %arg3[%dma_wait3A_525, %multiple_of3A_240] : memref<32x1000001xf32, #tpu.memory_space<hbm>> -> memref<32x128xf32, #tpu.memory_space<hbm>>
        tpu.wait_dma2 semaphore(%arg8 : memref<!tpu.dma_semaphore, #tpu.memory_space<semaphore_mem>>) src(%dma_wait3A_526 : memref<32x128xf32, #tpu.memory_space<hbm>>) dst(%dma_wait3A_524 : memref<32x128xf32, #tpu.memory_space<vmem>>)
        %dma_wait3A_527 = arith.constant 10 : i32
        %dma_wait3A_528 = arith.constant 0 : i32
        %dma_wait3A_529 = arith.constant 0 : i32
        %dma_wait3A_530 = tpu.memref_slice %arg6[%dma_wait3A_527, %dma_wait3A_528, %dma_wait3A_529] : memref<16x32x128xf32, #tpu.memory_space<vmem>> -> memref<1x32x128xf32, #tpu.memory_space<vmem>>
        %dma_wait3A_531 = tpu.memref_squeeze %dma_wait3A_530 : memref<1x32x128xf32, #tpu.memory_space<vmem>> -> memref<32x128xf32, #tpu.memory_space<vmem>>
        %dma_wait3A_532 = arith.constant 0 : i32
        %dma_wait3A_533 = tpu.memref_slice %arg3[%dma_wait3A_532, %multiple_of3A_264] : memref<32x1000001xf32, #tpu.memory_space<hbm>> -> memref<32x128xf32, #tpu.memory_space<hbm>>
        %dma_wait3A_534 = arith.constant 0 : i32
        %dma_wait3A_535 = arith.constant 0 : i32
        %dma_wait3A_536 = tpu.memref_slice %arg6[%dma_wait3A_527, %dma_wait3A_534, %dma_wait3A_535] : memref<16x32x128xf32, #tpu.memory_space<vmem>> -> memref<1x32x128xf32, #tpu.memory_space<vmem>>
        %dma_wait3A_537 = tpu.memref_squeeze %dma_wait3A_536 : memref<1x32x128xf32, #tpu.memory_space<vmem>> -> memref<32x128xf32, #tpu.memory_space<vmem>>
        %dma_wait3A_538 = arith.constant 0 : i32
        %dma_wait3A_539 = tpu.memref_slice %arg3[%dma_wait3A_538, %multiple_of3A_264] : memref<32x1000001xf32, #tpu.memory_space<hbm>> -> memref<32x128xf32, #tpu.memory_space<hbm>>
        tpu.wait_dma2 semaphore(%arg8 : memref<!tpu.dma_semaphore, #tpu.memory_space<semaphore_mem>>) src(%dma_wait3A_539 : memref<32x128xf32, #tpu.memory_space<hbm>>) dst(%dma_wait3A_537 : memref<32x128xf32, #tpu.memory_space<vmem>>)
        %dma_wait3A_540 = arith.constant 11 : i32
        %dma_wait3A_541 = arith.constant 0 : i32
        %dma_wait3A_542 = arith.constant 0 : i32
        %dma_wait3A_543 = tpu.memref_slice %arg6[%dma_wait3A_540, %dma_wait3A_541, %dma_wait3A_542] : memref<16x32x128xf32, #tpu.memory_space<vmem>> -> memref<1x32x128xf32, #tpu.memory_space<vmem>>
        %dma_wait3A_544 = tpu.memref_squeeze %dma_wait3A_543 : memref<1x32x128xf32, #tpu.memory_space<vmem>> -> memref<32x128xf32, #tpu.memory_space<vmem>>
        %dma_wait3A_545 = arith.constant 0 : i32
        %dma_wait3A_546 = tpu.memref_slice %arg3[%dma_wait3A_545, %multiple_of3A_288] : memref<32x1000001xf32, #tpu.memory_space<hbm>> -> memref<32x128xf32, #tpu.memory_space<hbm>>
        %dma_wait3A_547 = arith.constant 0 : i32
        %dma_wait3A_548 = arith.constant 0 : i32
        %dma_wait3A_549 = tpu.memref_slice %arg6[%dma_wait3A_540, %dma_wait3A_547, %dma_wait3A_548] : memref<16x32x128xf32, #tpu.memory_space<vmem>> -> memref<1x32x128xf32, #tpu.memory_space<vmem>>
        %dma_wait3A_550 = tpu.memref_squeeze %dma_wait3A_549 : memref<1x32x128xf32, #tpu.memory_space<vmem>> -> memref<32x128xf32, #tpu.memory_space<vmem>>
        %dma_wait3A_551 = arith.constant 0 : i32
        %dma_wait3A_552 = tpu.memref_slice %arg3[%dma_wait3A_551, %multiple_of3A_288] : memref<32x1000001xf32, #tpu.memory_space<hbm>> -> memref<32x128xf32, #tpu.memory_space<hbm>>
        tpu.wait_dma2 semaphore(%arg8 : memref<!tpu.dma_semaphore, #tpu.memory_space<semaphore_mem>>) src(%dma_wait3A_552 : memref<32x128xf32, #tpu.memory_space<hbm>>) dst(%dma_wait3A_550 : memref<32x128xf32, #tpu.memory_space<vmem>>)
        %dma_wait3A_553 = arith.constant 12 : i32
        %dma_wait3A_554 = arith.constant 0 : i32
        %dma_wait3A_555 = arith.constant 0 : i32
        %dma_wait3A_556 = tpu.memref_slice %arg6[%dma_wait3A_553, %dma_wait3A_554, %dma_wait3A_555] : memref<16x32x128xf32, #tpu.memory_space<vmem>> -> memref<1x32x128xf32, #tpu.memory_space<vmem>>
        %dma_wait3A_557 = tpu.memref_squeeze %dma_wait3A_556 : memref<1x32x128xf32, #tpu.memory_space<vmem>> -> memref<32x128xf32, #tpu.memory_space<vmem>>
        %dma_wait3A_558 = arith.constant 0 : i32
        %dma_wait3A_559 = tpu.memref_slice %arg3[%dma_wait3A_558, %multiple_of3A_312] : memref<32x1000001xf32, #tpu.memory_space<hbm>> -> memref<32x128xf32, #tpu.memory_space<hbm>>
        %dma_wait3A_560 = arith.constant 0 : i32
        %dma_wait3A_561 = arith.constant 0 : i32
        %dma_wait3A_562 = tpu.memref_slice %arg6[%dma_wait3A_553, %dma_wait3A_560, %dma_wait3A_561] : memref<16x32x128xf32, #tpu.memory_space<vmem>> -> memref<1x32x128xf32, #tpu.memory_space<vmem>>
        %dma_wait3A_563 = tpu.memref_squeeze %dma_wait3A_562 : memref<1x32x128xf32, #tpu.memory_space<vmem>> -> memref<32x128xf32, #tpu.memory_space<vmem>>
        %dma_wait3A_564 = arith.constant 0 : i32
        %dma_wait3A_565 = tpu.memref_slice %arg3[%dma_wait3A_564, %multiple_of3A_312] : memref<32x1000001xf32, #tpu.memory_space<hbm>> -> memref<32x128xf32, #tpu.memory_space<hbm>>
        tpu.wait_dma2 semaphore(%arg8 : memref<!tpu.dma_semaphore, #tpu.memory_space<semaphore_mem>>) src(%dma_wait3A_565 : memref<32x128xf32, #tpu.memory_space<hbm>>) dst(%dma_wait3A_563 : memref<32x128xf32, #tpu.memory_space<vmem>>)
        %dma_wait3A_566 = arith.constant 13 : i32
        %dma_wait3A_567 = arith.constant 0 : i32
        %dma_wait3A_568 = arith.constant 0 : i32
        %dma_wait3A_569 = tpu.memref_slice %arg6[%dma_wait3A_566, %dma_wait3A_567, %dma_wait3A_568] : memref<16x32x128xf32, #tpu.memory_space<vmem>> -> memref<1x32x128xf32, #tpu.memory_space<vmem>>
        %dma_wait3A_570 = tpu.memref_squeeze %dma_wait3A_569 : memref<1x32x128xf32, #tpu.memory_space<vmem>> -> memref<32x128xf32, #tpu.memory_space<vmem>>
        %dma_wait3A_571 = arith.constant 0 : i32
        %dma_wait3A_572 = tpu.memref_slice %arg3[%dma_wait3A_571, %multiple_of3A_336] : memref<32x1000001xf32, #tpu.memory_space<hbm>> -> memref<32x128xf32, #tpu.memory_space<hbm>>
        %dma_wait3A_573 = arith.constant 0 : i32
        %dma_wait3A_574 = arith.constant 0 : i32
        %dma_wait3A_575 = tpu.memref_slice %arg6[%dma_wait3A_566, %dma_wait3A_573, %dma_wait3A_574] : memref<16x32x128xf32, #tpu.memory_space<vmem>> -> memref<1x32x128xf32, #tpu.memory_space<vmem>>
        %dma_wait3A_576 = tpu.memref_squeeze %dma_wait3A_575 : memref<1x32x128xf32, #tpu.memory_space<vmem>> -> memref<32x128xf32, #tpu.memory_space<vmem>>
        %dma_wait3A_577 = arith.constant 0 : i32
        %dma_wait3A_578 = tpu.memref_slice %arg3[%dma_wait3A_577, %multiple_of3A_336] : memref<32x1000001xf32, #tpu.memory_space<hbm>> -> memref<32x128xf32, #tpu.memory_space<hbm>>
        tpu.wait_dma2 semaphore(%arg8 : memref<!tpu.dma_semaphore, #tpu.memory_space<semaphore_mem>>) src(%dma_wait3A_578 : memref<32x128xf32, #tpu.memory_space<hbm>>) dst(%dma_wait3A_576 : memref<32x128xf32, #tpu.memory_space<vmem>>)
        %dma_wait3A_579 = arith.constant 14 : i32
        %dma_wait3A_580 = arith.constant 0 : i32
        %dma_wait3A_581 = arith.constant 0 : i32
        %dma_wait3A_582 = tpu.memref_slice %arg6[%dma_wait3A_579, %dma_wait3A_580, %dma_wait3A_581] : memref<16x32x128xf32, #tpu.memory_space<vmem>> -> memref<1x32x128xf32, #tpu.memory_space<vmem>>
        %dma_wait3A_583 = tpu.memref_squeeze %dma_wait3A_582 : memref<1x32x128xf32, #tpu.memory_space<vmem>> -> memref<32x128xf32, #tpu.memory_space<vmem>>
        %dma_wait3A_584 = arith.constant 0 : i32
        %dma_wait3A_585 = tpu.memref_slice %arg3[%dma_wait3A_584, %multiple_of3A_360] : memref<32x1000001xf32, #tpu.memory_space<hbm>> -> memref<32x128xf32, #tpu.memory_space<hbm>>
        %dma_wait3A_586 = arith.constant 0 : i32
        %dma_wait3A_587 = arith.constant 0 : i32
        %dma_wait3A_588 = tpu.memref_slice %arg6[%dma_wait3A_579, %dma_wait3A_586, %dma_wait3A_587] : memref<16x32x128xf32, #tpu.memory_space<vmem>> -> memref<1x32x128xf32, #tpu.memory_space<vmem>>
        %dma_wait3A_589 = tpu.memref_squeeze %dma_wait3A_588 : memref<1x32x128xf32, #tpu.memory_space<vmem>> -> memref<32x128xf32, #tpu.memory_space<vmem>>
        %dma_wait3A_590 = arith.constant 0 : i32
        %dma_wait3A_591 = tpu.memref_slice %arg3[%dma_wait3A_590, %multiple_of3A_360] : memref<32x1000001xf32, #tpu.memory_space<hbm>> -> memref<32x128xf32, #tpu.memory_space<hbm>>
        tpu.wait_dma2 semaphore(%arg8 : memref<!tpu.dma_semaphore, #tpu.memory_space<semaphore_mem>>) src(%dma_wait3A_591 : memref<32x128xf32, #tpu.memory_space<hbm>>) dst(%dma_wait3A_589 : memref<32x128xf32, #tpu.memory_space<vmem>>)
        %dma_wait3A_592 = arith.constant 15 : i32
        %dma_wait3A_593 = arith.constant 0 : i32
        %dma_wait3A_594 = arith.constant 0 : i32
        %dma_wait3A_595 = tpu.memref_slice %arg6[%dma_wait3A_592, %dma_wait3A_593, %dma_wait3A_594] : memref<16x32x128xf32, #tpu.memory_space<vmem>> -> memref<1x32x128xf32, #tpu.memory_space<vmem>>
        %dma_wait3A_596 = tpu.memref_squeeze %dma_wait3A_595 : memref<1x32x128xf32, #tpu.memory_space<vmem>> -> memref<32x128xf32, #tpu.memory_space<vmem>>
        %dma_wait3A_597 = arith.constant 0 : i32
        %dma_wait3A_598 = tpu.memref_slice %arg3[%dma_wait3A_597, %multiple_of3A_384] : memref<32x1000001xf32, #tpu.memory_space<hbm>> -> memref<32x128xf32, #tpu.memory_space<hbm>>
        %dma_wait3A_599 = arith.constant 0 : i32
        %dma_wait3A_600 = arith.constant 0 : i32
        %dma_wait3A_601 = tpu.memref_slice %arg6[%dma_wait3A_592, %dma_wait3A_599, %dma_wait3A_600] : memref<16x32x128xf32, #tpu.memory_space<vmem>> -> memref<1x32x128xf32, #tpu.memory_space<vmem>>
        %dma_wait3A_602 = tpu.memref_squeeze %dma_wait3A_601 : memref<1x32x128xf32, #tpu.memory_space<vmem>> -> memref<32x128xf32, #tpu.memory_space<vmem>>
        %dma_wait3A_603 = arith.constant 0 : i32
        %dma_wait3A_604 = tpu.memref_slice %arg3[%dma_wait3A_603, %multiple_of3A_384] : memref<32x1000001xf32, #tpu.memory_space<hbm>> -> memref<32x128xf32, #tpu.memory_space<hbm>>
        tpu.wait_dma2 semaphore(%arg8 : memref<!tpu.dma_semaphore, #tpu.memory_space<semaphore_mem>>) src(%dma_wait3A_604 : memref<32x128xf32, #tpu.memory_space<hbm>>) dst(%dma_wait3A_602 : memref<32x128xf32, #tpu.memory_space<vmem>>)
        %and3A = arith.constant 127 : i32
        %and3A_605 = arith.andi %squeeze3A, %and3A : i32
        %broadcast_in_dim3A = vector.broadcast %and3A_605 : i32 to vector<16xi32>
        %broadcast_in_dim3A_606 = arith.constant 0 : i32
        %broadcast_in_dim3A_607 = vector.broadcast %broadcast_in_dim3A_606 : i32 to vector<16xi32>
        %gather3A = tpu.vector_load_idx %arg6[%broadcast_in_dim3A_607, %iota3A, %broadcast_in_dim3A] : memref<16x32x128xf32, #tpu.memory_space<vmem>>[vector<16xi32>, vector<16xi32>, vector<16xi32>], vector<16xf32>,
        %add3A_608 = arith.constant 16 : i32
        %add3A_609 = vector.broadcast %add3A_608 : i32 to vector<16xi32>
        %add3A_610 = arith.addi %add3A_609, %iota3A : vector<16xi32>
        %gather3A_611 = tpu.vector_load_idx %arg6[%broadcast_in_dim3A_607, %add3A_610, %broadcast_in_dim3A] : memref<16x32x128xf32, #tpu.memory_space<vmem>>[vector<16xi32>, vector<16xi32>, vector<16xi32>], vector<16xf32>,
        %add3A_612 = arith.constant 0 : i32
        %add3A_613 = arith.addi %mul3A_20, %add3A_612 : i32
        %swap3A = arith.index_cast %add3A_613 : i32 to index
        %swap3A_614 = arith.constant 0 : index
        %swap3A_615 = tpu.vector_load %arg7[%swap3A, %swap3A_614] {strides = array<i32>} : memref<128x32xf32, #tpu.memory_space<vmem>>, vector<16xf32>,
        tpu.vector_store %arg7[%swap3A, %swap3A_614], %gather3A {strides = array<i32>} : memref<128x32xf32, #tpu.memory_space<vmem>>, vector<16xf32>,
        %add3A_616 = arith.constant 0 : i32
        %add3A_617 = arith.addi %mul3A_20, %add3A_616 : i32
        %swap3A_618 = arith.index_cast %add3A_617 : i32 to index
        %swap3A_619 = arith.constant 16 : index
        %swap3A_620 = tpu.vector_load %arg7[%swap3A_618, %swap3A_619] {strides = array<i32>} : memref<128x32xf32, #tpu.memory_space<vmem>>, vector<16xf32>,
        tpu.vector_store %arg7[%swap3A_618, %swap3A_619], %gather3A_611 {strides = array<i32>} : memref<128x32xf32, #tpu.memory_space<vmem>>, vector<16xf32>,
        %and3A_621 = arith.constant 127 : i32
        %and3A_622 = arith.andi %squeeze3A_43, %and3A_621 : i32
        %broadcast_in_dim3A_623 = vector.broadcast %and3A_622 : i32 to vector<16xi32>
        %broadcast_in_dim3A_624 = arith.constant 1 : i32
        %broadcast_in_dim3A_625 = vector.broadcast %broadcast_in_dim3A_624 : i32 to vector<16xi32>
        %gather3A_626 = tpu.vector_load_idx %arg6[%broadcast_in_dim3A_625, %iota3A, %broadcast_in_dim3A_623] : memref<16x32x128xf32, #tpu.memory_space<vmem>>[vector<16xi32>, vector<16xi32>, vector<16xi32>], vector<16xf32>,
        %add3A_627 = arith.constant 16 : i32
        %add3A_628 = vector.broadcast %add3A_627 : i32 to vector<16xi32>
        %add3A_629 = arith.addi %add3A_628, %iota3A : vector<16xi32>
        %gather3A_630 = tpu.vector_load_idx %arg6[%broadcast_in_dim3A_625, %add3A_629, %broadcast_in_dim3A_623] : memref<16x32x128xf32, #tpu.memory_space<vmem>>[vector<16xi32>, vector<16xi32>, vector<16xi32>], vector<16xf32>,
        %add3A_631 = arith.constant 1 : i32
        %add3A_632 = arith.addi %mul3A_20, %add3A_631 : i32
        %swap3A_633 = arith.index_cast %add3A_632 : i32 to index
        %swap3A_634 = arith.constant 0 : index
        %swap3A_635 = tpu.vector_load %arg7[%swap3A_633, %swap3A_634] {strides = array<i32>} : memref<128x32xf32, #tpu.memory_space<vmem>>, vector<16xf32>,
        tpu.vector_store %arg7[%swap3A_633, %swap3A_634], %gather3A_626 {strides = array<i32>} : memref<128x32xf32, #tpu.memory_space<vmem>>, vector<16xf32>,
        %add3A_636 = arith.constant 1 : i32
        %add3A_637 = arith.addi %mul3A_20, %add3A_636 : i32
        %swap3A_638 = arith.index_cast %add3A_637 : i32 to index
        %swap3A_639 = arith.constant 16 : index
        %swap3A_640 = tpu.vector_load %arg7[%swap3A_638, %swap3A_639] {strides = array<i32>} : memref<128x32xf32, #tpu.memory_space<vmem>>, vector<16xf32>,
        tpu.vector_store %arg7[%swap3A_638, %swap3A_639], %gather3A_630 {strides = array<i32>} : memref<128x32xf32, #tpu.memory_space<vmem>>, vector<16xf32>,
        %and3A_641 = arith.constant 127 : i32
        %and3A_642 = arith.andi %squeeze3A_67, %and3A_641 : i32
        %broadcast_in_dim3A_643 = vector.broadcast %and3A_642 : i32 to vector<16xi32>
        %broadcast_in_dim3A_644 = arith.constant 2 : i32
        %broadcast_in_dim3A_645 = vector.broadcast %broadcast_in_dim3A_644 : i32 to vector<16xi32>
        %gather3A_646 = tpu.vector_load_idx %arg6[%broadcast_in_dim3A_645, %iota3A, %broadcast_in_dim3A_643] : memref<16x32x128xf32, #tpu.memory_space<vmem>>[vector<16xi32>, vector<16xi32>, vector<16xi32>], vector<16xf32>,
        %add3A_647 = arith.constant 16 : i32
        %add3A_648 = vector.broadcast %add3A_647 : i32 to vector<16xi32>
        %add3A_649 = arith.addi %add3A_648, %iota3A : vector<16xi32>
        %gather3A_650 = tpu.vector_load_idx %arg6[%broadcast_in_dim3A_645, %add3A_649, %broadcast_in_dim3A_643] : memref<16x32x128xf32, #tpu.memory_space<vmem>>[vector<16xi32>, vector<16xi32>, vector<16xi32>], vector<16xf32>,
        %add3A_651 = arith.constant 2 : i32
        %add3A_652 = arith.addi %mul3A_20, %add3A_651 : i32
        %swap3A_653 = arith.index_cast %add3A_652 : i32 to index
        %swap3A_654 = arith.constant 0 : index
        %swap3A_655 = tpu.vector_load %arg7[%swap3A_653, %swap3A_654] {strides = array<i32>} : memref<128x32xf32, #tpu.memory_space<vmem>>, vector<16xf32>,
        tpu.vector_store %arg7[%swap3A_653, %swap3A_654], %gather3A_646 {strides = array<i32>} : memref<128x32xf32, #tpu.memory_space<vmem>>, vector<16xf32>,
        %add3A_656 = arith.constant 2 : i32
        %add3A_657 = arith.addi %mul3A_20, %add3A_656 : i32
        %swap3A_658 = arith.index_cast %add3A_657 : i32 to index
        %swap3A_659 = arith.constant 16 : index
        %swap3A_660 = tpu.vector_load %arg7[%swap3A_658, %swap3A_659] {strides = array<i32>} : memref<128x32xf32, #tpu.memory_space<vmem>>, vector<16xf32>,
        tpu.vector_store %arg7[%swap3A_658, %swap3A_659], %gather3A_650 {strides = array<i32>} : memref<128x32xf32, #tpu.memory_space<vmem>>, vector<16xf32>,
        %and3A_661 = arith.constant 127 : i32
        %and3A_662 = arith.andi %squeeze3A_91, %and3A_661 : i32
        %broadcast_in_dim3A_663 = vector.broadcast %and3A_662 : i32 to vector<16xi32>
        %broadcast_in_dim3A_664 = arith.constant 3 : i32
        %broadcast_in_dim3A_665 = vector.broadcast %broadcast_in_dim3A_664 : i32 to vector<16xi32>
        %gather3A_666 = tpu.vector_load_idx %arg6[%broadcast_in_dim3A_665, %iota3A, %broadcast_in_dim3A_663] : memref<16x32x128xf32, #tpu.memory_space<vmem>>[vector<16xi32>, vector<16xi32>, vector<16xi32>], vector<16xf32>,
        %add3A_667 = arith.constant 16 : i32
        %add3A_668 = vector.broadcast %add3A_667 : i32 to vector<16xi32>
        %add3A_669 = arith.addi %add3A_668, %iota3A : vector<16xi32>
        %gather3A_670 = tpu.vector_load_idx %arg6[%broadcast_in_dim3A_665, %add3A_669, %broadcast_in_dim3A_663] : memref<16x32x128xf32, #tpu.memory_space<vmem>>[vector<16xi32>, vector<16xi32>, vector<16xi32>], vector<16xf32>,
        %add3A_671 = arith.constant 3 : i32
        %add3A_672 = arith.addi %mul3A_20, %add3A_671 : i32
        %swap3A_673 = arith.index_cast %add3A_672 : i32 to index
        %swap3A_674 = arith.constant 0 : index
        %swap3A_675 = tpu.vector_load %arg7[%swap3A_673, %swap3A_674] {strides = array<i32>} : memref<128x32xf32, #tpu.memory_space<vmem>>, vector<16xf32>,
        tpu.vector_store %arg7[%swap3A_673, %swap3A_674], %gather3A_666 {strides = array<i32>} : memref<128x32xf32, #tpu.memory_space<vmem>>, vector<16xf32>,
        %add3A_676 = arith.constant 3 : i32
        %add3A_677 = arith.addi %mul3A_20, %add3A_676 : i32
        %swap3A_678 = arith.index_cast %add3A_677 : i32 to index
        %swap3A_679 = arith.constant 16 : index
        %swap3A_680 = tpu.vector_load %arg7[%swap3A_678, %swap3A_679] {strides = array<i32>} : memref<128x32xf32, #tpu.memory_space<vmem>>, vector<16xf32>,
        tpu.vector_store %arg7[%swap3A_678, %swap3A_679], %gather3A_670 {strides = array<i32>} : memref<128x32xf32, #tpu.memory_space<vmem>>, vector<16xf32>,
        %and3A_681 = arith.constant 127 : i32
        %and3A_682 = arith.andi %squeeze3A_115, %and3A_681 : i32
        %broadcast_in_dim3A_683 = vector.broadcast %and3A_682 : i32 to vector<16xi32>
        %broadcast_in_dim3A_684 = arith.constant 4 : i32
        %broadcast_in_dim3A_685 = vector.broadcast %broadcast_in_dim3A_684 : i32 to vector<16xi32>
        %gather3A_686 = tpu.vector_load_idx %arg6[%broadcast_in_dim3A_685, %iota3A, %broadcast_in_dim3A_683] : memref<16x32x128xf32, #tpu.memory_space<vmem>>[vector<16xi32>, vector<16xi32>, vector<16xi32>], vector<16xf32>,
        %add3A_687 = arith.constant 16 : i32
        %add3A_688 = vector.broadcast %add3A_687 : i32 to vector<16xi32>
        %add3A_689 = arith.addi %add3A_688, %iota3A : vector<16xi32>
        %gather3A_690 = tpu.vector_load_idx %arg6[%broadcast_in_dim3A_685, %add3A_689, %broadcast_in_dim3A_683] : memref<16x32x128xf32, #tpu.memory_space<vmem>>[vector<16xi32>, vector<16xi32>, vector<16xi32>], vector<16xf32>,
        %add3A_691 = arith.constant 4 : i32
        %add3A_692 = arith.addi %mul3A_20, %add3A_691 : i32
        %swap3A_693 = arith.index_cast %add3A_692 : i32 to index
        %swap3A_694 = arith.constant 0 : index
        %swap3A_695 = tpu.vector_load %arg7[%swap3A_693, %swap3A_694] {strides = array<i32>} : memref<128x32xf32, #tpu.memory_space<vmem>>, vector<16xf32>,
        tpu.vector_store %arg7[%swap3A_693, %swap3A_694], %gather3A_686 {strides = array<i32>} : memref<128x32xf32, #tpu.memory_space<vmem>>, vector<16xf32>,
        %add3A_696 = arith.constant 4 : i32
        %add3A_697 = arith.addi %mul3A_20, %add3A_696 : i32
        %swap3A_698 = arith.index_cast %add3A_697 : i32 to index
        %swap3A_699 = arith.constant 16 : index
        %swap3A_700 = tpu.vector_load %arg7[%swap3A_698, %swap3A_699] {strides = array<i32>} : memref<128x32xf32, #tpu.memory_space<vmem>>, vector<16xf32>,
        tpu.vector_store %arg7[%swap3A_698, %swap3A_699], %gather3A_690 {strides = array<i32>} : memref<128x32xf32, #tpu.memory_space<vmem>>, vector<16xf32>,
        %and3A_701 = arith.constant 127 : i32
        %and3A_702 = arith.andi %squeeze3A_139, %and3A_701 : i32
        %broadcast_in_dim3A_703 = vector.broadcast %and3A_702 : i32 to vector<16xi32>
        %broadcast_in_dim3A_704 = arith.constant 5 : i32
        %broadcast_in_dim3A_705 = vector.broadcast %broadcast_in_dim3A_704 : i32 to vector<16xi32>
        %gather3A_706 = tpu.vector_load_idx %arg6[%broadcast_in_dim3A_705, %iota3A, %broadcast_in_dim3A_703] : memref<16x32x128xf32, #tpu.memory_space<vmem>>[vector<16xi32>, vector<16xi32>, vector<16xi32>], vector<16xf32>,
        %add3A_707 = arith.constant 16 : i32
        %add3A_708 = vector.broadcast %add3A_707 : i32 to vector<16xi32>
        %add3A_709 = arith.addi %add3A_708, %iota3A : vector<16xi32>
        %gather3A_710 = tpu.vector_load_idx %arg6[%broadcast_in_dim3A_705, %add3A_709, %broadcast_in_dim3A_703] : memref<16x32x128xf32, #tpu.memory_space<vmem>>[vector<16xi32>, vector<16xi32>, vector<16xi32>], vector<16xf32>,
        %add3A_711 = arith.constant 5 : i32
        %add3A_712 = arith.addi %mul3A_20, %add3A_711 : i32
        %swap3A_713 = arith.index_cast %add3A_712 : i32 to index
        %swap3A_714 = arith.constant 0 : index
        %swap3A_715 = tpu.vector_load %arg7[%swap3A_713, %swap3A_714] {strides = array<i32>} : memref<128x32xf32, #tpu.memory_space<vmem>>, vector<16xf32>,
        tpu.vector_store %arg7[%swap3A_713, %swap3A_714], %gather3A_706 {strides = array<i32>} : memref<128x32xf32, #tpu.memory_space<vmem>>, vector<16xf32>,
        %add3A_716 = arith.constant 5 : i32
        %add3A_717 = arith.addi %mul3A_20, %add3A_716 : i32
        %swap3A_718 = arith.index_cast %add3A_717 : i32 to index
        %swap3A_719 = arith.constant 16 : index
        %swap3A_720 = tpu.vector_load %arg7[%swap3A_718, %swap3A_719] {strides = array<i32>} : memref<128x32xf32, #tpu.memory_space<vmem>>, vector<16xf32>,
        tpu.vector_store %arg7[%swap3A_718, %swap3A_719], %gather3A_710 {strides = array<i32>} : memref<128x32xf32, #tpu.memory_space<vmem>>, vector<16xf32>,
        %and3A_721 = arith.constant 127 : i32
        %and3A_722 = arith.andi %squeeze3A_163, %and3A_721 : i32
        %broadcast_in_dim3A_723 = vector.broadcast %and3A_722 : i32 to vector<16xi32>
        %broadcast_in_dim3A_724 = arith.constant 6 : i32
        %broadcast_in_dim3A_725 = vector.broadcast %broadcast_in_dim3A_724 : i32 to vector<16xi32>
        %gather3A_726 = tpu.vector_load_idx %arg6[%broadcast_in_dim3A_725, %iota3A, %broadcast_in_dim3A_723] : memref<16x32x128xf32, #tpu.memory_space<vmem>>[vector<16xi32>, vector<16xi32>, vector<16xi32>], vector<16xf32>,
        %add3A_727 = arith.constant 16 : i32
        %add3A_728 = vector.broadcast %add3A_727 : i32 to vector<16xi32>
        %add3A_729 = arith.addi %add3A_728, %iota3A : vector<16xi32>
        %gather3A_730 = tpu.vector_load_idx %arg6[%broadcast_in_dim3A_725, %add3A_729, %broadcast_in_dim3A_723] : memref<16x32x128xf32, #tpu.memory_space<vmem>>[vector<16xi32>, vector<16xi32>, vector<16xi32>], vector<16xf32>,
        %add3A_731 = arith.constant 6 : i32
        %add3A_732 = arith.addi %mul3A_20, %add3A_731 : i32
        %swap3A_733 = arith.index_cast %add3A_732 : i32 to index
        %swap3A_734 = arith.constant 0 : index
        %swap3A_735 = tpu.vector_load %arg7[%swap3A_733, %swap3A_734] {strides = array<i32>} : memref<128x32xf32, #tpu.memory_space<vmem>>, vector<16xf32>,
        tpu.vector_store %arg7[%swap3A_733, %swap3A_734], %gather3A_726 {strides = array<i32>} : memref<128x32xf32, #tpu.memory_space<vmem>>, vector<16xf32>,
        %add3A_736 = arith.constant 6 : i32
        %add3A_737 = arith.addi %mul3A_20, %add3A_736 : i32
        %swap3A_738 = arith.index_cast %add3A_737 : i32 to index
        %swap3A_739 = arith.constant 16 : index
        %swap3A_740 = tpu.vector_load %arg7[%swap3A_738, %swap3A_739] {strides = array<i32>} : memref<128x32xf32, #tpu.memory_space<vmem>>, vector<16xf32>,
        tpu.vector_store %arg7[%swap3A_738, %swap3A_739], %gather3A_730 {strides = array<i32>} : memref<128x32xf32, #tpu.memory_space<vmem>>, vector<16xf32>,
        %and3A_741 = arith.constant 127 : i32
        %and3A_742 = arith.andi %squeeze3A_187, %and3A_741 : i32
        %broadcast_in_dim3A_743 = vector.broadcast %and3A_742 : i32 to vector<16xi32>
        %broadcast_in_dim3A_744 = arith.constant 7 : i32
        %broadcast_in_dim3A_745 = vector.broadcast %broadcast_in_dim3A_744 : i32 to vector<16xi32>
        %gather3A_746 = tpu.vector_load_idx %arg6[%broadcast_in_dim3A_745, %iota3A, %broadcast_in_dim3A_743] : memref<16x32x128xf32, #tpu.memory_space<vmem>>[vector<16xi32>, vector<16xi32>, vector<16xi32>], vector<16xf32>,
        %add3A_747 = arith.constant 16 : i32
        %add3A_748 = vector.broadcast %add3A_747 : i32 to vector<16xi32>
        %add3A_749 = arith.addi %add3A_748, %iota3A : vector<16xi32>
        %gather3A_750 = tpu.vector_load_idx %arg6[%broadcast_in_dim3A_745, %add3A_749, %broadcast_in_dim3A_743] : memref<16x32x128xf32, #tpu.memory_space<vmem>>[vector<16xi32>, vector<16xi32>, vector<16xi32>], vector<16xf32>,
        %add3A_751 = arith.constant 7 : i32
        %add3A_752 = arith.addi %mul3A_20, %add3A_751 : i32
        %swap3A_753 = arith.index_cast %add3A_752 : i32 to index
        %swap3A_754 = arith.constant 0 : index
        %swap3A_755 = tpu.vector_load %arg7[%swap3A_753, %swap3A_754] {strides = array<i32>} : memref<128x32xf32, #tpu.memory_space<vmem>>, vector<16xf32>,
        tpu.vector_store %arg7[%swap3A_753, %swap3A_754], %gather3A_746 {strides = array<i32>} : memref<128x32xf32, #tpu.memory_space<vmem>>, vector<16xf32>,
        %add3A_756 = arith.constant 7 : i32
        %add3A_757 = arith.addi %mul3A_20, %add3A_756 : i32
        %swap3A_758 = arith.index_cast %add3A_757 : i32 to index
        %swap3A_759 = arith.constant 16 : index
        %swap3A_760 = tpu.vector_load %arg7[%swap3A_758, %swap3A_759] {strides = array<i32>} : memref<128x32xf32, #tpu.memory_space<vmem>>, vector<16xf32>,
        tpu.vector_store %arg7[%swap3A_758, %swap3A_759], %gather3A_750 {strides = array<i32>} : memref<128x32xf32, #tpu.memory_space<vmem>>, vector<16xf32>,
        %and3A_761 = arith.constant 127 : i32
        %and3A_762 = arith.andi %squeeze3A_211, %and3A_761 : i32
        %broadcast_in_dim3A_763 = vector.broadcast %and3A_762 : i32 to vector<16xi32>
        %broadcast_in_dim3A_764 = arith.constant 8 : i32
        %broadcast_in_dim3A_765 = vector.broadcast %broadcast_in_dim3A_764 : i32 to vector<16xi32>
        %gather3A_766 = tpu.vector_load_idx %arg6[%broadcast_in_dim3A_765, %iota3A, %broadcast_in_dim3A_763] : memref<16x32x128xf32, #tpu.memory_space<vmem>>[vector<16xi32>, vector<16xi32>, vector<16xi32>], vector<16xf32>,
        %add3A_767 = arith.constant 16 : i32
        %add3A_768 = vector.broadcast %add3A_767 : i32 to vector<16xi32>
        %add3A_769 = arith.addi %add3A_768, %iota3A : vector<16xi32>
        %gather3A_770 = tpu.vector_load_idx %arg6[%broadcast_in_dim3A_765, %add3A_769, %broadcast_in_dim3A_763] : memref<16x32x128xf32, #tpu.memory_space<vmem>>[vector<16xi32>, vector<16xi32>, vector<16xi32>], vector<16xf32>,
        %add3A_771 = arith.constant 8 : i32
        %add3A_772 = arith.addi %mul3A_20, %add3A_771 : i32
        %swap3A_773 = arith.index_cast %add3A_772 : i32 to index
        %swap3A_774 = arith.constant 0 : index
        %swap3A_775 = tpu.vector_load %arg7[%swap3A_773, %swap3A_774] {strides = array<i32>} : memref<128x32xf32, #tpu.memory_space<vmem>>, vector<16xf32>,
        tpu.vector_store %arg7[%swap3A_773, %swap3A_774], %gather3A_766 {strides = array<i32>} : memref<128x32xf32, #tpu.memory_space<vmem>>, vector<16xf32>,
        %add3A_776 = arith.constant 8 : i32
        %add3A_777 = arith.addi %mul3A_20, %add3A_776 : i32
        %swap3A_778 = arith.index_cast %add3A_777 : i32 to index
        %swap3A_779 = arith.constant 16 : index
        %swap3A_780 = tpu.vector_load %arg7[%swap3A_778, %swap3A_779] {strides = array<i32>} : memref<128x32xf32, #tpu.memory_space<vmem>>, vector<16xf32>,
        tpu.vector_store %arg7[%swap3A_778, %swap3A_779], %gather3A_770 {strides = array<i32>} : memref<128x32xf32, #tpu.memory_space<vmem>>, vector<16xf32>,
        %and3A_781 = arith.constant 127 : i32
        %and3A_782 = arith.andi %squeeze3A_235, %and3A_781 : i32
        %broadcast_in_dim3A_783 = vector.broadcast %and3A_782 : i32 to vector<16xi32>
        %broadcast_in_dim3A_784 = arith.constant 9 : i32
        %broadcast_in_dim3A_785 = vector.broadcast %broadcast_in_dim3A_784 : i32 to vector<16xi32>
        %gather3A_786 = tpu.vector_load_idx %arg6[%broadcast_in_dim3A_785, %iota3A, %broadcast_in_dim3A_783] : memref<16x32x128xf32, #tpu.memory_space<vmem>>[vector<16xi32>, vector<16xi32>, vector<16xi32>], vector<16xf32>,
        %add3A_787 = arith.constant 16 : i32
        %add3A_788 = vector.broadcast %add3A_787 : i32 to vector<16xi32>
        %add3A_789 = arith.addi %add3A_788, %iota3A : vector<16xi32>
        %gather3A_790 = tpu.vector_load_idx %arg6[%broadcast_in_dim3A_785, %add3A_789, %broadcast_in_dim3A_783] : memref<16x32x128xf32, #tpu.memory_space<vmem>>[vector<16xi32>, vector<16xi32>, vector<16xi32>], vector<16xf32>,
        %add3A_791 = arith.constant 9 : i32
        %add3A_792 = arith.addi %mul3A_20, %add3A_791 : i32
        %swap3A_793 = arith.index_cast %add3A_792 : i32 to index
        %swap3A_794 = arith.constant 0 : index
        %swap3A_795 = tpu.vector_load %arg7[%swap3A_793, %swap3A_794] {strides = array<i32>} : memref<128x32xf32, #tpu.memory_space<vmem>>, vector<16xf32>,
        tpu.vector_store %arg7[%swap3A_793, %swap3A_794], %gather3A_786 {strides = array<i32>} : memref<128x32xf32, #tpu.memory_space<vmem>>, vector<16xf32>,
        %add3A_796 = arith.constant 9 : i32
        %add3A_797 = arith.addi %mul3A_20, %add3A_796 : i32
        %swap3A_798 = arith.index_cast %add3A_797 : i32 to index
        %swap3A_799 = arith.constant 16 : index
        %swap3A_800 = tpu.vector_load %arg7[%swap3A_798, %swap3A_799] {strides = array<i32>} : memref<128x32xf32, #tpu.memory_space<vmem>>, vector<16xf32>,
        tpu.vector_store %arg7[%swap3A_798, %swap3A_799], %gather3A_790 {strides = array<i32>} : memref<128x32xf32, #tpu.memory_space<vmem>>, vector<16xf32>,
        %and3A_801 = arith.constant 127 : i32
        %and3A_802 = arith.andi %squeeze3A_259, %and3A_801 : i32
        %broadcast_in_dim3A_803 = vector.broadcast %and3A_802 : i32 to vector<16xi32>
        %broadcast_in_dim3A_804 = arith.constant 10 : i32
        %broadcast_in_dim3A_805 = vector.broadcast %broadcast_in_dim3A_804 : i32 to vector<16xi32>
        %gather3A_806 = tpu.vector_load_idx %arg6[%broadcast_in_dim3A_805, %iota3A, %broadcast_in_dim3A_803] : memref<16x32x128xf32, #tpu.memory_space<vmem>>[vector<16xi32>, vector<16xi32>, vector<16xi32>], vector<16xf32>,
        %add3A_807 = arith.constant 16 : i32
        %add3A_808 = vector.broadcast %add3A_807 : i32 to vector<16xi32>
        %add3A_809 = arith.addi %add3A_808, %iota3A : vector<16xi32>
        %gather3A_810 = tpu.vector_load_idx %arg6[%broadcast_in_dim3A_805, %add3A_809, %broadcast_in_dim3A_803] : memref<16x32x128xf32, #tpu.memory_space<vmem>>[vector<16xi32>, vector<16xi32>, vector<16xi32>], vector<16xf32>,
        %add3A_811 = arith.constant 10 : i32
        %add3A_812 = arith.addi %mul3A_20, %add3A_811 : i32
        %swap3A_813 = arith.index_cast %add3A_812 : i32 to index
        %swap3A_814 = arith.constant 0 : index
        %swap3A_815 = tpu.vector_load %arg7[%swap3A_813, %swap3A_814] {strides = array<i32>} : memref<128x32xf32, #tpu.memory_space<vmem>>, vector<16xf32>,
        tpu.vector_store %arg7[%swap3A_813, %swap3A_814], %gather3A_806 {strides = array<i32>} : memref<128x32xf32, #tpu.memory_space<vmem>>, vector<16xf32>,
        %add3A_816 = arith.constant 10 : i32
        %add3A_817 = arith.addi %mul3A_20, %add3A_816 : i32
        %swap3A_818 = arith.index_cast %add3A_817 : i32 to index
        %swap3A_819 = arith.constant 16 : index
        %swap3A_820 = tpu.vector_load %arg7[%swap3A_818, %swap3A_819] {strides = array<i32>} : memref<128x32xf32, #tpu.memory_space<vmem>>, vector<16xf32>,
        tpu.vector_store %arg7[%swap3A_818, %swap3A_819], %gather3A_810 {strides = array<i32>} : memref<128x32xf32, #tpu.memory_space<vmem>>, vector<16xf32>,
        %and3A_821 = arith.constant 127 : i32
        %and3A_822 = arith.andi %squeeze3A_283, %and3A_821 : i32
        %broadcast_in_dim3A_823 = vector.broadcast %and3A_822 : i32 to vector<16xi32>
        %broadcast_in_dim3A_824 = arith.constant 11 : i32
        %broadcast_in_dim3A_825 = vector.broadcast %broadcast_in_dim3A_824 : i32 to vector<16xi32>
        %gather3A_826 = tpu.vector_load_idx %arg6[%broadcast_in_dim3A_825, %iota3A, %broadcast_in_dim3A_823] : memref<16x32x128xf32, #tpu.memory_space<vmem>>[vector<16xi32>, vector<16xi32>, vector<16xi32>], vector<16xf32>,
        %add3A_827 = arith.constant 16 : i32
        %add3A_828 = vector.broadcast %add3A_827 : i32 to vector<16xi32>
        %add3A_829 = arith.addi %add3A_828, %iota3A : vector<16xi32>
        %gather3A_830 = tpu.vector_load_idx %arg6[%broadcast_in_dim3A_825, %add3A_829, %broadcast_in_dim3A_823] : memref<16x32x128xf32, #tpu.memory_space<vmem>>[vector<16xi32>, vector<16xi32>, vector<16xi32>], vector<16xf32>,
        %add3A_831 = arith.constant 11 : i32
        %add3A_832 = arith.addi %mul3A_20, %add3A_831 : i32
        %swap3A_833 = arith.index_cast %add3A_832 : i32 to index
        %swap3A_834 = arith.constant 0 : index
        %swap3A_835 = tpu.vector_load %arg7[%swap3A_833, %swap3A_834] {strides = array<i32>} : memref<128x32xf32, #tpu.memory_space<vmem>>, vector<16xf32>,
        tpu.vector_store %arg7[%swap3A_833, %swap3A_834], %gather3A_826 {strides = array<i32>} : memref<128x32xf32, #tpu.memory_space<vmem>>, vector<16xf32>,
        %add3A_836 = arith.constant 11 : i32
        %add3A_837 = arith.addi %mul3A_20, %add3A_836 : i32
        %swap3A_838 = arith.index_cast %add3A_837 : i32 to index
        %swap3A_839 = arith.constant 16 : index
        %swap3A_840 = tpu.vector_load %arg7[%swap3A_838, %swap3A_839] {strides = array<i32>} : memref<128x32xf32, #tpu.memory_space<vmem>>, vector<16xf32>,
        tpu.vector_store %arg7[%swap3A_838, %swap3A_839], %gather3A_830 {strides = array<i32>} : memref<128x32xf32, #tpu.memory_space<vmem>>, vector<16xf32>,
        %and3A_841 = arith.constant 127 : i32
        %and3A_842 = arith.andi %squeeze3A_307, %and3A_841 : i32
        %broadcast_in_dim3A_843 = vector.broadcast %and3A_842 : i32 to vector<16xi32>
        %broadcast_in_dim3A_844 = arith.constant 12 : i32
        %broadcast_in_dim3A_845 = vector.broadcast %broadcast_in_dim3A_844 : i32 to vector<16xi32>
        %gather3A_846 = tpu.vector_load_idx %arg6[%broadcast_in_dim3A_845, %iota3A, %broadcast_in_dim3A_843] : memref<16x32x128xf32, #tpu.memory_space<vmem>>[vector<16xi32>, vector<16xi32>, vector<16xi32>], vector<16xf32>,
        %add3A_847 = arith.constant 16 : i32
        %add3A_848 = vector.broadcast %add3A_847 : i32 to vector<16xi32>
        %add3A_849 = arith.addi %add3A_848, %iota3A : vector<16xi32>
        %gather3A_850 = tpu.vector_load_idx %arg6[%broadcast_in_dim3A_845, %add3A_849, %broadcast_in_dim3A_843] : memref<16x32x128xf32, #tpu.memory_space<vmem>>[vector<16xi32>, vector<16xi32>, vector<16xi32>], vector<16xf32>,
        %add3A_851 = arith.constant 12 : i32
        %add3A_852 = arith.addi %mul3A_20, %add3A_851 : i32
        %swap3A_853 = arith.index_cast %add3A_852 : i32 to index
        %swap3A_854 = arith.constant 0 : index
        %swap3A_855 = tpu.vector_load %arg7[%swap3A_853, %swap3A_854] {strides = array<i32>} : memref<128x32xf32, #tpu.memory_space<vmem>>, vector<16xf32>,
        tpu.vector_store %arg7[%swap3A_853, %swap3A_854], %gather3A_846 {strides = array<i32>} : memref<128x32xf32, #tpu.memory_space<vmem>>, vector<16xf32>,
        %add3A_856 = arith.constant 12 : i32
        %add3A_857 = arith.addi %mul3A_20, %add3A_856 : i32
        %swap3A_858 = arith.index_cast %add3A_857 : i32 to index
        %swap3A_859 = arith.constant 16 : index
        %swap3A_860 = tpu.vector_load %arg7[%swap3A_858, %swap3A_859] {strides = array<i32>} : memref<128x32xf32, #tpu.memory_space<vmem>>, vector<16xf32>,
        tpu.vector_store %arg7[%swap3A_858, %swap3A_859], %gather3A_850 {strides = array<i32>} : memref<128x32xf32, #tpu.memory_space<vmem>>, vector<16xf32>,
        %and3A_861 = arith.constant 127 : i32
        %and3A_862 = arith.andi %squeeze3A_331, %and3A_861 : i32
        %broadcast_in_dim3A_863 = vector.broadcast %and3A_862 : i32 to vector<16xi32>
        %broadcast_in_dim3A_864 = arith.constant 13 : i32
        %broadcast_in_dim3A_865 = vector.broadcast %broadcast_in_dim3A_864 : i32 to vector<16xi32>
        %gather3A_866 = tpu.vector_load_idx %arg6[%broadcast_in_dim3A_865, %iota3A, %broadcast_in_dim3A_863] : memref<16x32x128xf32, #tpu.memory_space<vmem>>[vector<16xi32>, vector<16xi32>, vector<16xi32>], vector<16xf32>,
        %add3A_867 = arith.constant 16 : i32
        %add3A_868 = vector.broadcast %add3A_867 : i32 to vector<16xi32>
        %add3A_869 = arith.addi %add3A_868, %iota3A : vector<16xi32>
        %gather3A_870 = tpu.vector_load_idx %arg6[%broadcast_in_dim3A_865, %add3A_869, %broadcast_in_dim3A_863] : memref<16x32x128xf32, #tpu.memory_space<vmem>>[vector<16xi32>, vector<16xi32>, vector<16xi32>], vector<16xf32>,
        %add3A_871 = arith.constant 13 : i32
        %add3A_872 = arith.addi %mul3A_20, %add3A_871 : i32
        %swap3A_873 = arith.index_cast %add3A_872 : i32 to index
        %swap3A_874 = arith.constant 0 : index
        %swap3A_875 = tpu.vector_load %arg7[%swap3A_873, %swap3A_874] {strides = array<i32>} : memref<128x32xf32, #tpu.memory_space<vmem>>, vector<16xf32>,
        tpu.vector_store %arg7[%swap3A_873, %swap3A_874], %gather3A_866 {strides = array<i32>} : memref<128x32xf32, #tpu.memory_space<vmem>>, vector<16xf32>,
        %add3A_876 = arith.constant 13 : i32
        %add3A_877 = arith.addi %mul3A_20, %add3A_876 : i32
        %swap3A_878 = arith.index_cast %add3A_877 : i32 to index
        %swap3A_879 = arith.constant 16 : index
        %swap3A_880 = tpu.vector_load %arg7[%swap3A_878, %swap3A_879] {strides = array<i32>} : memref<128x32xf32, #tpu.memory_space<vmem>>, vector<16xf32>,
        tpu.vector_store %arg7[%swap3A_878, %swap3A_879], %gather3A_870 {strides = array<i32>} : memref<128x32xf32, #tpu.memory_space<vmem>>, vector<16xf32>,
        %and3A_881 = arith.constant 127 : i32
        %and3A_882 = arith.andi %squeeze3A_355, %and3A_881 : i32
        %broadcast_in_dim3A_883 = vector.broadcast %and3A_882 : i32 to vector<16xi32>
        %broadcast_in_dim3A_884 = arith.constant 14 : i32
        %broadcast_in_dim3A_885 = vector.broadcast %broadcast_in_dim3A_884 : i32 to vector<16xi32>
        %gather3A_886 = tpu.vector_load_idx %arg6[%broadcast_in_dim3A_885, %iota3A, %broadcast_in_dim3A_883] : memref<16x32x128xf32, #tpu.memory_space<vmem>>[vector<16xi32>, vector<16xi32>, vector<16xi32>], vector<16xf32>,
        %add3A_887 = arith.constant 16 : i32
        %add3A_888 = vector.broadcast %add3A_887 : i32 to vector<16xi32>
        %add3A_889 = arith.addi %add3A_888, %iota3A : vector<16xi32>
        %gather3A_890 = tpu.vector_load_idx %arg6[%broadcast_in_dim3A_885, %add3A_889, %broadcast_in_dim3A_883] : memref<16x32x128xf32, #tpu.memory_space<vmem>>[vector<16xi32>, vector<16xi32>, vector<16xi32>], vector<16xf32>,
        %add3A_891 = arith.constant 14 : i32
        %add3A_892 = arith.addi %mul3A_20, %add3A_891 : i32
        %swap3A_893 = arith.index_cast %add3A_892 : i32 to index
        %swap3A_894 = arith.constant 0 : index
        %swap3A_895 = tpu.vector_load %arg7[%swap3A_893, %swap3A_894] {strides = array<i32>} : memref<128x32xf32, #tpu.memory_space<vmem>>, vector<16xf32>,
        tpu.vector_store %arg7[%swap3A_893, %swap3A_894], %gather3A_886 {strides = array<i32>} : memref<128x32xf32, #tpu.memory_space<vmem>>, vector<16xf32>,
        %add3A_896 = arith.constant 14 : i32
        %add3A_897 = arith.addi %mul3A_20, %add3A_896 : i32
        %swap3A_898 = arith.index_cast %add3A_897 : i32 to index
        %swap3A_899 = arith.constant 16 : index
        %swap3A_900 = tpu.vector_load %arg7[%swap3A_898, %swap3A_899] {strides = array<i32>} : memref<128x32xf32, #tpu.memory_space<vmem>>, vector<16xf32>,
        tpu.vector_store %arg7[%swap3A_898, %swap3A_899], %gather3A_890 {strides = array<i32>} : memref<128x32xf32, #tpu.memory_space<vmem>>, vector<16xf32>,
        %and3A_901 = arith.constant 127 : i32
        %and3A_902 = arith.andi %squeeze3A_379, %and3A_901 : i32
        %broadcast_in_dim3A_903 = vector.broadcast %and3A_902 : i32 to vector<16xi32>
        %broadcast_in_dim3A_904 = arith.constant 15 : i32
        %broadcast_in_dim3A_905 = vector.broadcast %broadcast_in_dim3A_904 : i32 to vector<16xi32>
        %gather3A_906 = tpu.vector_load_idx %arg6[%broadcast_in_dim3A_905, %iota3A, %broadcast_in_dim3A_903] : memref<16x32x128xf32, #tpu.memory_space<vmem>>[vector<16xi32>, vector<16xi32>, vector<16xi32>], vector<16xf32>,
        %add3A_907 = arith.constant 16 : i32
        %add3A_908 = vector.broadcast %add3A_907 : i32 to vector<16xi32>
        %add3A_909 = arith.addi %add3A_908, %iota3A : vector<16xi32>
        %gather3A_910 = tpu.vector_load_idx %arg6[%broadcast_in_dim3A_905, %add3A_909, %broadcast_in_dim3A_903] : memref<16x32x128xf32, #tpu.memory_space<vmem>>[vector<16xi32>, vector<16xi32>, vector<16xi32>], vector<16xf32>,
        %add3A_911 = arith.constant 15 : i32
        %add3A_912 = arith.addi %mul3A_20, %add3A_911 : i32
        %swap3A_913 = arith.index_cast %add3A_912 : i32 to index
        %swap3A_914 = arith.constant 0 : index
        %swap3A_915 = tpu.vector_load %arg7[%swap3A_913, %swap3A_914] {strides = array<i32>} : memref<128x32xf32, #tpu.memory_space<vmem>>, vector<16xf32>,
        tpu.vector_store %arg7[%swap3A_913, %swap3A_914], %gather3A_906 {strides = array<i32>} : memref<128x32xf32, #tpu.memory_space<vmem>>, vector<16xf32>,
        %add3A_916 = arith.constant 15 : i32
        %add3A_917 = arith.addi %mul3A_20, %add3A_916 : i32
        %swap3A_918 = arith.index_cast %add3A_917 : i32 to index
        %swap3A_919 = arith.constant 16 : index
        %swap3A_920 = tpu.vector_load %arg7[%swap3A_918, %swap3A_919] {strides = array<i32>} : memref<128x32xf32, #tpu.memory_space<vmem>>, vector<16xf32>,
        tpu.vector_store %arg7[%swap3A_918, %swap3A_919], %gather3A_910 {strides = array<i32>} : memref<128x32xf32, #tpu.memory_space<vmem>>, vector<16xf32>,
      }
      %scan3A_17 = arith.constant 8 : i32
      "tpu.region"() ({
        %run_scoped3A = tpu.sem_alloc : memref<!tpu.dma_semaphore, #tpu.memory_space<semaphore_mem>>
        %dma_start3A = arith.constant 0 : i32
        %dma_start3A_18 = tpu.memref_slice %arg4[%add3A_11, %dma_start3A] : memref<16384x32xf32, #tpu.memory_space<hbm>> -> memref<128x32xf32, #tpu.memory_space<hbm>>
        %dma_start3A_19 = arith.constant 0 : i32
        %dma_start3A_20 = tpu.memref_slice %arg4[%add3A_11, %dma_start3A_19] : memref<16384x32xf32, #tpu.memory_space<hbm>> -> memref<128x32xf32, #tpu.memory_space<hbm>>
        tpu.enqueue_dma source(%arg7 : memref<128x32xf32, #tpu.memory_space<vmem>>) target(%dma_start3A_20 : memref<128x32xf32, #tpu.memory_space<hbm>>) target_semaphore(%run_scoped3A : memref<!tpu.dma_semaphore, #tpu.memory_space<semaphore_mem>>)
        %dma_wait3A = arith.constant 0 : i32
        %dma_wait3A_21 = tpu.memref_slice %arg4[%add3A_11, %dma_wait3A] : memref<16384x32xf32, #tpu.memory_space<hbm>> -> memref<128x32xf32, #tpu.memory_space<hbm>>
        %dma_wait3A_22 = arith.constant 0 : i32
        %dma_wait3A_23 = tpu.memref_slice %arg4[%add3A_11, %dma_wait3A_22] : memref<16384x32xf32, #tpu.memory_space<hbm>> -> memref<128x32xf32, #tpu.memory_space<hbm>>
        tpu.wait_dma2 semaphore(%run_scoped3A : memref<!tpu.dma_semaphore, #tpu.memory_space<semaphore_mem>>) src(%arg7 : memref<128x32xf32, #tpu.memory_space<vmem>>) dst(%dma_wait3A_23 : memref<128x32xf32, #tpu.memory_space<hbm>>)
        tpu.yield
      }) : () -> ()
    }
    %scan3A_7 = arith.constant 4 : i32
    return
  }
}

#map = affine_map<(d0, d1) -> (0, 0)>
#map1 = affine_map<(d0, d1) -> (0)>
module attributes {stable_mosaic.version = 14 : i64} {
  func.func @_pre_body(%arg0: i32, %arg1: i32, %arg2: memref<16384x32xf32, #tpu.memory_space<hbm>>, %arg3: memref<16384xi32, #tpu.memory_space<hbm>>, %arg4: memref<16384xf32, #tpu.memory_space<hbm>>, %arg5: memref<16384xi32, #tpu.memory_space<hbm>>, %arg6: memref<65536xi32, #tpu.memory_space<hbm>>, %arg7: memref<16384xi32, #tpu.memory_space<hbm>>, %arg8: memref<65536xi32, #tpu.memory_space<hbm>>, %arg9: memref<1001x32xf32, #tpu.memory_space<hbm>>, %arg10: memref<1001x32xf32, #tpu.memory_space<hbm>>, %arg11: memref<10000x32xf32, #tpu.memory_space<hbm>>, %arg12: memref<101x32xf32, #tpu.memory_space<hbm>>, %arg13: memref<10000x32xf32, #tpu.memory_space<hbm>>, %arg14: memref<16xf32, #tpu.memory_space<hbm>>, %arg15: memref<16xf32, #tpu.memory_space<hbm>>, %arg16: memref<16384x193xf32, #tpu.memory_space<hbm>>, %arg17: memref<128xi32, #tpu.memory_space<vmem>>, %arg18: memref<128xi32, #tpu.memory_space<vmem>>, %arg19: memref<128xi32, #tpu.memory_space<vmem>>, %arg20: memref<144xf32, #tpu.memory_space<vmem>>, %arg21: memref<528xi32, #tpu.memory_space<vmem>>, %arg22: memref<528xi32, #tpu.memory_space<vmem>>, %arg23: memref<128x32xf32, #tpu.memory_space<vmem>>, %arg24: memref<128x32xf32, #tpu.memory_space<vmem>>, %arg25: memref<128x32xf32, #tpu.memory_space<vmem>>, %arg26: memref<128x32xf32, #tpu.memory_space<vmem>>, %arg27: memref<512x32xf32, #tpu.memory_space<vmem>>, %arg28: memref<512x32xf32, #tpu.memory_space<vmem>>, %arg29: memref<128x193xf32, #tpu.memory_space<vmem>>, %arg30: memref<16xf32, #tpu.memory_space<vmem>>, %arg31: memref<16xf32, #tpu.memory_space<vmem>>, %arg32: memref<!tpu.dma_semaphore, #tpu.memory_space<semaphore_mem>>) attributes {dimension_semantics = [#tpu.dimension_semantics<core_parallel>, #tpu.dimension_semantics<subcore_parallel>], iteration_bounds = array<i64: 2, 16>, scalar_prefetch = 0 : i64, scratch_operands = 16 : i64, tpu.core_type = #tpu.core_type<sc_vector_subcore>, window_params = [{transform_indices = #map}, {transform_indices = #map1}, {transform_indices = #map1}, {transform_indices = #map1}, {transform_indices = #map1}, {transform_indices = #map1}, {transform_indices = #map1}, {transform_indices = #map}, {transform_indices = #map}, {transform_indices = #map}, {transform_indices = #map}, {transform_indices = #map}, {transform_indices = #map1}, {transform_indices = #map1}, {transform_indices = #map}]} {
    %mul3A = arith.constant 2 : i32
    %mul3A_0 = arith.muli %arg1, %mul3A : i32
    %add3A = arith.addi %mul3A_0, %arg0 : i32
    %mul3A_1 = arith.constant 512 : i32
    %mul3A_2 = arith.muli %add3A, %mul3A_1 : i32
    "tpu.region"() ({
      %run_scoped3A = tpu.sem_alloc : memref<!tpu.dma_semaphore, #tpu.memory_space<semaphore_mem>>
      tpu.enqueue_dma source(%arg14 : memref<16xf32, #tpu.memory_space<hbm>>) target(%arg30 : memref<16xf32, #tpu.memory_space<vmem>>) target_semaphore(%run_scoped3A : memref<!tpu.dma_semaphore, #tpu.memory_space<semaphore_mem>>)
      tpu.wait_dma2 semaphore(%run_scoped3A : memref<!tpu.dma_semaphore, #tpu.memory_space<semaphore_mem>>) src(%arg14 : memref<16xf32, #tpu.memory_space<hbm>>) dst(%arg30 : memref<16xf32, #tpu.memory_space<vmem>>)
      tpu.yield
    }) : () -> ()
    "tpu.region"() ({
      %run_scoped3A = tpu.sem_alloc : memref<!tpu.dma_semaphore, #tpu.memory_space<semaphore_mem>>
      tpu.enqueue_dma source(%arg15 : memref<16xf32, #tpu.memory_space<hbm>>) target(%arg31 : memref<16xf32, #tpu.memory_space<vmem>>) target_semaphore(%run_scoped3A : memref<!tpu.dma_semaphore, #tpu.memory_space<semaphore_mem>>)
      tpu.wait_dma2 semaphore(%run_scoped3A : memref<!tpu.dma_semaphore, #tpu.memory_space<semaphore_mem>>) src(%arg15 : memref<16xf32, #tpu.memory_space<hbm>>) dst(%arg31 : memref<16xf32, #tpu.memory_space<vmem>>)
      tpu.yield
    }) : () -> ()
    %get3A = arith.constant 0 : index
    %get3A_3 = tpu.vector_load %arg30[%get3A] {strides = array<i32>} : memref<16xf32, #tpu.memory_space<vmem>>, vector<16xf32>,
    %get3A_4 = vector.shape_cast %get3A_3 : vector<16xf32> to vector<16xf32>
    %slice3A = vector.extract_strided_slice %get3A_4 {offsets = [0], sizes = [1], strides = [1]} : vector<16xf32> to vector<1xf32>
    %squeeze3A = vector.extract %slice3A[0] : f32 from vector<1xf32>
    %get3A_5 = arith.constant 0 : index
    %get3A_6 = tpu.vector_load %arg31[%get3A_5] {strides = array<i32>} : memref<16xf32, #tpu.memory_space<vmem>>, vector<16xf32>,
    %get3A_7 = vector.shape_cast %get3A_6 : vector<16xf32> to vector<16xf32>
    %slice3A_8 = vector.extract_strided_slice %get3A_7 {offsets = [0], sizes = [1], strides = [1]} : vector<16xf32> to vector<1xf32>
    %squeeze3A_9 = vector.extract %slice3A_8[0] : f32 from vector<1xf32>
    %scan3A = arith.constant 0 : i32
    %scan3A_10 = arith.constant 0 : i32
    %scan3A_11 = arith.constant 4 : i32
    %scan3A_12 = arith.addi %scan3A_10, %scan3A_11 : i32
    %scan3A_13 = arith.constant 1 : i32
    scf.for %scan3A_15 = %scan3A_10 to %scan3A_12 step %scan3A_13  : i32 {
      %mul3A_16 = arith.constant 128 : i32
      %mul3A_17 = arith.muli %scan3A_15, %mul3A_16 : i32
      %add3A_18 = arith.addi %mul3A_2, %mul3A_17 : i32
      "tpu.region"() ({
        %run_scoped3A = tpu.sem_alloc : memref<!tpu.dma_semaphore, #tpu.memory_space<semaphore_mem>>
        %dma_start3A_169 = arith.constant 0 : i32
        %dma_start3A_170 = tpu.memref_slice %arg2[%add3A_18, %dma_start3A_169] : memref<16384x32xf32, #tpu.memory_space<hbm>> -> memref<128x32xf32, #tpu.memory_space<hbm>>
        %dma_start3A_171 = arith.constant 0 : i32
        %dma_start3A_172 = tpu.memref_slice %arg2[%add3A_18, %dma_start3A_171] : memref<16384x32xf32, #tpu.memory_space<hbm>> -> memref<128x32xf32, #tpu.memory_space<hbm>>
        tpu.enqueue_dma source(%dma_start3A_172 : memref<128x32xf32, #tpu.memory_space<hbm>>) target(%arg23 : memref<128x32xf32, #tpu.memory_space<vmem>>) target_semaphore(%run_scoped3A : memref<!tpu.dma_semaphore, #tpu.memory_space<semaphore_mem>>)
        %dma_wait3A_173 = arith.constant 0 : i32
        %dma_wait3A_174 = tpu.memref_slice %arg2[%add3A_18, %dma_wait3A_173] : memref<16384x32xf32, #tpu.memory_space<hbm>> -> memref<128x32xf32, #tpu.memory_space<hbm>>
        %dma_wait3A_175 = arith.constant 0 : i32
        %dma_wait3A_176 = tpu.memref_slice %arg2[%add3A_18, %dma_wait3A_175] : memref<16384x32xf32, #tpu.memory_space<hbm>> -> memref<128x32xf32, #tpu.memory_space<hbm>>
        tpu.wait_dma2 semaphore(%run_scoped3A : memref<!tpu.dma_semaphore, #tpu.memory_space<semaphore_mem>>) src(%dma_wait3A_176 : memref<128x32xf32, #tpu.memory_space<hbm>>) dst(%arg23 : memref<128x32xf32, #tpu.memory_space<vmem>>)
        tpu.yield
      }) : () -> ()
      "tpu.region"() ({
        %run_scoped3A = tpu.sem_alloc : memref<!tpu.dma_semaphore, #tpu.memory_space<semaphore_mem>>
        %dma_start3A_169 = tpu.memref_slice %arg3[%add3A_18] : memref<16384xi32, #tpu.memory_space<hbm>> -> memref<128xi32, #tpu.memory_space<hbm>>
        %dma_start3A_170 = tpu.memref_slice %arg3[%add3A_18] : memref<16384xi32, #tpu.memory_space<hbm>> -> memref<128xi32, #tpu.memory_space<hbm>>
        tpu.enqueue_dma source(%dma_start3A_170 : memref<128xi32, #tpu.memory_space<hbm>>) target(%arg17 : memref<128xi32, #tpu.memory_space<vmem>>) target_semaphore(%run_scoped3A : memref<!tpu.dma_semaphore, #tpu.memory_space<semaphore_mem>>)
        %dma_wait3A_171 = tpu.memref_slice %arg3[%add3A_18] : memref<16384xi32, #tpu.memory_space<hbm>> -> memref<128xi32, #tpu.memory_space<hbm>>
        %dma_wait3A_172 = tpu.memref_slice %arg3[%add3A_18] : memref<16384xi32, #tpu.memory_space<hbm>> -> memref<128xi32, #tpu.memory_space<hbm>>
        tpu.wait_dma2 semaphore(%run_scoped3A : memref<!tpu.dma_semaphore, #tpu.memory_space<semaphore_mem>>) src(%dma_wait3A_172 : memref<128xi32, #tpu.memory_space<hbm>>) dst(%arg17 : memref<128xi32, #tpu.memory_space<vmem>>)
        tpu.yield
      }) : () -> ()
      "tpu.region"() ({
        %run_scoped3A = tpu.sem_alloc : memref<!tpu.dma_semaphore, #tpu.memory_space<semaphore_mem>>
        %dma_start3A_169 = tpu.memref_slice %arg5[%add3A_18] : memref<16384xi32, #tpu.memory_space<hbm>> -> memref<128xi32, #tpu.memory_space<hbm>>
        %dma_start3A_170 = tpu.memref_slice %arg5[%add3A_18] : memref<16384xi32, #tpu.memory_space<hbm>> -> memref<128xi32, #tpu.memory_space<hbm>>
        tpu.enqueue_dma source(%dma_start3A_170 : memref<128xi32, #tpu.memory_space<hbm>>) target(%arg18 : memref<128xi32, #tpu.memory_space<vmem>>) target_semaphore(%run_scoped3A : memref<!tpu.dma_semaphore, #tpu.memory_space<semaphore_mem>>)
        %dma_wait3A_171 = tpu.memref_slice %arg5[%add3A_18] : memref<16384xi32, #tpu.memory_space<hbm>> -> memref<128xi32, #tpu.memory_space<hbm>>
        %dma_wait3A_172 = tpu.memref_slice %arg5[%add3A_18] : memref<16384xi32, #tpu.memory_space<hbm>> -> memref<128xi32, #tpu.memory_space<hbm>>
        tpu.wait_dma2 semaphore(%run_scoped3A : memref<!tpu.dma_semaphore, #tpu.memory_space<semaphore_mem>>) src(%dma_wait3A_172 : memref<128xi32, #tpu.memory_space<hbm>>) dst(%arg18 : memref<128xi32, #tpu.memory_space<vmem>>)
        tpu.yield
      }) : () -> ()
      "tpu.region"() ({
        %run_scoped3A = tpu.sem_alloc : memref<!tpu.dma_semaphore, #tpu.memory_space<semaphore_mem>>
        %dma_start3A_169 = tpu.memref_slice %arg7[%add3A_18] : memref<16384xi32, #tpu.memory_space<hbm>> -> memref<128xi32, #tpu.memory_space<hbm>>
        %dma_start3A_170 = tpu.memref_slice %arg7[%add3A_18] : memref<16384xi32, #tpu.memory_space<hbm>> -> memref<128xi32, #tpu.memory_space<hbm>>
        tpu.enqueue_dma source(%dma_start3A_170 : memref<128xi32, #tpu.memory_space<hbm>>) target(%arg19 : memref<128xi32, #tpu.memory_space<vmem>>) target_semaphore(%run_scoped3A : memref<!tpu.dma_semaphore, #tpu.memory_space<semaphore_mem>>)
        %dma_wait3A_171 = tpu.memref_slice %arg7[%add3A_18] : memref<16384xi32, #tpu.memory_space<hbm>> -> memref<128xi32, #tpu.memory_space<hbm>>
        %dma_wait3A_172 = tpu.memref_slice %arg7[%add3A_18] : memref<16384xi32, #tpu.memory_space<hbm>> -> memref<128xi32, #tpu.memory_space<hbm>>
        tpu.wait_dma2 semaphore(%run_scoped3A : memref<!tpu.dma_semaphore, #tpu.memory_space<semaphore_mem>>) src(%dma_wait3A_172 : memref<128xi32, #tpu.memory_space<hbm>>) dst(%arg19 : memref<128xi32, #tpu.memory_space<vmem>>)
        tpu.yield
      }) : () -> ()
      %mul3A_19 = arith.constant 4 : i32
      %mul3A_20 = arith.muli %add3A_18, %mul3A_19 : i32
      "tpu.region"() ({
        %run_scoped3A = tpu.sem_alloc : memref<!tpu.dma_semaphore, #tpu.memory_space<semaphore_mem>>
        %dma_start3A_169 = arith.constant 0 : i32
        %dma_start3A_170 = tpu.memref_slice %arg21[%dma_start3A_169] : memref<528xi32, #tpu.memory_space<vmem>> -> memref<512xi32, #tpu.memory_space<vmem>>
        %dma_start3A_171 = tpu.memref_slice %arg6[%mul3A_20] : memref<65536xi32, #tpu.memory_space<hbm>> -> memref<512xi32, #tpu.memory_space<hbm>>
        %dma_start3A_172 = arith.constant 0 : i32
        %dma_start3A_173 = tpu.memref_slice %arg21[%dma_start3A_172] : memref<528xi32, #tpu.memory_space<vmem>> -> memref<512xi32, #tpu.memory_space<vmem>>
        %dma_start3A_174 = tpu.memref_slice %arg6[%mul3A_20] : memref<65536xi32, #tpu.memory_space<hbm>> -> memref<512xi32, #tpu.memory_space<hbm>>
        tpu.enqueue_dma source(%dma_start3A_174 : memref<512xi32, #tpu.memory_space<hbm>>) target(%dma_start3A_173 : memref<512xi32, #tpu.memory_space<vmem>>) target_semaphore(%run_scoped3A : memref<!tpu.dma_semaphore, #tpu.memory_space<semaphore_mem>>)
        %dma_wait3A_175 = arith.constant 0 : i32
        %dma_wait3A_176 = tpu.memref_slice %arg21[%dma_wait3A_175] : memref<528xi32, #tpu.memory_space<vmem>> -> memref<512xi32, #tpu.memory_space<vmem>>
        %dma_wait3A_177 = tpu.memref_slice %arg6[%mul3A_20] : memref<65536xi32, #tpu.memory_space<hbm>> -> memref<512xi32, #tpu.memory_space<hbm>>
        %dma_wait3A_178 = arith.constant 0 : i32
        %dma_wait3A_179 = tpu.memref_slice %arg21[%dma_wait3A_178] : memref<528xi32, #tpu.memory_space<vmem>> -> memref<512xi32, #tpu.memory_space<vmem>>
        %dma_wait3A_180 = tpu.memref_slice %arg6[%mul3A_20] : memref<65536xi32, #tpu.memory_space<hbm>> -> memref<512xi32, #tpu.memory_space<hbm>>
        tpu.wait_dma2 semaphore(%run_scoped3A : memref<!tpu.dma_semaphore, #tpu.memory_space<semaphore_mem>>) src(%dma_wait3A_180 : memref<512xi32, #tpu.memory_space<hbm>>) dst(%dma_wait3A_179 : memref<512xi32, #tpu.memory_space<vmem>>)
        tpu.yield
      }) : () -> ()
      %mul3A_21 = arith.constant 4 : i32
      %mul3A_22 = arith.muli %add3A_18, %mul3A_21 : i32
      "tpu.region"() ({
        %run_scoped3A = tpu.sem_alloc : memref<!tpu.dma_semaphore, #tpu.memory_space<semaphore_mem>>
        %dma_start3A_169 = arith.constant 0 : i32
        %dma_start3A_170 = tpu.memref_slice %arg22[%dma_start3A_169] : memref<528xi32, #tpu.memory_space<vmem>> -> memref<512xi32, #tpu.memory_space<vmem>>
        %dma_start3A_171 = tpu.memref_slice %arg8[%mul3A_22] : memref<65536xi32, #tpu.memory_space<hbm>> -> memref<512xi32, #tpu.memory_space<hbm>>
        %dma_start3A_172 = arith.constant 0 : i32
        %dma_start3A_173 = tpu.memref_slice %arg22[%dma_start3A_172] : memref<528xi32, #tpu.memory_space<vmem>> -> memref<512xi32, #tpu.memory_space<vmem>>
        %dma_start3A_174 = tpu.memref_slice %arg8[%mul3A_22] : memref<65536xi32, #tpu.memory_space<hbm>> -> memref<512xi32, #tpu.memory_space<hbm>>
        tpu.enqueue_dma source(%dma_start3A_174 : memref<512xi32, #tpu.memory_space<hbm>>) target(%dma_start3A_173 : memref<512xi32, #tpu.memory_space<vmem>>) target_semaphore(%run_scoped3A : memref<!tpu.dma_semaphore, #tpu.memory_space<semaphore_mem>>)
        %dma_wait3A_175 = arith.constant 0 : i32
        %dma_wait3A_176 = tpu.memref_slice %arg22[%dma_wait3A_175] : memref<528xi32, #tpu.memory_space<vmem>> -> memref<512xi32, #tpu.memory_space<vmem>>
        %dma_wait3A_177 = tpu.memref_slice %arg8[%mul3A_22] : memref<65536xi32, #tpu.memory_space<hbm>> -> memref<512xi32, #tpu.memory_space<hbm>>
        %dma_wait3A_178 = arith.constant 0 : i32
        %dma_wait3A_179 = tpu.memref_slice %arg22[%dma_wait3A_178] : memref<528xi32, #tpu.memory_space<vmem>> -> memref<512xi32, #tpu.memory_space<vmem>>
        %dma_wait3A_180 = tpu.memref_slice %arg8[%mul3A_22] : memref<65536xi32, #tpu.memory_space<hbm>> -> memref<512xi32, #tpu.memory_space<hbm>>
        tpu.wait_dma2 semaphore(%run_scoped3A : memref<!tpu.dma_semaphore, #tpu.memory_space<semaphore_mem>>) src(%dma_wait3A_180 : memref<512xi32, #tpu.memory_space<hbm>>) dst(%dma_wait3A_179 : memref<512xi32, #tpu.memory_space<vmem>>)
        tpu.yield
      }) : () -> ()
      "tpu.region"() ({
        %run_scoped3A = tpu.sem_alloc : memref<!tpu.dma_semaphore, #tpu.memory_space<semaphore_mem>>
        %dma_start3A_169 = arith.constant 0 : i32
        %dma_start3A_170 = tpu.memref_slice %arg20[%dma_start3A_169] : memref<144xf32, #tpu.memory_space<vmem>> -> memref<128xf32, #tpu.memory_space<vmem>>
        %dma_start3A_171 = tpu.memref_slice %arg4[%add3A_18] : memref<16384xf32, #tpu.memory_space<hbm>> -> memref<128xf32, #tpu.memory_space<hbm>>
        %dma_start3A_172 = arith.constant 0 : i32
        %dma_start3A_173 = tpu.memref_slice %arg20[%dma_start3A_172] : memref<144xf32, #tpu.memory_space<vmem>> -> memref<128xf32, #tpu.memory_space<vmem>>
        %dma_start3A_174 = tpu.memref_slice %arg4[%add3A_18] : memref<16384xf32, #tpu.memory_space<hbm>> -> memref<128xf32, #tpu.memory_space<hbm>>
        tpu.enqueue_dma source(%dma_start3A_174 : memref<128xf32, #tpu.memory_space<hbm>>) target(%dma_start3A_173 : memref<128xf32, #tpu.memory_space<vmem>>) target_semaphore(%run_scoped3A : memref<!tpu.dma_semaphore, #tpu.memory_space<semaphore_mem>>)
        %dma_wait3A_175 = arith.constant 0 : i32
        %dma_wait3A_176 = tpu.memref_slice %arg20[%dma_wait3A_175] : memref<144xf32, #tpu.memory_space<vmem>> -> memref<128xf32, #tpu.memory_space<vmem>>
        %dma_wait3A_177 = tpu.memref_slice %arg4[%add3A_18] : memref<16384xf32, #tpu.memory_space<hbm>> -> memref<128xf32, #tpu.memory_space<hbm>>
        %dma_wait3A_178 = arith.constant 0 : i32
        %dma_wait3A_179 = tpu.memref_slice %arg20[%dma_wait3A_178] : memref<144xf32, #tpu.memory_space<vmem>> -> memref<128xf32, #tpu.memory_space<vmem>>
        %dma_wait3A_180 = tpu.memref_slice %arg4[%add3A_18] : memref<16384xf32, #tpu.memory_space<hbm>> -> memref<128xf32, #tpu.memory_space<hbm>>
        tpu.wait_dma2 semaphore(%run_scoped3A : memref<!tpu.dma_semaphore, #tpu.memory_space<semaphore_mem>>) src(%dma_wait3A_180 : memref<128xf32, #tpu.memory_space<hbm>>) dst(%dma_wait3A_179 : memref<128xf32, #tpu.memory_space<vmem>>)
        tpu.yield
      }) : () -> ()
      %dma_start3A = arith.constant 0 : i32
      %dma_start3A_23 = arith.constant 0 : i32
      %dma_start3A_24 = tpu.memref_slice %arg9[%dma_start3A, %dma_start3A_23] : memref<1001x32xf32, #tpu.memory_space<hbm>> -> memref<1001x32xf32, #tpu.memory_space<hbm>>
      tpu.enqueue_indirect_dma source(%dma_start3A_24 : memref<1001x32xf32, #tpu.memory_space<hbm>>) target(%arg24 : memref<128x32xf32, #tpu.memory_space<vmem>>) offsets(%arg17 : memref<128xi32, #tpu.memory_space<vmem>>) semaphore(%arg32 : memref<!tpu.dma_semaphore, #tpu.memory_space<semaphore_mem>>)
      %dma_start3A_25 = arith.constant 0 : i32
      %dma_start3A_26 = arith.constant 0 : i32
      %dma_start3A_27 = tpu.memref_slice %arg10[%dma_start3A_25, %dma_start3A_26] : memref<1001x32xf32, #tpu.memory_space<hbm>> -> memref<1001x32xf32, #tpu.memory_space<hbm>>
      tpu.enqueue_indirect_dma source(%dma_start3A_27 : memref<1001x32xf32, #tpu.memory_space<hbm>>) target(%arg25 : memref<128x32xf32, #tpu.memory_space<vmem>>) offsets(%arg18 : memref<128xi32, #tpu.memory_space<vmem>>) semaphore(%arg32 : memref<!tpu.dma_semaphore, #tpu.memory_space<semaphore_mem>>)
      %dma_start3A_28 = arith.constant 0 : i32
      %dma_start3A_29 = arith.constant 0 : i32
      %dma_start3A_30 = tpu.memref_slice %arg12[%dma_start3A_28, %dma_start3A_29] : memref<101x32xf32, #tpu.memory_space<hbm>> -> memref<101x32xf32, #tpu.memory_space<hbm>>
      tpu.enqueue_indirect_dma source(%dma_start3A_30 : memref<101x32xf32, #tpu.memory_space<hbm>>) target(%arg26 : memref<128x32xf32, #tpu.memory_space<vmem>>) offsets(%arg19 : memref<128xi32, #tpu.memory_space<vmem>>) semaphore(%arg32 : memref<!tpu.dma_semaphore, #tpu.memory_space<semaphore_mem>>)
      %dma_start3A_31 = arith.constant 0 : i32
      %dma_start3A_32 = arith.constant 0 : i32
      %dma_start3A_33 = tpu.memref_slice %arg27[%dma_start3A_31, %dma_start3A_32] : memref<512x32xf32, #tpu.memory_space<vmem>> -> memref<128x32xf32, #tpu.memory_space<vmem>>
      %dma_start3A_34 = arith.constant 0 : i32
      %dma_start3A_35 = tpu.memref_slice %arg21[%dma_start3A_34] : memref<528xi32, #tpu.memory_space<vmem>> -> memref<128xi32, #tpu.memory_space<vmem>>
      %dma_start3A_36 = arith.constant 0 : i32
      %dma_start3A_37 = arith.constant 0 : i32
      %dma_start3A_38 = tpu.memref_slice %arg11[%dma_start3A_36, %dma_start3A_37] : memref<10000x32xf32, #tpu.memory_space<hbm>> -> memref<10000x32xf32, #tpu.memory_space<hbm>>
      tpu.enqueue_indirect_dma source(%dma_start3A_38 : memref<10000x32xf32, #tpu.memory_space<hbm>>) target(%dma_start3A_33 : memref<128x32xf32, #tpu.memory_space<vmem>>) offsets(%dma_start3A_35 : memref<128xi32, #tpu.memory_space<vmem>>) semaphore(%arg32 : memref<!tpu.dma_semaphore, #tpu.memory_space<semaphore_mem>>)
      %dma_start3A_39 = arith.constant 0 : i32
      %dma_start3A_40 = arith.constant 0 : i32
      %dma_start3A_41 = tpu.memref_slice %arg28[%dma_start3A_39, %dma_start3A_40] : memref<512x32xf32, #tpu.memory_space<vmem>> -> memref<128x32xf32, #tpu.memory_space<vmem>>
      %dma_start3A_42 = arith.constant 0 : i32
      %dma_start3A_43 = tpu.memref_slice %arg22[%dma_start3A_42] : memref<528xi32, #tpu.memory_space<vmem>> -> memref<128xi32, #tpu.memory_space<vmem>>
      %dma_start3A_44 = arith.constant 0 : i32
      %dma_start3A_45 = arith.constant 0 : i32
      %dma_start3A_46 = tpu.memref_slice %arg13[%dma_start3A_44, %dma_start3A_45] : memref<10000x32xf32, #tpu.memory_space<hbm>> -> memref<10000x32xf32, #tpu.memory_space<hbm>>
      tpu.enqueue_indirect_dma source(%dma_start3A_46 : memref<10000x32xf32, #tpu.memory_space<hbm>>) target(%dma_start3A_41 : memref<128x32xf32, #tpu.memory_space<vmem>>) offsets(%dma_start3A_43 : memref<128xi32, #tpu.memory_space<vmem>>) semaphore(%arg32 : memref<!tpu.dma_semaphore, #tpu.memory_space<semaphore_mem>>)
      %dma_start3A_47 = arith.constant 128 : i32
      %dma_start3A_48 = arith.constant 0 : i32
      %dma_start3A_49 = tpu.memref_slice %arg27[%dma_start3A_47, %dma_start3A_48] : memref<512x32xf32, #tpu.memory_space<vmem>> -> memref<128x32xf32, #tpu.memory_space<vmem>>
      %dma_start3A_50 = arith.constant 128 : i32
      %dma_start3A_51 = tpu.memref_slice %arg21[%dma_start3A_50] : memref<528xi32, #tpu.memory_space<vmem>> -> memref<128xi32, #tpu.memory_space<vmem>>
      %dma_start3A_52 = arith.constant 0 : i32
      %dma_start3A_53 = arith.constant 0 : i32
      %dma_start3A_54 = tpu.memref_slice %arg11[%dma_start3A_52, %dma_start3A_53] : memref<10000x32xf32, #tpu.memory_space<hbm>> -> memref<10000x32xf32, #tpu.memory_space<hbm>>
      tpu.enqueue_indirect_dma source(%dma_start3A_54 : memref<10000x32xf32, #tpu.memory_space<hbm>>) target(%dma_start3A_49 : memref<128x32xf32, #tpu.memory_space<vmem>>) offsets(%dma_start3A_51 : memref<128xi32, #tpu.memory_space<vmem>>) semaphore(%arg32 : memref<!tpu.dma_semaphore, #tpu.memory_space<semaphore_mem>>)
      %dma_start3A_55 = arith.constant 128 : i32
      %dma_start3A_56 = arith.constant 0 : i32
      %dma_start3A_57 = tpu.memref_slice %arg28[%dma_start3A_55, %dma_start3A_56] : memref<512x32xf32, #tpu.memory_space<vmem>> -> memref<128x32xf32, #tpu.memory_space<vmem>>
      %dma_start3A_58 = arith.constant 128 : i32
      %dma_start3A_59 = tpu.memref_slice %arg22[%dma_start3A_58] : memref<528xi32, #tpu.memory_space<vmem>> -> memref<128xi32, #tpu.memory_space<vmem>>
      %dma_start3A_60 = arith.constant 0 : i32
      %dma_start3A_61 = arith.constant 0 : i32
      %dma_start3A_62 = tpu.memref_slice %arg13[%dma_start3A_60, %dma_start3A_61] : memref<10000x32xf32, #tpu.memory_space<hbm>> -> memref<10000x32xf32, #tpu.memory_space<hbm>>
      tpu.enqueue_indirect_dma source(%dma_start3A_62 : memref<10000x32xf32, #tpu.memory_space<hbm>>) target(%dma_start3A_57 : memref<128x32xf32, #tpu.memory_space<vmem>>) offsets(%dma_start3A_59 : memref<128xi32, #tpu.memory_space<vmem>>) semaphore(%arg32 : memref<!tpu.dma_semaphore, #tpu.memory_space<semaphore_mem>>)
      %dma_start3A_63 = arith.constant 256 : i32
      %dma_start3A_64 = arith.constant 0 : i32
      %dma_start3A_65 = tpu.memref_slice %arg27[%dma_start3A_63, %dma_start3A_64] : memref<512x32xf32, #tpu.memory_space<vmem>> -> memref<128x32xf32, #tpu.memory_space<vmem>>
      %dma_start3A_66 = arith.constant 256 : i32
      %dma_start3A_67 = tpu.memref_slice %arg21[%dma_start3A_66] : memref<528xi32, #tpu.memory_space<vmem>> -> memref<128xi32, #tpu.memory_space<vmem>>
      %dma_start3A_68 = arith.constant 0 : i32
      %dma_start3A_69 = arith.constant 0 : i32
      %dma_start3A_70 = tpu.memref_slice %arg11[%dma_start3A_68, %dma_start3A_69] : memref<10000x32xf32, #tpu.memory_space<hbm>> -> memref<10000x32xf32, #tpu.memory_space<hbm>>
      tpu.enqueue_indirect_dma source(%dma_start3A_70 : memref<10000x32xf32, #tpu.memory_space<hbm>>) target(%dma_start3A_65 : memref<128x32xf32, #tpu.memory_space<vmem>>) offsets(%dma_start3A_67 : memref<128xi32, #tpu.memory_space<vmem>>) semaphore(%arg32 : memref<!tpu.dma_semaphore, #tpu.memory_space<semaphore_mem>>)
      %dma_start3A_71 = arith.constant 256 : i32
      %dma_start3A_72 = arith.constant 0 : i32
      %dma_start3A_73 = tpu.memref_slice %arg28[%dma_start3A_71, %dma_start3A_72] : memref<512x32xf32, #tpu.memory_space<vmem>> -> memref<128x32xf32, #tpu.memory_space<vmem>>
      %dma_start3A_74 = arith.constant 256 : i32
      %dma_start3A_75 = tpu.memref_slice %arg22[%dma_start3A_74] : memref<528xi32, #tpu.memory_space<vmem>> -> memref<128xi32, #tpu.memory_space<vmem>>
      %dma_start3A_76 = arith.constant 0 : i32
      %dma_start3A_77 = arith.constant 0 : i32
      %dma_start3A_78 = tpu.memref_slice %arg13[%dma_start3A_76, %dma_start3A_77] : memref<10000x32xf32, #tpu.memory_space<hbm>> -> memref<10000x32xf32, #tpu.memory_space<hbm>>
      tpu.enqueue_indirect_dma source(%dma_start3A_78 : memref<10000x32xf32, #tpu.memory_space<hbm>>) target(%dma_start3A_73 : memref<128x32xf32, #tpu.memory_space<vmem>>) offsets(%dma_start3A_75 : memref<128xi32, #tpu.memory_space<vmem>>) semaphore(%arg32 : memref<!tpu.dma_semaphore, #tpu.memory_space<semaphore_mem>>)
      %dma_start3A_79 = arith.constant 384 : i32
      %dma_start3A_80 = arith.constant 0 : i32
      %dma_start3A_81 = tpu.memref_slice %arg27[%dma_start3A_79, %dma_start3A_80] : memref<512x32xf32, #tpu.memory_space<vmem>> -> memref<128x32xf32, #tpu.memory_space<vmem>>
      %dma_start3A_82 = arith.constant 384 : i32
      %dma_start3A_83 = tpu.memref_slice %arg21[%dma_start3A_82] : memref<528xi32, #tpu.memory_space<vmem>> -> memref<128xi32, #tpu.memory_space<vmem>>
      %dma_start3A_84 = arith.constant 0 : i32
      %dma_start3A_85 = arith.constant 0 : i32
      %dma_start3A_86 = tpu.memref_slice %arg11[%dma_start3A_84, %dma_start3A_85] : memref<10000x32xf32, #tpu.memory_space<hbm>> -> memref<10000x32xf32, #tpu.memory_space<hbm>>
      tpu.enqueue_indirect_dma source(%dma_start3A_86 : memref<10000x32xf32, #tpu.memory_space<hbm>>) target(%dma_start3A_81 : memref<128x32xf32, #tpu.memory_space<vmem>>) offsets(%dma_start3A_83 : memref<128xi32, #tpu.memory_space<vmem>>) semaphore(%arg32 : memref<!tpu.dma_semaphore, #tpu.memory_space<semaphore_mem>>)
      %dma_start3A_87 = arith.constant 384 : i32
      %dma_start3A_88 = arith.constant 0 : i32
      %dma_start3A_89 = tpu.memref_slice %arg28[%dma_start3A_87, %dma_start3A_88] : memref<512x32xf32, #tpu.memory_space<vmem>> -> memref<128x32xf32, #tpu.memory_space<vmem>>
      %dma_start3A_90 = arith.constant 384 : i32
      %dma_start3A_91 = tpu.memref_slice %arg22[%dma_start3A_90] : memref<528xi32, #tpu.memory_space<vmem>> -> memref<128xi32, #tpu.memory_space<vmem>>
      %dma_start3A_92 = arith.constant 0 : i32
      %dma_start3A_93 = arith.constant 0 : i32
      %dma_start3A_94 = tpu.memref_slice %arg13[%dma_start3A_92, %dma_start3A_93] : memref<10000x32xf32, #tpu.memory_space<hbm>> -> memref<10000x32xf32, #tpu.memory_space<hbm>>
      tpu.enqueue_indirect_dma source(%dma_start3A_94 : memref<10000x32xf32, #tpu.memory_space<hbm>>) target(%dma_start3A_89 : memref<128x32xf32, #tpu.memory_space<vmem>>) offsets(%dma_start3A_91 : memref<128xi32, #tpu.memory_space<vmem>>) semaphore(%arg32 : memref<!tpu.dma_semaphore, #tpu.memory_space<semaphore_mem>>)
      %dma_wait3A = arith.constant 0 : i32
      %dma_wait3A_95 = arith.constant 0 : i32
      %dma_wait3A_96 = tpu.memref_slice %arg9[%dma_wait3A, %dma_wait3A_95] : memref<1001x32xf32, #tpu.memory_space<hbm>> -> memref<1001x32xf32, #tpu.memory_space<hbm>>
      tpu.wait_indirect_dma semaphore(%arg32 : memref<!tpu.dma_semaphore, #tpu.memory_space<semaphore_mem>>) src(%dma_wait3A_96 : memref<1001x32xf32, #tpu.memory_space<hbm>>) dst(%arg24 : memref<128x32xf32, #tpu.memory_space<vmem>>)
      %dma_wait3A_97 = arith.constant 0 : i32
      %dma_wait3A_98 = arith.constant 0 : i32
      %dma_wait3A_99 = tpu.memref_slice %arg10[%dma_wait3A_97, %dma_wait3A_98] : memref<1001x32xf32, #tpu.memory_space<hbm>> -> memref<1001x32xf32, #tpu.memory_space<hbm>>
      tpu.wait_indirect_dma semaphore(%arg32 : memref<!tpu.dma_semaphore, #tpu.memory_space<semaphore_mem>>) src(%dma_wait3A_99 : memref<1001x32xf32, #tpu.memory_space<hbm>>) dst(%arg25 : memref<128x32xf32, #tpu.memory_space<vmem>>)
      %dma_wait3A_100 = arith.constant 0 : i32
      %dma_wait3A_101 = arith.constant 0 : i32
      %dma_wait3A_102 = tpu.memref_slice %arg12[%dma_wait3A_100, %dma_wait3A_101] : memref<101x32xf32, #tpu.memory_space<hbm>> -> memref<101x32xf32, #tpu.memory_space<hbm>>
      tpu.wait_indirect_dma semaphore(%arg32 : memref<!tpu.dma_semaphore, #tpu.memory_space<semaphore_mem>>) src(%dma_wait3A_102 : memref<101x32xf32, #tpu.memory_space<hbm>>) dst(%arg26 : memref<128x32xf32, #tpu.memory_space<vmem>>)
      %dma_wait3A_103 = arith.constant 0 : i32
      %dma_wait3A_104 = arith.constant 0 : i32
      %dma_wait3A_105 = tpu.memref_slice %arg27[%dma_wait3A_103, %dma_wait3A_104] : memref<512x32xf32, #tpu.memory_space<vmem>> -> memref<128x32xf32, #tpu.memory_space<vmem>>
      %dma_wait3A_106 = arith.constant 0 : i32
      %dma_wait3A_107 = tpu.memref_slice %arg21[%dma_wait3A_106] : memref<528xi32, #tpu.memory_space<vmem>> -> memref<128xi32, #tpu.memory_space<vmem>>
      %dma_wait3A_108 = arith.constant 0 : i32
      %dma_wait3A_109 = arith.constant 0 : i32
      %dma_wait3A_110 = tpu.memref_slice %arg11[%dma_wait3A_108, %dma_wait3A_109] : memref<10000x32xf32, #tpu.memory_space<hbm>> -> memref<10000x32xf32, #tpu.memory_space<hbm>>
      tpu.wait_indirect_dma semaphore(%arg32 : memref<!tpu.dma_semaphore, #tpu.memory_space<semaphore_mem>>) src(%dma_wait3A_110 : memref<10000x32xf32, #tpu.memory_space<hbm>>) dst(%dma_wait3A_105 : memref<128x32xf32, #tpu.memory_space<vmem>>)
      %dma_wait3A_111 = arith.constant 0 : i32
      %dma_wait3A_112 = arith.constant 0 : i32
      %dma_wait3A_113 = tpu.memref_slice %arg28[%dma_wait3A_111, %dma_wait3A_112] : memref<512x32xf32, #tpu.memory_space<vmem>> -> memref<128x32xf32, #tpu.memory_space<vmem>>
      %dma_wait3A_114 = arith.constant 0 : i32
      %dma_wait3A_115 = tpu.memref_slice %arg22[%dma_wait3A_114] : memref<528xi32, #tpu.memory_space<vmem>> -> memref<128xi32, #tpu.memory_space<vmem>>
      %dma_wait3A_116 = arith.constant 0 : i32
      %dma_wait3A_117 = arith.constant 0 : i32
      %dma_wait3A_118 = tpu.memref_slice %arg13[%dma_wait3A_116, %dma_wait3A_117] : memref<10000x32xf32, #tpu.memory_space<hbm>> -> memref<10000x32xf32, #tpu.memory_space<hbm>>
      tpu.wait_indirect_dma semaphore(%arg32 : memref<!tpu.dma_semaphore, #tpu.memory_space<semaphore_mem>>) src(%dma_wait3A_118 : memref<10000x32xf32, #tpu.memory_space<hbm>>) dst(%dma_wait3A_113 : memref<128x32xf32, #tpu.memory_space<vmem>>)
      %dma_wait3A_119 = arith.constant 128 : i32
      %dma_wait3A_120 = arith.constant 0 : i32
      %dma_wait3A_121 = tpu.memref_slice %arg27[%dma_wait3A_119, %dma_wait3A_120] : memref<512x32xf32, #tpu.memory_space<vmem>> -> memref<128x32xf32, #tpu.memory_space<vmem>>
      %dma_wait3A_122 = arith.constant 128 : i32
      %dma_wait3A_123 = tpu.memref_slice %arg21[%dma_wait3A_122] : memref<528xi32, #tpu.memory_space<vmem>> -> memref<128xi32, #tpu.memory_space<vmem>>
      %dma_wait3A_124 = arith.constant 0 : i32
      %dma_wait3A_125 = arith.constant 0 : i32
      %dma_wait3A_126 = tpu.memref_slice %arg11[%dma_wait3A_124, %dma_wait3A_125] : memref<10000x32xf32, #tpu.memory_space<hbm>> -> memref<10000x32xf32, #tpu.memory_space<hbm>>
      tpu.wait_indirect_dma semaphore(%arg32 : memref<!tpu.dma_semaphore, #tpu.memory_space<semaphore_mem>>) src(%dma_wait3A_126 : memref<10000x32xf32, #tpu.memory_space<hbm>>) dst(%dma_wait3A_121 : memref<128x32xf32, #tpu.memory_space<vmem>>)
      %dma_wait3A_127 = arith.constant 128 : i32
      %dma_wait3A_128 = arith.constant 0 : i32
      %dma_wait3A_129 = tpu.memref_slice %arg28[%dma_wait3A_127, %dma_wait3A_128] : memref<512x32xf32, #tpu.memory_space<vmem>> -> memref<128x32xf32, #tpu.memory_space<vmem>>
      %dma_wait3A_130 = arith.constant 128 : i32
      %dma_wait3A_131 = tpu.memref_slice %arg22[%dma_wait3A_130] : memref<528xi32, #tpu.memory_space<vmem>> -> memref<128xi32, #tpu.memory_space<vmem>>
      %dma_wait3A_132 = arith.constant 0 : i32
      %dma_wait3A_133 = arith.constant 0 : i32
      %dma_wait3A_134 = tpu.memref_slice %arg13[%dma_wait3A_132, %dma_wait3A_133] : memref<10000x32xf32, #tpu.memory_space<hbm>> -> memref<10000x32xf32, #tpu.memory_space<hbm>>
      tpu.wait_indirect_dma semaphore(%arg32 : memref<!tpu.dma_semaphore, #tpu.memory_space<semaphore_mem>>) src(%dma_wait3A_134 : memref<10000x32xf32, #tpu.memory_space<hbm>>) dst(%dma_wait3A_129 : memref<128x32xf32, #tpu.memory_space<vmem>>)
      %dma_wait3A_135 = arith.constant 256 : i32
      %dma_wait3A_136 = arith.constant 0 : i32
      %dma_wait3A_137 = tpu.memref_slice %arg27[%dma_wait3A_135, %dma_wait3A_136] : memref<512x32xf32, #tpu.memory_space<vmem>> -> memref<128x32xf32, #tpu.memory_space<vmem>>
      %dma_wait3A_138 = arith.constant 256 : i32
      %dma_wait3A_139 = tpu.memref_slice %arg21[%dma_wait3A_138] : memref<528xi32, #tpu.memory_space<vmem>> -> memref<128xi32, #tpu.memory_space<vmem>>
      %dma_wait3A_140 = arith.constant 0 : i32
      %dma_wait3A_141 = arith.constant 0 : i32
      %dma_wait3A_142 = tpu.memref_slice %arg11[%dma_wait3A_140, %dma_wait3A_141] : memref<10000x32xf32, #tpu.memory_space<hbm>> -> memref<10000x32xf32, #tpu.memory_space<hbm>>
      tpu.wait_indirect_dma semaphore(%arg32 : memref<!tpu.dma_semaphore, #tpu.memory_space<semaphore_mem>>) src(%dma_wait3A_142 : memref<10000x32xf32, #tpu.memory_space<hbm>>) dst(%dma_wait3A_137 : memref<128x32xf32, #tpu.memory_space<vmem>>)
      %dma_wait3A_143 = arith.constant 256 : i32
      %dma_wait3A_144 = arith.constant 0 : i32
      %dma_wait3A_145 = tpu.memref_slice %arg28[%dma_wait3A_143, %dma_wait3A_144] : memref<512x32xf32, #tpu.memory_space<vmem>> -> memref<128x32xf32, #tpu.memory_space<vmem>>
      %dma_wait3A_146 = arith.constant 256 : i32
      %dma_wait3A_147 = tpu.memref_slice %arg22[%dma_wait3A_146] : memref<528xi32, #tpu.memory_space<vmem>> -> memref<128xi32, #tpu.memory_space<vmem>>
      %dma_wait3A_148 = arith.constant 0 : i32
      %dma_wait3A_149 = arith.constant 0 : i32
      %dma_wait3A_150 = tpu.memref_slice %arg13[%dma_wait3A_148, %dma_wait3A_149] : memref<10000x32xf32, #tpu.memory_space<hbm>> -> memref<10000x32xf32, #tpu.memory_space<hbm>>
      tpu.wait_indirect_dma semaphore(%arg32 : memref<!tpu.dma_semaphore, #tpu.memory_space<semaphore_mem>>) src(%dma_wait3A_150 : memref<10000x32xf32, #tpu.memory_space<hbm>>) dst(%dma_wait3A_145 : memref<128x32xf32, #tpu.memory_space<vmem>>)
      %dma_wait3A_151 = arith.constant 384 : i32
      %dma_wait3A_152 = arith.constant 0 : i32
      %dma_wait3A_153 = tpu.memref_slice %arg27[%dma_wait3A_151, %dma_wait3A_152] : memref<512x32xf32, #tpu.memory_space<vmem>> -> memref<128x32xf32, #tpu.memory_space<vmem>>
      %dma_wait3A_154 = arith.constant 384 : i32
      %dma_wait3A_155 = tpu.memref_slice %arg21[%dma_wait3A_154] : memref<528xi32, #tpu.memory_space<vmem>> -> memref<128xi32, #tpu.memory_space<vmem>>
      %dma_wait3A_156 = arith.constant 0 : i32
      %dma_wait3A_157 = arith.constant 0 : i32
      %dma_wait3A_158 = tpu.memref_slice %arg11[%dma_wait3A_156, %dma_wait3A_157] : memref<10000x32xf32, #tpu.memory_space<hbm>> -> memref<10000x32xf32, #tpu.memory_space<hbm>>
      tpu.wait_indirect_dma semaphore(%arg32 : memref<!tpu.dma_semaphore, #tpu.memory_space<semaphore_mem>>) src(%dma_wait3A_158 : memref<10000x32xf32, #tpu.memory_space<hbm>>) dst(%dma_wait3A_153 : memref<128x32xf32, #tpu.memory_space<vmem>>)
      %dma_wait3A_159 = arith.constant 384 : i32
      %dma_wait3A_160 = arith.constant 0 : i32
      %dma_wait3A_161 = tpu.memref_slice %arg28[%dma_wait3A_159, %dma_wait3A_160] : memref<512x32xf32, #tpu.memory_space<vmem>> -> memref<128x32xf32, #tpu.memory_space<vmem>>
      %dma_wait3A_162 = arith.constant 384 : i32
      %dma_wait3A_163 = tpu.memref_slice %arg22[%dma_wait3A_162] : memref<528xi32, #tpu.memory_space<vmem>> -> memref<128xi32, #tpu.memory_space<vmem>>
      %dma_wait3A_164 = arith.constant 0 : i32
      %dma_wait3A_165 = arith.constant 0 : i32
      %dma_wait3A_166 = tpu.memref_slice %arg13[%dma_wait3A_164, %dma_wait3A_165] : memref<10000x32xf32, #tpu.memory_space<hbm>> -> memref<10000x32xf32, #tpu.memory_space<hbm>>
      tpu.wait_indirect_dma semaphore(%arg32 : memref<!tpu.dma_semaphore, #tpu.memory_space<semaphore_mem>>) src(%dma_wait3A_166 : memref<10000x32xf32, #tpu.memory_space<hbm>>) dst(%dma_wait3A_161 : memref<128x32xf32, #tpu.memory_space<vmem>>)
      %parallel_loop3A = arith.constant 0 : i32
      %parallel_loop3A_167 = arith.constant 128 : i32
      %parallel_loop3A_168 = arith.constant 1 : i32
      scf.for %parallel_loop3A_169 = %parallel_loop3A to %parallel_loop3A_167 step %parallel_loop3A_168  : i32 {
        %parallel_loop3A_170 = arith.index_cast %parallel_loop3A_169 : i32 to index
        %parallel_loop3A_171 = arith.constant 0 : index
        %parallel_loop3A_172 = tpu.vector_load %arg23[%parallel_loop3A_170, %parallel_loop3A_171] {strides = array<i32>} : memref<128x32xf32, #tpu.memory_space<vmem>>, vector<1x16xf32>,
        %parallel_loop3A_173 = vector.shape_cast %parallel_loop3A_172 : vector<1x16xf32> to vector<16xf32>
        %parallel_loop3A_174 = arith.index_cast %parallel_loop3A_169 : i32 to index
        %parallel_loop3A_175 = arith.constant 0 : index
        %parallel_loop3A_176 = tpu.vector_load %arg29[%parallel_loop3A_174, %parallel_loop3A_175] {strides = array<i32>} : memref<128x193xf32, #tpu.memory_space<vmem>>, vector<1x16xf32>,
        %parallel_loop3A_177 = vector.shape_cast %parallel_loop3A_176 : vector<1x16xf32> to vector<16xf32>
        %parallel_loop3A_178 = vector.shape_cast %parallel_loop3A_173 : vector<16xf32> to vector<1x16xf32>
        tpu.vector_store %arg29[%parallel_loop3A_174, %parallel_loop3A_175], %parallel_loop3A_178 {strides = array<i32>} : memref<128x193xf32, #tpu.memory_space<vmem>>, vector<1x16xf32>,
        %parallel_loop3A_179 = arith.index_cast %parallel_loop3A_169 : i32 to index
        %parallel_loop3A_180 = arith.constant 16 : index
        %parallel_loop3A_181 = tpu.vector_load %arg23[%parallel_loop3A_179, %parallel_loop3A_180] {strides = array<i32>} : memref<128x32xf32, #tpu.memory_space<vmem>>, vector<1x16xf32>,
        %parallel_loop3A_182 = vector.shape_cast %parallel_loop3A_181 : vector<1x16xf32> to vector<16xf32>
        %parallel_loop3A_183 = arith.index_cast %parallel_loop3A_169 : i32 to index
        %parallel_loop3A_184 = arith.constant 16 : index
        %parallel_loop3A_185 = tpu.vector_load %arg29[%parallel_loop3A_183, %parallel_loop3A_184] {strides = array<i32>} : memref<128x193xf32, #tpu.memory_space<vmem>>, vector<1x16xf32>,
        %parallel_loop3A_186 = vector.shape_cast %parallel_loop3A_185 : vector<1x16xf32> to vector<16xf32>
        %parallel_loop3A_187 = vector.shape_cast %parallel_loop3A_182 : vector<16xf32> to vector<1x16xf32>
        tpu.vector_store %arg29[%parallel_loop3A_183, %parallel_loop3A_184], %parallel_loop3A_187 {strides = array<i32>} : memref<128x193xf32, #tpu.memory_space<vmem>>, vector<1x16xf32>,
        %parallel_loop3A_188 = arith.index_cast %parallel_loop3A_169 : i32 to index
        %parallel_loop3A_189 = arith.constant 0 : index
        %parallel_loop3A_190 = tpu.vector_load %arg24[%parallel_loop3A_188, %parallel_loop3A_189] {strides = array<i32>} : memref<128x32xf32, #tpu.memory_space<vmem>>, vector<1x16xf32>,
        %parallel_loop3A_191 = vector.shape_cast %parallel_loop3A_190 : vector<1x16xf32> to vector<16xf32>
        %parallel_loop3A_192 = arith.index_cast %parallel_loop3A_169 : i32 to index
        %parallel_loop3A_193 = arith.constant 32 : index
        %parallel_loop3A_194 = tpu.vector_load %arg29[%parallel_loop3A_192, %parallel_loop3A_193] {strides = array<i32>} : memref<128x193xf32, #tpu.memory_space<vmem>>, vector<1x16xf32>,
        %parallel_loop3A_195 = vector.shape_cast %parallel_loop3A_194 : vector<1x16xf32> to vector<16xf32>
        %parallel_loop3A_196 = vector.shape_cast %parallel_loop3A_191 : vector<16xf32> to vector<1x16xf32>
        tpu.vector_store %arg29[%parallel_loop3A_192, %parallel_loop3A_193], %parallel_loop3A_196 {strides = array<i32>} : memref<128x193xf32, #tpu.memory_space<vmem>>, vector<1x16xf32>,
        %parallel_loop3A_197 = arith.index_cast %parallel_loop3A_169 : i32 to index
        %parallel_loop3A_198 = arith.constant 16 : index
        %parallel_loop3A_199 = tpu.vector_load %arg24[%parallel_loop3A_197, %parallel_loop3A_198] {strides = array<i32>} : memref<128x32xf32, #tpu.memory_space<vmem>>, vector<1x16xf32>,
        %parallel_loop3A_200 = vector.shape_cast %parallel_loop3A_199 : vector<1x16xf32> to vector<16xf32>
        %parallel_loop3A_201 = arith.index_cast %parallel_loop3A_169 : i32 to index
        %parallel_loop3A_202 = arith.constant 48 : index
        %parallel_loop3A_203 = tpu.vector_load %arg29[%parallel_loop3A_201, %parallel_loop3A_202] {strides = array<i32>} : memref<128x193xf32, #tpu.memory_space<vmem>>, vector<1x16xf32>,
        %parallel_loop3A_204 = vector.shape_cast %parallel_loop3A_203 : vector<1x16xf32> to vector<16xf32>
        %parallel_loop3A_205 = vector.shape_cast %parallel_loop3A_200 : vector<16xf32> to vector<1x16xf32>
        tpu.vector_store %arg29[%parallel_loop3A_201, %parallel_loop3A_202], %parallel_loop3A_205 {strides = array<i32>} : memref<128x193xf32, #tpu.memory_space<vmem>>, vector<1x16xf32>,
        %parallel_loop3A_206 = arith.index_cast %parallel_loop3A_169 : i32 to index
        %parallel_loop3A_207 = tpu.vector_load %arg20[%parallel_loop3A_206] {strides = array<i32>} : memref<144xf32, #tpu.memory_space<vmem>>, vector<16xf32>,
        %parallel_loop3A_208 = vector.shape_cast %parallel_loop3A_207 : vector<16xf32> to vector<16xf32>
        %parallel_loop3A_209 = vector.extract_strided_slice %parallel_loop3A_208 {offsets = [0], sizes = [1], strides = [1]} : vector<16xf32> to vector<1xf32>
        %parallel_loop3A_210 = vector.extract %parallel_loop3A_209[0] : f32 from vector<1xf32>
        %parallel_loop3A_211 = arith.subf %parallel_loop3A_210, %squeeze3A : f32
        %parallel_loop3A_212 = arith.mulf %parallel_loop3A_211, %squeeze3A_9 : f32
        %parallel_loop3A_213 = vector.broadcast %parallel_loop3A_212 : f32 to vector<16xf32>
        %parallel_loop3A_214 = arith.index_cast %parallel_loop3A_169 : i32 to index
        %parallel_loop3A_215 = arith.constant 64 : index
        %parallel_loop3A_216 = tpu.vector_load %arg29[%parallel_loop3A_214, %parallel_loop3A_215] {strides = array<i32>} : memref<128x193xf32, #tpu.memory_space<vmem>>, vector<1x16xf32>,
        %parallel_loop3A_217 = vector.shape_cast %parallel_loop3A_216 : vector<1x16xf32> to vector<16xf32>
        %parallel_loop3A_218 = vector.shape_cast %parallel_loop3A_213 : vector<16xf32> to vector<1x16xf32>
        tpu.vector_store %arg29[%parallel_loop3A_214, %parallel_loop3A_215], %parallel_loop3A_218 {strides = array<i32>} : memref<128x193xf32, #tpu.memory_space<vmem>>, vector<1x16xf32>,
        %parallel_loop3A_219 = arith.index_cast %parallel_loop3A_169 : i32 to index
        %parallel_loop3A_220 = arith.constant 0 : index
        %parallel_loop3A_221 = tpu.vector_load %arg25[%parallel_loop3A_219, %parallel_loop3A_220] {strides = array<i32>} : memref<128x32xf32, #tpu.memory_space<vmem>>, vector<1x16xf32>,
        %parallel_loop3A_222 = vector.shape_cast %parallel_loop3A_221 : vector<1x16xf32> to vector<16xf32>
        %parallel_loop3A_223 = arith.index_cast %parallel_loop3A_169 : i32 to index
        %parallel_loop3A_224 = arith.constant 65 : index
        %parallel_loop3A_225 = tpu.vector_load %arg29[%parallel_loop3A_223, %parallel_loop3A_224] {strides = array<i32>} : memref<128x193xf32, #tpu.memory_space<vmem>>, vector<1x16xf32>,
        %parallel_loop3A_226 = vector.shape_cast %parallel_loop3A_225 : vector<1x16xf32> to vector<16xf32>
        %parallel_loop3A_227 = vector.shape_cast %parallel_loop3A_222 : vector<16xf32> to vector<1x16xf32>
        tpu.vector_store %arg29[%parallel_loop3A_223, %parallel_loop3A_224], %parallel_loop3A_227 {strides = array<i32>} : memref<128x193xf32, #tpu.memory_space<vmem>>, vector<1x16xf32>,
        %parallel_loop3A_228 = arith.index_cast %parallel_loop3A_169 : i32 to index
        %parallel_loop3A_229 = arith.constant 16 : index
        %parallel_loop3A_230 = tpu.vector_load %arg25[%parallel_loop3A_228, %parallel_loop3A_229] {strides = array<i32>} : memref<128x32xf32, #tpu.memory_space<vmem>>, vector<1x16xf32>,
        %parallel_loop3A_231 = vector.shape_cast %parallel_loop3A_230 : vector<1x16xf32> to vector<16xf32>
        %parallel_loop3A_232 = arith.index_cast %parallel_loop3A_169 : i32 to index
        %parallel_loop3A_233 = arith.constant 81 : index
        %parallel_loop3A_234 = tpu.vector_load %arg29[%parallel_loop3A_232, %parallel_loop3A_233] {strides = array<i32>} : memref<128x193xf32, #tpu.memory_space<vmem>>, vector<1x16xf32>,
        %parallel_loop3A_235 = vector.shape_cast %parallel_loop3A_234 : vector<1x16xf32> to vector<16xf32>
        %parallel_loop3A_236 = vector.shape_cast %parallel_loop3A_231 : vector<16xf32> to vector<1x16xf32>
        tpu.vector_store %arg29[%parallel_loop3A_232, %parallel_loop3A_233], %parallel_loop3A_236 {strides = array<i32>} : memref<128x193xf32, #tpu.memory_space<vmem>>, vector<1x16xf32>,
        %parallel_loop3A_237 = arith.constant 4 : i32
        %parallel_loop3A_238 = arith.muli %parallel_loop3A_237, %parallel_loop3A_169 : i32
        %parallel_loop3A_239 = arith.index_cast %parallel_loop3A_238 : i32 to index
        %parallel_loop3A_240 = tpu.vector_load %arg21[%parallel_loop3A_239] {strides = array<i32>} : memref<528xi32, #tpu.memory_space<vmem>>, vector<16xi32>,
        %parallel_loop3A_241 = vector.shape_cast %parallel_loop3A_240 : vector<16xi32> to vector<16xi32>
        %parallel_loop3A_242 = arith.constant 0 : i32
        %parallel_loop3A_243 = vector.broadcast %parallel_loop3A_242 : i32 to vector<16xi32>
        %parallel_loop3A_244 = arith.cmpi ne, %parallel_loop3A_241, %parallel_loop3A_243 : vector<16xi32>
        %parallel_loop3A_245 = arith.constant 1.000000e+00 : f32
        %parallel_loop3A_246 = arith.constant 0.000000e+00 : f32
        %parallel_loop3A_247 = vector.broadcast %parallel_loop3A_245 : f32 to vector<16xf32>
        %parallel_loop3A_248 = vector.broadcast %parallel_loop3A_246 : f32 to vector<16xf32>
        %parallel_loop3A_249 = arith.select %parallel_loop3A_244, %parallel_loop3A_247, %parallel_loop3A_248 : vector<16xi1>, vector<16xf32>
        %parallel_loop3A_250 = vector.extract_strided_slice %parallel_loop3A_249 {offsets = [0], sizes = [1], strides = [1]} : vector<16xf32> to vector<1xf32>
        %parallel_loop3A_251 = vector.extract %parallel_loop3A_250[0] : f32 from vector<1xf32>
        %parallel_loop3A_252 = vector.extract_strided_slice %parallel_loop3A_249 {offsets = [1], sizes = [1], strides = [1]} : vector<16xf32> to vector<1xf32>
        %parallel_loop3A_253 = vector.extract %parallel_loop3A_252[0] : f32 from vector<1xf32>
        %parallel_loop3A_254 = vector.extract_strided_slice %parallel_loop3A_249 {offsets = [2], sizes = [1], strides = [1]} : vector<16xf32> to vector<1xf32>
        %parallel_loop3A_255 = vector.extract %parallel_loop3A_254[0] : f32 from vector<1xf32>
        %parallel_loop3A_256 = vector.extract_strided_slice %parallel_loop3A_249 {offsets = [3], sizes = [1], strides = [1]} : vector<16xf32> to vector<1xf32>
        %parallel_loop3A_257 = vector.extract %parallel_loop3A_256[0] : f32 from vector<1xf32>
        %parallel_loop3A_258 = arith.addf %parallel_loop3A_251, %parallel_loop3A_253 : f32
        %parallel_loop3A_259 = arith.addf %parallel_loop3A_258, %parallel_loop3A_255 : f32
        %parallel_loop3A_260 = arith.addf %parallel_loop3A_259, %parallel_loop3A_257 : f32
        %parallel_loop3A_261 = arith.constant 1.500000e+00 : f32
        %parallel_loop3A_262 = arith.cmpf olt, %parallel_loop3A_260, %parallel_loop3A_261 : f32
        %parallel_loop3A_263 = arith.constant 2.500000e+00 : f32
        %parallel_loop3A_264 = arith.cmpf olt, %parallel_loop3A_260, %parallel_loop3A_263 : f32
        %parallel_loop3A_265 = arith.constant 3.500000e+00 : f32
        %parallel_loop3A_266 = arith.cmpf olt, %parallel_loop3A_260, %parallel_loop3A_265 : f32
        %parallel_loop3A_267 = arith.constant 0.333333343 : f32
        %parallel_loop3A_268 = arith.constant 2.500000e-01 : f32
        %parallel_loop3A_269 = arith.select %parallel_loop3A_266, %parallel_loop3A_267, %parallel_loop3A_268 : f32
        %parallel_loop3A_270 = arith.constant 5.000000e-01 : f32
        %parallel_loop3A_271 = arith.select %parallel_loop3A_264, %parallel_loop3A_270, %parallel_loop3A_269 : f32
        %parallel_loop3A_272 = arith.constant 1.000000e+00 : f32
        %parallel_loop3A_273 = arith.select %parallel_loop3A_262, %parallel_loop3A_272, %parallel_loop3A_271 : f32
        %parallel_loop3A_274 = arith.constant 0.000000e+00 : f32
        %parallel_loop3A_275 = vector.broadcast %parallel_loop3A_274 : f32 to vector<16xf32>
        %parallel_loop3A_276 = arith.constant 0.000000e+00 : f32
        %parallel_loop3A_277 = vector.broadcast %parallel_loop3A_276 : f32 to vector<16xf32>
        %parallel_loop3A_278 = arith.mulf %parallel_loop3A_251, %parallel_loop3A_273 : f32
        %parallel_loop3A_279 = arith.constant 4 : i32
        %parallel_loop3A_280 = arith.muli %parallel_loop3A_279, %parallel_loop3A_169 : i32
        %parallel_loop3A_281 = arith.constant 0 : i32
        %parallel_loop3A_282 = arith.addi %parallel_loop3A_280, %parallel_loop3A_281 : i32
        %parallel_loop3A_283 = arith.index_cast %parallel_loop3A_282 : i32 to index
        %parallel_loop3A_284 = arith.constant 0 : index
        %parallel_loop3A_285 = tpu.vector_load %arg27[%parallel_loop3A_283, %parallel_loop3A_284] {strides = array<i32>} : memref<512x32xf32, #tpu.memory_space<vmem>>, vector<1x16xf32>,
        %parallel_loop3A_286 = vector.shape_cast %parallel_loop3A_285 : vector<1x16xf32> to vector<16xf32>
        %parallel_loop3A_287 = vector.broadcast %parallel_loop3A_278 : f32 to vector<16xf32>
        %parallel_loop3A_288 = arith.mulf %parallel_loop3A_287, %parallel_loop3A_286 : vector<16xf32>
        %parallel_loop3A_289 = arith.addf %parallel_loop3A_275, %parallel_loop3A_288 : vector<16xf32>
        %parallel_loop3A_290 = arith.constant 4 : i32
        %parallel_loop3A_291 = arith.muli %parallel_loop3A_290, %parallel_loop3A_169 : i32
        %parallel_loop3A_292 = arith.constant 0 : i32
        %parallel_loop3A_293 = arith.addi %parallel_loop3A_291, %parallel_loop3A_292 : i32
        %parallel_loop3A_294 = arith.index_cast %parallel_loop3A_293 : i32 to index
        %parallel_loop3A_295 = arith.constant 16 : index
        %parallel_loop3A_296 = tpu.vector_load %arg27[%parallel_loop3A_294, %parallel_loop3A_295] {strides = array<i32>} : memref<512x32xf32, #tpu.memory_space<vmem>>, vector<1x16xf32>,
        %parallel_loop3A_297 = vector.shape_cast %parallel_loop3A_296 : vector<1x16xf32> to vector<16xf32>
        %parallel_loop3A_298 = vector.broadcast %parallel_loop3A_278 : f32 to vector<16xf32>
        %parallel_loop3A_299 = arith.mulf %parallel_loop3A_298, %parallel_loop3A_297 : vector<16xf32>
        %parallel_loop3A_300 = arith.addf %parallel_loop3A_277, %parallel_loop3A_299 : vector<16xf32>
        %parallel_loop3A_301 = arith.mulf %parallel_loop3A_253, %parallel_loop3A_273 : f32
        %parallel_loop3A_302 = arith.constant 4 : i32
        %parallel_loop3A_303 = arith.muli %parallel_loop3A_302, %parallel_loop3A_169 : i32
        %parallel_loop3A_304 = arith.constant 1 : i32
        %parallel_loop3A_305 = arith.addi %parallel_loop3A_303, %parallel_loop3A_304 : i32
        %parallel_loop3A_306 = arith.index_cast %parallel_loop3A_305 : i32 to index
        %parallel_loop3A_307 = arith.constant 0 : index
        %parallel_loop3A_308 = tpu.vector_load %arg27[%parallel_loop3A_306, %parallel_loop3A_307] {strides = array<i32>} : memref<512x32xf32, #tpu.memory_space<vmem>>, vector<1x16xf32>,
        %parallel_loop3A_309 = vector.shape_cast %parallel_loop3A_308 : vector<1x16xf32> to vector<16xf32>
        %parallel_loop3A_310 = vector.broadcast %parallel_loop3A_301 : f32 to vector<16xf32>
        %parallel_loop3A_311 = arith.mulf %parallel_loop3A_310, %parallel_loop3A_309 : vector<16xf32>
        %parallel_loop3A_312 = arith.addf %parallel_loop3A_289, %parallel_loop3A_311 : vector<16xf32>
        %parallel_loop3A_313 = arith.constant 4 : i32
        %parallel_loop3A_314 = arith.muli %parallel_loop3A_313, %parallel_loop3A_169 : i32
        %parallel_loop3A_315 = arith.constant 1 : i32
        %parallel_loop3A_316 = arith.addi %parallel_loop3A_314, %parallel_loop3A_315 : i32
        %parallel_loop3A_317 = arith.index_cast %parallel_loop3A_316 : i32 to index
        %parallel_loop3A_318 = arith.constant 16 : index
        %parallel_loop3A_319 = tpu.vector_load %arg27[%parallel_loop3A_317, %parallel_loop3A_318] {strides = array<i32>} : memref<512x32xf32, #tpu.memory_space<vmem>>, vector<1x16xf32>,
        %parallel_loop3A_320 = vector.shape_cast %parallel_loop3A_319 : vector<1x16xf32> to vector<16xf32>
        %parallel_loop3A_321 = vector.broadcast %parallel_loop3A_301 : f32 to vector<16xf32>
        %parallel_loop3A_322 = arith.mulf %parallel_loop3A_321, %parallel_loop3A_320 : vector<16xf32>
        %parallel_loop3A_323 = arith.addf %parallel_loop3A_300, %parallel_loop3A_322 : vector<16xf32>
        %parallel_loop3A_324 = arith.mulf %parallel_loop3A_255, %parallel_loop3A_273 : f32
        %parallel_loop3A_325 = arith.constant 4 : i32
        %parallel_loop3A_326 = arith.muli %parallel_loop3A_325, %parallel_loop3A_169 : i32
        %parallel_loop3A_327 = arith.constant 2 : i32
        %parallel_loop3A_328 = arith.addi %parallel_loop3A_326, %parallel_loop3A_327 : i32
        %parallel_loop3A_329 = arith.index_cast %parallel_loop3A_328 : i32 to index
        %parallel_loop3A_330 = arith.constant 0 : index
        %parallel_loop3A_331 = tpu.vector_load %arg27[%parallel_loop3A_329, %parallel_loop3A_330] {strides = array<i32>} : memref<512x32xf32, #tpu.memory_space<vmem>>, vector<1x16xf32>,
        %parallel_loop3A_332 = vector.shape_cast %parallel_loop3A_331 : vector<1x16xf32> to vector<16xf32>
        %parallel_loop3A_333 = vector.broadcast %parallel_loop3A_324 : f32 to vector<16xf32>
        %parallel_loop3A_334 = arith.mulf %parallel_loop3A_333, %parallel_loop3A_332 : vector<16xf32>
        %parallel_loop3A_335 = arith.addf %parallel_loop3A_312, %parallel_loop3A_334 : vector<16xf32>
        %parallel_loop3A_336 = arith.constant 4 : i32
        %parallel_loop3A_337 = arith.muli %parallel_loop3A_336, %parallel_loop3A_169 : i32
        %parallel_loop3A_338 = arith.constant 2 : i32
        %parallel_loop3A_339 = arith.addi %parallel_loop3A_337, %parallel_loop3A_338 : i32
        %parallel_loop3A_340 = arith.index_cast %parallel_loop3A_339 : i32 to index
        %parallel_loop3A_341 = arith.constant 16 : index
        %parallel_loop3A_342 = tpu.vector_load %arg27[%parallel_loop3A_340, %parallel_loop3A_341] {strides = array<i32>} : memref<512x32xf32, #tpu.memory_space<vmem>>, vector<1x16xf32>,
        %parallel_loop3A_343 = vector.shape_cast %parallel_loop3A_342 : vector<1x16xf32> to vector<16xf32>
        %parallel_loop3A_344 = vector.broadcast %parallel_loop3A_324 : f32 to vector<16xf32>
        %parallel_loop3A_345 = arith.mulf %parallel_loop3A_344, %parallel_loop3A_343 : vector<16xf32>
        %parallel_loop3A_346 = arith.addf %parallel_loop3A_323, %parallel_loop3A_345 : vector<16xf32>
        %parallel_loop3A_347 = arith.mulf %parallel_loop3A_257, %parallel_loop3A_273 : f32
        %parallel_loop3A_348 = arith.constant 4 : i32
        %parallel_loop3A_349 = arith.muli %parallel_loop3A_348, %parallel_loop3A_169 : i32
        %parallel_loop3A_350 = arith.constant 3 : i32
        %parallel_loop3A_351 = arith.addi %parallel_loop3A_349, %parallel_loop3A_350 : i32
        %parallel_loop3A_352 = arith.index_cast %parallel_loop3A_351 : i32 to index
        %parallel_loop3A_353 = arith.constant 0 : index
        %parallel_loop3A_354 = tpu.vector_load %arg27[%parallel_loop3A_352, %parallel_loop3A_353] {strides = array<i32>} : memref<512x32xf32, #tpu.memory_space<vmem>>, vector<1x16xf32>,
        %parallel_loop3A_355 = vector.shape_cast %parallel_loop3A_354 : vector<1x16xf32> to vector<16xf32>
        %parallel_loop3A_356 = vector.broadcast %parallel_loop3A_347 : f32 to vector<16xf32>
        %parallel_loop3A_357 = arith.mulf %parallel_loop3A_356, %parallel_loop3A_355 : vector<16xf32>
        %parallel_loop3A_358 = arith.addf %parallel_loop3A_335, %parallel_loop3A_357 : vector<16xf32>
        %parallel_loop3A_359 = arith.constant 4 : i32
        %parallel_loop3A_360 = arith.muli %parallel_loop3A_359, %parallel_loop3A_169 : i32
        %parallel_loop3A_361 = arith.constant 3 : i32
        %parallel_loop3A_362 = arith.addi %parallel_loop3A_360, %parallel_loop3A_361 : i32
        %parallel_loop3A_363 = arith.index_cast %parallel_loop3A_362 : i32 to index
        %parallel_loop3A_364 = arith.constant 16 : index
        %parallel_loop3A_365 = tpu.vector_load %arg27[%parallel_loop3A_363, %parallel_loop3A_364] {strides = array<i32>} : memref<512x32xf32, #tpu.memory_space<vmem>>, vector<1x16xf32>,
        %parallel_loop3A_366 = vector.shape_cast %parallel_loop3A_365 : vector<1x16xf32> to vector<16xf32>
        %parallel_loop3A_367 = vector.broadcast %parallel_loop3A_347 : f32 to vector<16xf32>
        %parallel_loop3A_368 = arith.mulf %parallel_loop3A_367, %parallel_loop3A_366 : vector<16xf32>
        %parallel_loop3A_369 = arith.addf %parallel_loop3A_346, %parallel_loop3A_368 : vector<16xf32>
        %parallel_loop3A_370 = arith.index_cast %parallel_loop3A_169 : i32 to index
        %parallel_loop3A_371 = arith.constant 97 : index
        %parallel_loop3A_372 = tpu.vector_load %arg29[%parallel_loop3A_370, %parallel_loop3A_371] {strides = array<i32>} : memref<128x193xf32, #tpu.memory_space<vmem>>, vector<1x16xf32>,
        %parallel_loop3A_373 = vector.shape_cast %parallel_loop3A_372 : vector<1x16xf32> to vector<16xf32>
        %parallel_loop3A_374 = vector.shape_cast %parallel_loop3A_358 : vector<16xf32> to vector<1x16xf32>
        tpu.vector_store %arg29[%parallel_loop3A_370, %parallel_loop3A_371], %parallel_loop3A_374 {strides = array<i32>} : memref<128x193xf32, #tpu.memory_space<vmem>>, vector<1x16xf32>,
        %parallel_loop3A_375 = arith.index_cast %parallel_loop3A_169 : i32 to index
        %parallel_loop3A_376 = arith.constant 113 : index
        %parallel_loop3A_377 = tpu.vector_load %arg29[%parallel_loop3A_375, %parallel_loop3A_376] {strides = array<i32>} : memref<128x193xf32, #tpu.memory_space<vmem>>, vector<1x16xf32>,
        %parallel_loop3A_378 = vector.shape_cast %parallel_loop3A_377 : vector<1x16xf32> to vector<16xf32>
        %parallel_loop3A_379 = vector.shape_cast %parallel_loop3A_369 : vector<16xf32> to vector<1x16xf32>
        tpu.vector_store %arg29[%parallel_loop3A_375, %parallel_loop3A_376], %parallel_loop3A_379 {strides = array<i32>} : memref<128x193xf32, #tpu.memory_space<vmem>>, vector<1x16xf32>,
        %parallel_loop3A_380 = arith.index_cast %parallel_loop3A_169 : i32 to index
        %parallel_loop3A_381 = arith.constant 0 : index
        %parallel_loop3A_382 = tpu.vector_load %arg26[%parallel_loop3A_380, %parallel_loop3A_381] {strides = array<i32>} : memref<128x32xf32, #tpu.memory_space<vmem>>, vector<1x16xf32>,
        %parallel_loop3A_383 = vector.shape_cast %parallel_loop3A_382 : vector<1x16xf32> to vector<16xf32>
        %parallel_loop3A_384 = arith.index_cast %parallel_loop3A_169 : i32 to index
        %parallel_loop3A_385 = arith.constant 129 : index
        %parallel_loop3A_386 = tpu.vector_load %arg29[%parallel_loop3A_384, %parallel_loop3A_385] {strides = array<i32>} : memref<128x193xf32, #tpu.memory_space<vmem>>, vector<1x16xf32>,
        %parallel_loop3A_387 = vector.shape_cast %parallel_loop3A_386 : vector<1x16xf32> to vector<16xf32>
        %parallel_loop3A_388 = vector.shape_cast %parallel_loop3A_383 : vector<16xf32> to vector<1x16xf32>
        tpu.vector_store %arg29[%parallel_loop3A_384, %parallel_loop3A_385], %parallel_loop3A_388 {strides = array<i32>} : memref<128x193xf32, #tpu.memory_space<vmem>>, vector<1x16xf32>,
        %parallel_loop3A_389 = arith.index_cast %parallel_loop3A_169 : i32 to index
        %parallel_loop3A_390 = arith.constant 16 : index
        %parallel_loop3A_391 = tpu.vector_load %arg26[%parallel_loop3A_389, %parallel_loop3A_390] {strides = array<i32>} : memref<128x32xf32, #tpu.memory_space<vmem>>, vector<1x16xf32>,
        %parallel_loop3A_392 = vector.shape_cast %parallel_loop3A_391 : vector<1x16xf32> to vector<16xf32>
        %parallel_loop3A_393 = arith.index_cast %parallel_loop3A_169 : i32 to index
        %parallel_loop3A_394 = arith.constant 145 : index
        %parallel_loop3A_395 = tpu.vector_load %arg29[%parallel_loop3A_393, %parallel_loop3A_394] {strides = array<i32>} : memref<128x193xf32, #tpu.memory_space<vmem>>, vector<1x16xf32>,
        %parallel_loop3A_396 = vector.shape_cast %parallel_loop3A_395 : vector<1x16xf32> to vector<16xf32>
        %parallel_loop3A_397 = vector.shape_cast %parallel_loop3A_392 : vector<16xf32> to vector<1x16xf32>
        tpu.vector_store %arg29[%parallel_loop3A_393, %parallel_loop3A_394], %parallel_loop3A_397 {strides = array<i32>} : memref<128x193xf32, #tpu.memory_space<vmem>>, vector<1x16xf32>,
        %parallel_loop3A_398 = arith.constant 4 : i32
        %parallel_loop3A_399 = arith.muli %parallel_loop3A_398, %parallel_loop3A_169 : i32
        %parallel_loop3A_400 = arith.index_cast %parallel_loop3A_399 : i32 to index
        %parallel_loop3A_401 = tpu.vector_load %arg22[%parallel_loop3A_400] {strides = array<i32>} : memref<528xi32, #tpu.memory_space<vmem>>, vector<16xi32>,
        %parallel_loop3A_402 = vector.shape_cast %parallel_loop3A_401 : vector<16xi32> to vector<16xi32>
        %parallel_loop3A_403 = arith.constant 0 : i32
        %parallel_loop3A_404 = vector.broadcast %parallel_loop3A_403 : i32 to vector<16xi32>
        %parallel_loop3A_405 = arith.cmpi ne, %parallel_loop3A_402, %parallel_loop3A_404 : vector<16xi32>
        %parallel_loop3A_406 = arith.constant 1.000000e+00 : f32
        %parallel_loop3A_407 = arith.constant 0.000000e+00 : f32
        %parallel_loop3A_408 = vector.broadcast %parallel_loop3A_406 : f32 to vector<16xf32>
        %parallel_loop3A_409 = vector.broadcast %parallel_loop3A_407 : f32 to vector<16xf32>
        %parallel_loop3A_410 = arith.select %parallel_loop3A_405, %parallel_loop3A_408, %parallel_loop3A_409 : vector<16xi1>, vector<16xf32>
        %parallel_loop3A_411 = vector.extract_strided_slice %parallel_loop3A_410 {offsets = [0], sizes = [1], strides = [1]} : vector<16xf32> to vector<1xf32>
        %parallel_loop3A_412 = vector.extract %parallel_loop3A_411[0] : f32 from vector<1xf32>
        %parallel_loop3A_413 = vector.extract_strided_slice %parallel_loop3A_410 {offsets = [1], sizes = [1], strides = [1]} : vector<16xf32> to vector<1xf32>
        %parallel_loop3A_414 = vector.extract %parallel_loop3A_413[0] : f32 from vector<1xf32>
        %parallel_loop3A_415 = vector.extract_strided_slice %parallel_loop3A_410 {offsets = [2], sizes = [1], strides = [1]} : vector<16xf32> to vector<1xf32>
        %parallel_loop3A_416 = vector.extract %parallel_loop3A_415[0] : f32 from vector<1xf32>
        %parallel_loop3A_417 = vector.extract_strided_slice %parallel_loop3A_410 {offsets = [3], sizes = [1], strides = [1]} : vector<16xf32> to vector<1xf32>
        %parallel_loop3A_418 = vector.extract %parallel_loop3A_417[0] : f32 from vector<1xf32>
        %parallel_loop3A_419 = arith.addf %parallel_loop3A_412, %parallel_loop3A_414 : f32
        %parallel_loop3A_420 = arith.addf %parallel_loop3A_419, %parallel_loop3A_416 : f32
        %parallel_loop3A_421 = arith.addf %parallel_loop3A_420, %parallel_loop3A_418 : f32
        %parallel_loop3A_422 = arith.constant 1.500000e+00 : f32
        %parallel_loop3A_423 = arith.cmpf olt, %parallel_loop3A_421, %parallel_loop3A_422 : f32
        %parallel_loop3A_424 = arith.constant 2.500000e+00 : f32
        %parallel_loop3A_425 = arith.cmpf olt, %parallel_loop3A_421, %parallel_loop3A_424 : f32
        %parallel_loop3A_426 = arith.constant 3.500000e+00 : f32
        %parallel_loop3A_427 = arith.cmpf olt, %parallel_loop3A_421, %parallel_loop3A_426 : f32
        %parallel_loop3A_428 = arith.constant 0.333333343 : f32
        %parallel_loop3A_429 = arith.constant 2.500000e-01 : f32
        %parallel_loop3A_430 = arith.select %parallel_loop3A_427, %parallel_loop3A_428, %parallel_loop3A_429 : f32
        %parallel_loop3A_431 = arith.constant 5.000000e-01 : f32
        %parallel_loop3A_432 = arith.select %parallel_loop3A_425, %parallel_loop3A_431, %parallel_loop3A_430 : f32
        %parallel_loop3A_433 = arith.constant 1.000000e+00 : f32
        %parallel_loop3A_434 = arith.select %parallel_loop3A_423, %parallel_loop3A_433, %parallel_loop3A_432 : f32
        %parallel_loop3A_435 = arith.constant 0.000000e+00 : f32
        %parallel_loop3A_436 = vector.broadcast %parallel_loop3A_435 : f32 to vector<16xf32>
        %parallel_loop3A_437 = arith.constant 0.000000e+00 : f32
        %parallel_loop3A_438 = vector.broadcast %parallel_loop3A_437 : f32 to vector<16xf32>
        %parallel_loop3A_439 = arith.mulf %parallel_loop3A_412, %parallel_loop3A_434 : f32
        %parallel_loop3A_440 = arith.constant 4 : i32
        %parallel_loop3A_441 = arith.muli %parallel_loop3A_440, %parallel_loop3A_169 : i32
        %parallel_loop3A_442 = arith.constant 0 : i32
        %parallel_loop3A_443 = arith.addi %parallel_loop3A_441, %parallel_loop3A_442 : i32
        %parallel_loop3A_444 = arith.index_cast %parallel_loop3A_443 : i32 to index
        %parallel_loop3A_445 = arith.constant 0 : index
        %parallel_loop3A_446 = tpu.vector_load %arg28[%parallel_loop3A_444, %parallel_loop3A_445] {strides = array<i32>} : memref<512x32xf32, #tpu.memory_space<vmem>>, vector<1x16xf32>,
        %parallel_loop3A_447 = vector.shape_cast %parallel_loop3A_446 : vector<1x16xf32> to vector<16xf32>
        %parallel_loop3A_448 = vector.broadcast %parallel_loop3A_439 : f32 to vector<16xf32>
        %parallel_loop3A_449 = arith.mulf %parallel_loop3A_448, %parallel_loop3A_447 : vector<16xf32>
        %parallel_loop3A_450 = arith.addf %parallel_loop3A_436, %parallel_loop3A_449 : vector<16xf32>
        %parallel_loop3A_451 = arith.constant 4 : i32
        %parallel_loop3A_452 = arith.muli %parallel_loop3A_451, %parallel_loop3A_169 : i32
        %parallel_loop3A_453 = arith.constant 0 : i32
        %parallel_loop3A_454 = arith.addi %parallel_loop3A_452, %parallel_loop3A_453 : i32
        %parallel_loop3A_455 = arith.index_cast %parallel_loop3A_454 : i32 to index
        %parallel_loop3A_456 = arith.constant 16 : index
        %parallel_loop3A_457 = tpu.vector_load %arg28[%parallel_loop3A_455, %parallel_loop3A_456] {strides = array<i32>} : memref<512x32xf32, #tpu.memory_space<vmem>>, vector<1x16xf32>,
        %parallel_loop3A_458 = vector.shape_cast %parallel_loop3A_457 : vector<1x16xf32> to vector<16xf32>
        %parallel_loop3A_459 = vector.broadcast %parallel_loop3A_439 : f32 to vector<16xf32>
        %parallel_loop3A_460 = arith.mulf %parallel_loop3A_459, %parallel_loop3A_458 : vector<16xf32>
        %parallel_loop3A_461 = arith.addf %parallel_loop3A_438, %parallel_loop3A_460 : vector<16xf32>
        %parallel_loop3A_462 = arith.mulf %parallel_loop3A_414, %parallel_loop3A_434 : f32
        %parallel_loop3A_463 = arith.constant 4 : i32
        %parallel_loop3A_464 = arith.muli %parallel_loop3A_463, %parallel_loop3A_169 : i32
        %parallel_loop3A_465 = arith.constant 1 : i32
        %parallel_loop3A_466 = arith.addi %parallel_loop3A_464, %parallel_loop3A_465 : i32
        %parallel_loop3A_467 = arith.index_cast %parallel_loop3A_466 : i32 to index
        %parallel_loop3A_468 = arith.constant 0 : index
        %parallel_loop3A_469 = tpu.vector_load %arg28[%parallel_loop3A_467, %parallel_loop3A_468] {strides = array<i32>} : memref<512x32xf32, #tpu.memory_space<vmem>>, vector<1x16xf32>,
        %parallel_loop3A_470 = vector.shape_cast %parallel_loop3A_469 : vector<1x16xf32> to vector<16xf32>
        %parallel_loop3A_471 = vector.broadcast %parallel_loop3A_462 : f32 to vector<16xf32>
        %parallel_loop3A_472 = arith.mulf %parallel_loop3A_471, %parallel_loop3A_470 : vector<16xf32>
        %parallel_loop3A_473 = arith.addf %parallel_loop3A_450, %parallel_loop3A_472 : vector<16xf32>
        %parallel_loop3A_474 = arith.constant 4 : i32
        %parallel_loop3A_475 = arith.muli %parallel_loop3A_474, %parallel_loop3A_169 : i32
        %parallel_loop3A_476 = arith.constant 1 : i32
        %parallel_loop3A_477 = arith.addi %parallel_loop3A_475, %parallel_loop3A_476 : i32
        %parallel_loop3A_478 = arith.index_cast %parallel_loop3A_477 : i32 to index
        %parallel_loop3A_479 = arith.constant 16 : index
        %parallel_loop3A_480 = tpu.vector_load %arg28[%parallel_loop3A_478, %parallel_loop3A_479] {strides = array<i32>} : memref<512x32xf32, #tpu.memory_space<vmem>>, vector<1x16xf32>,
        %parallel_loop3A_481 = vector.shape_cast %parallel_loop3A_480 : vector<1x16xf32> to vector<16xf32>
        %parallel_loop3A_482 = vector.broadcast %parallel_loop3A_462 : f32 to vector<16xf32>
        %parallel_loop3A_483 = arith.mulf %parallel_loop3A_482, %parallel_loop3A_481 : vector<16xf32>
        %parallel_loop3A_484 = arith.addf %parallel_loop3A_461, %parallel_loop3A_483 : vector<16xf32>
        %parallel_loop3A_485 = arith.mulf %parallel_loop3A_416, %parallel_loop3A_434 : f32
        %parallel_loop3A_486 = arith.constant 4 : i32
        %parallel_loop3A_487 = arith.muli %parallel_loop3A_486, %parallel_loop3A_169 : i32
        %parallel_loop3A_488 = arith.constant 2 : i32
        %parallel_loop3A_489 = arith.addi %parallel_loop3A_487, %parallel_loop3A_488 : i32
        %parallel_loop3A_490 = arith.index_cast %parallel_loop3A_489 : i32 to index
        %parallel_loop3A_491 = arith.constant 0 : index
        %parallel_loop3A_492 = tpu.vector_load %arg28[%parallel_loop3A_490, %parallel_loop3A_491] {strides = array<i32>} : memref<512x32xf32, #tpu.memory_space<vmem>>, vector<1x16xf32>,
        %parallel_loop3A_493 = vector.shape_cast %parallel_loop3A_492 : vector<1x16xf32> to vector<16xf32>
        %parallel_loop3A_494 = vector.broadcast %parallel_loop3A_485 : f32 to vector<16xf32>
        %parallel_loop3A_495 = arith.mulf %parallel_loop3A_494, %parallel_loop3A_493 : vector<16xf32>
        %parallel_loop3A_496 = arith.addf %parallel_loop3A_473, %parallel_loop3A_495 : vector<16xf32>
        %parallel_loop3A_497 = arith.constant 4 : i32
        %parallel_loop3A_498 = arith.muli %parallel_loop3A_497, %parallel_loop3A_169 : i32
        %parallel_loop3A_499 = arith.constant 2 : i32
        %parallel_loop3A_500 = arith.addi %parallel_loop3A_498, %parallel_loop3A_499 : i32
        %parallel_loop3A_501 = arith.index_cast %parallel_loop3A_500 : i32 to index
        %parallel_loop3A_502 = arith.constant 16 : index
        %parallel_loop3A_503 = tpu.vector_load %arg28[%parallel_loop3A_501, %parallel_loop3A_502] {strides = array<i32>} : memref<512x32xf32, #tpu.memory_space<vmem>>, vector<1x16xf32>,
        %parallel_loop3A_504 = vector.shape_cast %parallel_loop3A_503 : vector<1x16xf32> to vector<16xf32>
        %parallel_loop3A_505 = vector.broadcast %parallel_loop3A_485 : f32 to vector<16xf32>
        %parallel_loop3A_506 = arith.mulf %parallel_loop3A_505, %parallel_loop3A_504 : vector<16xf32>
        %parallel_loop3A_507 = arith.addf %parallel_loop3A_484, %parallel_loop3A_506 : vector<16xf32>
        %parallel_loop3A_508 = arith.mulf %parallel_loop3A_418, %parallel_loop3A_434 : f32
        %parallel_loop3A_509 = arith.constant 4 : i32
        %parallel_loop3A_510 = arith.muli %parallel_loop3A_509, %parallel_loop3A_169 : i32
        %parallel_loop3A_511 = arith.constant 3 : i32
        %parallel_loop3A_512 = arith.addi %parallel_loop3A_510, %parallel_loop3A_511 : i32
        %parallel_loop3A_513 = arith.index_cast %parallel_loop3A_512 : i32 to index
        %parallel_loop3A_514 = arith.constant 0 : index
        %parallel_loop3A_515 = tpu.vector_load %arg28[%parallel_loop3A_513, %parallel_loop3A_514] {strides = array<i32>} : memref<512x32xf32, #tpu.memory_space<vmem>>, vector<1x16xf32>,
        %parallel_loop3A_516 = vector.shape_cast %parallel_loop3A_515 : vector<1x16xf32> to vector<16xf32>
        %parallel_loop3A_517 = vector.broadcast %parallel_loop3A_508 : f32 to vector<16xf32>
        %parallel_loop3A_518 = arith.mulf %parallel_loop3A_517, %parallel_loop3A_516 : vector<16xf32>
        %parallel_loop3A_519 = arith.addf %parallel_loop3A_496, %parallel_loop3A_518 : vector<16xf32>
        %parallel_loop3A_520 = arith.constant 4 : i32
        %parallel_loop3A_521 = arith.muli %parallel_loop3A_520, %parallel_loop3A_169 : i32
        %parallel_loop3A_522 = arith.constant 3 : i32
        %parallel_loop3A_523 = arith.addi %parallel_loop3A_521, %parallel_loop3A_522 : i32
        %parallel_loop3A_524 = arith.index_cast %parallel_loop3A_523 : i32 to index
        %parallel_loop3A_525 = arith.constant 16 : index
        %parallel_loop3A_526 = tpu.vector_load %arg28[%parallel_loop3A_524, %parallel_loop3A_525] {strides = array<i32>} : memref<512x32xf32, #tpu.memory_space<vmem>>, vector<1x16xf32>,
        %parallel_loop3A_527 = vector.shape_cast %parallel_loop3A_526 : vector<1x16xf32> to vector<16xf32>
        %parallel_loop3A_528 = vector.broadcast %parallel_loop3A_508 : f32 to vector<16xf32>
        %parallel_loop3A_529 = arith.mulf %parallel_loop3A_528, %parallel_loop3A_527 : vector<16xf32>
        %parallel_loop3A_530 = arith.addf %parallel_loop3A_507, %parallel_loop3A_529 : vector<16xf32>
        %parallel_loop3A_531 = arith.index_cast %parallel_loop3A_169 : i32 to index
        %parallel_loop3A_532 = arith.constant 161 : index
        %parallel_loop3A_533 = tpu.vector_load %arg29[%parallel_loop3A_531, %parallel_loop3A_532] {strides = array<i32>} : memref<128x193xf32, #tpu.memory_space<vmem>>, vector<1x16xf32>,
        %parallel_loop3A_534 = vector.shape_cast %parallel_loop3A_533 : vector<1x16xf32> to vector<16xf32>
        %parallel_loop3A_535 = vector.shape_cast %parallel_loop3A_519 : vector<16xf32> to vector<1x16xf32>
        tpu.vector_store %arg29[%parallel_loop3A_531, %parallel_loop3A_532], %parallel_loop3A_535 {strides = array<i32>} : memref<128x193xf32, #tpu.memory_space<vmem>>, vector<1x16xf32>,
        %parallel_loop3A_536 = arith.index_cast %parallel_loop3A_169 : i32 to index
        %parallel_loop3A_537 = arith.constant 177 : index
        %parallel_loop3A_538 = tpu.vector_load %arg29[%parallel_loop3A_536, %parallel_loop3A_537] {strides = array<i32>} : memref<128x193xf32, #tpu.memory_space<vmem>>, vector<1x16xf32>,
        %parallel_loop3A_539 = vector.shape_cast %parallel_loop3A_538 : vector<1x16xf32> to vector<16xf32>
        %parallel_loop3A_540 = vector.shape_cast %parallel_loop3A_530 : vector<16xf32> to vector<1x16xf32>
        tpu.vector_store %arg29[%parallel_loop3A_536, %parallel_loop3A_537], %parallel_loop3A_540 {strides = array<i32>} : memref<128x193xf32, #tpu.memory_space<vmem>>, vector<1x16xf32>,
      } {sc.loop_unroll_factor = 2 : i64, sc.parallel_access}
      "tpu.region"() ({
        %run_scoped3A = tpu.sem_alloc : memref<!tpu.dma_semaphore, #tpu.memory_space<semaphore_mem>>
        %dma_start3A_169 = arith.constant 0 : i32
        %dma_start3A_170 = tpu.memref_slice %arg16[%add3A_18, %dma_start3A_169] : memref<16384x193xf32, #tpu.memory_space<hbm>> -> memref<128x193xf32, #tpu.memory_space<hbm>>
        %dma_start3A_171 = arith.constant 0 : i32
        %dma_start3A_172 = tpu.memref_slice %arg16[%add3A_18, %dma_start3A_171] : memref<16384x193xf32, #tpu.memory_space<hbm>> -> memref<128x193xf32, #tpu.memory_space<hbm>>
        tpu.enqueue_dma source(%arg29 : memref<128x193xf32, #tpu.memory_space<vmem>>) target(%dma_start3A_172 : memref<128x193xf32, #tpu.memory_space<hbm>>) target_semaphore(%run_scoped3A : memref<!tpu.dma_semaphore, #tpu.memory_space<semaphore_mem>>)
        %dma_wait3A_173 = arith.constant 0 : i32
        %dma_wait3A_174 = tpu.memref_slice %arg16[%add3A_18, %dma_wait3A_173] : memref<16384x193xf32, #tpu.memory_space<hbm>> -> memref<128x193xf32, #tpu.memory_space<hbm>>
        %dma_wait3A_175 = arith.constant 0 : i32
        %dma_wait3A_176 = tpu.memref_slice %arg16[%add3A_18, %dma_wait3A_175] : memref<16384x193xf32, #tpu.memory_space<hbm>> -> memref<128x193xf32, #tpu.memory_space<hbm>>
        tpu.wait_dma2 semaphore(%run_scoped3A : memref<!tpu.dma_semaphore, #tpu.memory_space<semaphore_mem>>) src(%arg29 : memref<128x193xf32, #tpu.memory_space<vmem>>) dst(%dma_wait3A_176 : memref<128x193xf32, #tpu.memory_space<hbm>>)
        tpu.yield
      }) : () -> ()
    }
    %scan3A_14 = arith.constant 4 : i32
    return
  }
}

</mosaic_0001>

<sc_bundles>
// kernel: kernel.4.cloned.1.call-start
scs
__scs_entry_jumppad:
0x0: {  	(pc) =	sbr.rel $0x88, $3  }
0x1: {  	(tag) =	ssettag $0x0;
	lr =	simm.s32 $0x1  }
0x2: {  	[smem:$0x3F92] =	sst lr;
	_ =	strace $0xD0000000  }
0x3: {  	_ = 	snop  }
0x4: {  	_ = 	snop  }
0x5: {  	_ = 	snop  }
0x6: {  	_ = 	snop  }
0x7: {  	_ = 	snop  }
__scs_overlays_trampoline_lowered:
0x8: {  	[smem:$0x3FA1] =	sst s0  }
0x9: {  	[smem:$0x3FA2] =	sst s1  }
0xa: {  	[smem:$0x3FA3] =	sst s2  }
0xb: {  	[smem:$0x3FA4] =	sst s3  }
0xc: {  	[smem:$0x3FA5] =	sst s4  }
0xd: {  	[smem:$0x3FA6] =	sst s5  }
0xe: {  	[smem:$0x3FA7] =	sst s6  }
0xf: {  	[smem:$0x3FA8] =	sst s7  }
0x10: {  	[smem:$0x3FA9] =	sst s8  }
0x11: {  	[smem:$0x3FAA] =	sst s9;
	s0 =	simm.s32 @!p0 $0x0  }
0x12: {  	s1 =	sld [smem:$0x3F90];
	s0 =	simm.s32 @p0 $0x1  }
0x13: {  	[smem:$0x3FAB] =	sst s0;
	s0 =	simm.s32 @!p1 $0x0  }
0x14: {  	s2 =	sld [smem:$0x3F8F];
	s0 =	simm.s32 @p1 $0x1  }
0x15: {  	[smem:$0x3FAC] =	sst s0;
	s0 =	simm.s32 @!p2 $0x0  }
0x16: {  	s3 =	sld [smem:$0x3FDB];
	s0 =	simm.s32 @p2 $0x1  }
0x17: {  	s4 =	simm.s32 $0x1BF5;
	[smem:$0x3FAE] =	sst s0  }
0x18: {  	s0 =	sld [smem:$0x3F91];
	_ =	swait.ge [sflag:s4], $0x0  }
0x19: {  	s7 =	sld [smem:$0x3F92]  }
0x1a: {  	s8 =	sadd.s32 $0xFFFFE003, lr  }
0x1b: {  	s9 =	sadd.s32 $0xFFFFFEF7, lr;
	s5 =	simm.s32 $0xFFFFFFFF;
	p2 =	slt.u32 s8, $0xFFFFF086  }
0x1c: {  	p1 =	slt.u32 s9, $0xF7A;
	s5 =	simm.s32 @!p2 $0x0  }
0x1d: {  	s5 =	simm.s32 @p1 $0x1;
	p0 =	seq.s32 s7, s2  }
0x1e: {  	s7 =	smul.u32 @!p0 $0xF7A, s2;
	p2 =	seq.s32 @!p0 s5, $0x0  }
0x1f: {  	s9 =	smul.u32 $0xF7A, s1;
	s8 =	simm.s32 @!p0 $0x1BF5;
	p2 =	por !p2, p0  }
0x20: {  	[sflag:s8] =	ssyncset.s32 @!p0 $0xFFFFF086;
	s6 =	sadd.s32 @!p0 s3, s7;
	s7 =	simm.s32 @!p0 $0x108  }
0x21: {  	s3 =	sadd.s32 s3, s9;
	s6 =	sadd.s32 @!p0 $0x88, s6;
	s7 =	simm.s32 @p2 $0x1082  }
0x22: {  	[simem:s7], [sflag:s8] =	dma.local @!p0 [hbm:s6], $0xF7A  }
0x23: {  	s9 =	sor.u32 $0xD0000000, s2;
	s6 =	simm.s32 $0x108;
	_ =	swait.ge @!p0 [sflag:s8], $0x0  }
0x24: {  	s3 =	sadd.s32 $0x88, s3;
	s6 =	simm.s32 @!p1 $0x1082;
	[sflag:s4] =	ssyncset.s32 $0xFFFFF086  }
0x25: {  	[simem:s6], [sflag:s4] =	dma.local [hbm:s3], $0xF7A  }
0x26: {  	[smem:$0x3F92] =	sst s1;
	(tag) =	ssettag s2;
	_ =	strace s9  }
0x27: {  	s1 =	sld [smem:$0x3FA2]  }
0x28: {  	s2 =	sld [smem:$0x3FA3]  }
0x29: {  	s4 =	sld [smem:$0x3FA5]  }
0x2a: {  	p0 =	seq.s32 s5, $0x0;
	s5 =	sld [smem:$0x3FA6]  }
0x2b: {  	s6 =	sld [smem:$0x3FA7]  }
0x2c: {  	s7 =	sld [smem:$0x3FA8]  }
0x2d: {  	s3 =	simm.s32 $0x108;
	s8 =	sld [smem:$0x3FA9]  }
0x2e: {  	s3 =	simm.s32 @!p0 $0x1082;
	s9 =	sld [smem:$0x3FAA]  }
0x2f: {  	lr =	sadd.s32 s0, s3;
	s0 =	sld [smem:$0x3FA1]  }
0x30: {  	s3 =	sld [smem:$0x3FA4]  }
0x31: {  	[smem:$0x3FAD] =	sst s10  }
0x32: {  	s10 =	sld [smem:$0x3FAB];
	_ =	sdelay $0x3  }
0x33: {  	p0 =	seq.s32 s10, $0x1;
	s10 =	sld [smem:$0x3FAD];
	_ =	sdelay $0x3  }
0x34: {  	[smem:$0x3FAD] =	sst s10  }
0x35: {  	s10 =	sld [smem:$0x3FAC];
	_ =	sdelay $0x3  }
0x36: {  	p1 =	seq.s32 s10, $0x1;
	s10 =	sld [smem:$0x3FAD];
	_ =	sdelay $0x3  }
0x37: {  	[smem:$0x3FAD] =	sst s10  }
0x38: {  	s10 =	sld [smem:$0x3FAE]  }
0x39: {  	_ = 	snop;
	(pc) =	sbr.ind lr, $3  }
0x3a: {  	_ = 	snop  }
0x3b: {  	_ = 	snop  }
0x3c: {  	p2 =	seq.s32 s10, $0x1;
	s10 =	sld [smem:$0x3FAD]  }
0x3d: {  	_ =	shalt  }
0x3e: {  	_ =	shalt  }
0x3f: {  	_ =	shalt  }
0x40: {  	_ =	shalt  }
0x41: {  	_ =	shalt  }
0x42: {  	_ =	shalt  }
0x43: {  	_ =	shalt  }
0x44: {  	_ =	shalt  }
0x45: {  	_ =	shalt  }
0x46: {  	_ =	shalt  }
0x47: {  	_ =	shalt  }
0x48: {  	_ =	shalt  }
0x49: {  	_ =	shalt  }
0x4a: {  	_ =	shalt  }
0x4b: {  	_ =	shalt  }
0x4c: {  	_ =	shalt  }
0x4d: {  	_ =	shalt  }
0x4e: {  	_ =	shalt  }
0x4f: {  	_ =	shalt  }
0x50: {  	_ =	shalt  }
0x51: {  	_ =	shalt  }
0x52: {  	_ =	shalt  }
0x53: {  	_ =	shalt  }
0x54: {  	_ =	shalt  }
0x55: {  	_ =	shalt  }
0x56: {  	_ =	shalt  }
0x57: {  	_ =	shalt  }
0x58: {  	_ =	shalt  }
0x59: {  	_ =	shalt  }
0x5a: {  	_ =	shalt  }
0x5b: {  	_ =	shalt  }
0x5c: {  	_ =	shalt  }
0x5d: {  	_ =	shalt  }
0x5e: {  	_ =	shalt  }
0x5f: {  	_ =	shalt  }
0x60: {  	_ =	shalt  }
0x61: {  	_ =	shalt  }
0x62: {  	_ =	shalt  }
0x63: {  	_ =	shalt  }
0x64: {  	_ =	shalt  }
0x65: {  	_ =	shalt  }
0x66: {  	_ =	shalt  }
0x67: {  	_ =	shalt  }
0x68: {  	_ =	shalt  }
0x69: {  	_ =	shalt  }
0x6a: {  	_ =	shalt  }
0x6b: {  	_ =	shalt  }
0x6c: {  	_ =	shalt  }
0x6d: {  	_ =	shalt  }
0x6e: {  	_ =	shalt  }
0x6f: {  	_ =	shalt  }
0x70: {  	_ =	shalt  }
0x71: {  	_ =	shalt  }
0x72: {  	_ =	shalt  }
0x73: {  	_ =	shalt  }
0x74: {  	_ =	shalt  }
0x75: {  	_ =	shalt  }
0x76: {  	_ =	shalt  }
0x77: {  	_ =	shalt  }
0x78: {  	_ =	shalt  }
0x79: {  	_ =	shalt  }
0x7a: {  	_ =	shalt  }
0x7b: {  	_ =	shalt  }
0x7c: {  	_ =	shalt  }
0x7d: {  	_ =	shalt  }
0x7e: {  	_ =	shalt  }
0x7f: {  	_ =	shalt  }
0x80: {  	_ =	shalt  }
0x81: {  	_ =	shalt  }
0x82: {  	_ =	shalt  }
0x83: {  	_ =	shalt  }
0x84: {  	_ =	shalt  }
0x85: {  	_ =	shalt  }
0x86: {  	_ =	shalt  }
0x87: {  	_ =	shalt  }
.Lfunc_end0:
.L_simem_size_0:
called_computation_lowered:
.L_overlay_start_0:
0x88: {  	s2 =	sld [smem:$0x3FD9]  }
0x89: {  	s3 =	sld [smem:$0x3FFE];
	_ =	sdelay $0x1  }
0x8a: {  	s1 =	srdreg.scid  }
0x8b: {  	s0 =	sand.u32 $0x1, s1  }
0x8c: {  	s18 =	sshll.u32 s0, $0xA;
	s2 =	sadd.s32 s3, s2  }
0x8d: {  	s2 =	sadd.s32 s2, s18  }
0x8e: {  	[smem:$0x3FB9] =	sst s2  }
0x8f: {  	_ = 	snop  }
0x90: {  	s2 =	sld [smem:$0x3FC9]  }
0x91: {  	s19 =	sld [smem:$0x3FC2]  }
0x92: {  	s4 =	sld [smem:$0x3FD0];
	(tm) =	ssettm $0x1  }
0x93: {  	s5 =	sld [smem:$0x3FFB];
	_ =	sdelay $0x3  }
0x94: {  	_ =	strace s5  }
0x95: {  	s5 =	sld [smem:$0x3FFC];
	_ =	sdelay $0x3  }
0x96: {  	_ =	strace s5  }
0x97: {  	s5 =	sld [smem:$0x3FFD];
	_ =	sdelay $0x3  }
0x98: {  	_ =	strace s5  }
0x99: {  	_ =	strace $0x8FFFFFFF  }
0x9a: {  	s20 =	sld [smem:$0x3FDB];
	_ =	sdelay $0x1  }
0x9b: {  	s6 =	simm.s32 $_scs_section_size  }
0x9c: {  	s7 =	simm.s32 $_size__tile_overlayer_lowered;
	s8 =	simm.s32 $_tile_overlayer_lowered  }
0x9d: {  	s23 =	simm.s32 $0x1BFF;
	s22 =	sshll.u32 s8, $0x1;
	s5 =	sadd.s32 s6, s20  }
0x9e: {  	s9 =	simm.s32 $0x0;
	s21 =	sshll.u32 s7, $0x1;
	s7 =	sadd.s32 s22, s5  }
0x9f: {  	[timem:s9], [sflag:s23] =	dma.local [hbm:s7], s21  }
0xa0: {  	_ =	swait.ge [sflag:s23], s21  }
0xa1: {  	s6 =	ssub.s32 $0x0, s21;
	[sflag:s23] =	ssyncset.done $0x0  }
0xa2: {  	[sflag:s23] =	ssyncadd.s32 s6;
	_ =	sdelay $0x1  }
0xa3: {  	s24 =	simm.s32 $0x1B8B  }
0xa4: {  	_ =	swait.ge [sflag:s24], $0x1  }
0xa5: {  	[sflag:s24] =	ssyncset.done $0x0  }
0xa6: {  	s25 =	simm.s32 $0x1B8E;
	[sflag:s24] =	ssyncadd.s32 $0xFFFFFFFF  }
0xa7: {  	s26 =	simm.s32 $execute0_lowered;
	[smem:$0x3FD2] =	sst s25  }
0xa8: {  	s6 =	sshll.u32 s26, $0x1;
	_ =	strace $0x80000046;
	[dreg:$0x1] =	wrdreg $0xFFFFFFFF  }
0xa9: {  	s28 =	simm.s32 $_size_execute0_lowered;
	s5 =	sadd.s32 s5, s6;
	[dreg:$0x0] =	wrdreg $0x0  }
0xaa: {  	s6 =	sshll.u32 s28, $0x1;
	[dreg:$0x2] =	wrdreg s5  }
0xab: {  	[dreg:$0x3] =	wrdreg s6  }
0xac: {  	[dreg:$0x4] =	wrdreg $0xC0  }
0xad: {  	_ =	task [dreg:s9], $0x5FFFF  }
0xae: {  	[dreg:$0x1] =	wrdreg $0xFFFFFFFF  }
0xaf: {  	[dreg:$0x0] =	wrdreg $0x60  }
0xb0: {  	[dreg:$0x2] =	wrdreg s2  }
0xb1: {  	[dreg:$0x3] =	wrdreg s19  }
0xb2: {  	[dreg:$0x4] =	wrdreg s4  }
0xb3: {  	[dreg:$0x5] =	wrdreg $0x9  }
0xb4: {  	_ =	task.clear_ibuf [dreg:s9], $0x6FFFF;
	_ =	strace $0x90000046  }
0xb5: {  	s29 =	simm.s32 $0x9;
	_ =	strace $0x80000048  }
0xb6: {  	_ =	swait.ge [sflag:s29], $0x1  }
0xb7: {  	[sflag:s29] =	ssyncadd.s32 $0xFFFFFFFF  }
0xb8: {  	_ =	strace $0x90000048  }
0xb9: {  	_ =	sfence  }
0xba: {  	s30 =	sld [smem:$0x0];
	_ =	sdelay $0x2  }
0xbb: {  	s31 =	sshll.u32 s1, $0xD;
	s1 =	sshrl.u32 s1, $0x2  }
0xbc: {  	s3 =	sand.u32 $0x4000, s31;
	s1 =	sadd.s32 s1, s30  }
0xbd: {  	s0 =	sor.u32 s3, s0;
	s1 =	sshll.u32 s1, $0x11  }
0xbe: {  	s0 =	sor.u32 s1, s0  }
0xbf: {  	s0 =	sadd.s32 $0x8F2B, s0  }
0xc0: {  	[sflag:s0] =	ssyncadd.remote.s32 $0x1  }
0xc1: {  	_ =	sfence.sel $0xFFFF  }
0xc2: {  	[dreg:$0x0] =	wrdreg $0xFFFFFFFF;
	(pc) =	sbr.abs _section_cstart, $3  }
0xc3: {  	[dreg:$0x1] =	wrdreg $0xFFFFFFFF  }
0xc4: {  	_ =	task.clear_ibuf [dreg:s9], $0x2FFFF;
	_ =	strace $0x9FFFFFFF  }
0xc5: {  	(tm) =	ssettm $0x7FFFFFFF  }
tec
execute0_lowered:
.L_overlay_start_1:
0x0: {  	(tag) =	ssettag $0x1  }
0x1: {  	s2 =	rddreg [dreg:$0x1];
	s4 =	simm.s32 $0x0  }
0x2: {  	s0 =	simm.s32 $0x1100;
	[smem:$0x7FF] =	sst s4  }
0x3: {  	s15 =	simm.s32 $0x2100;
	_ =	strace $0x80000047;
	[dreg:$0x4] =	wrdreg s0  }
0x4: {  	s16 =	simm.s32 $0x3100;
	s5 =	srdreg.scid;
	[dreg:$0x5] =	wrdreg s15  }
0x5: {  	s17 =	simm.s32 $0x4100;
	v0 =	vlaneseq.u32;
	s1 =	stileid.u32;
	[dreg:$0x6] =	wrdreg s16  }
0x6: {  	s18 =	simm.s32 $0x5100;
	s19 =	simm.s32 $0x6100;
	v0 =	vmul.u32 $0x80, v0;
	[dreg:$0x7] =	wrdreg s17  }
0x7: {  	s20 =	simm.s32 $0x7100;
	s21 =	simm.s32 $0x8100;
	[dreg:$0x8] =	wrdreg s18  }
0x8: {  	s22 =	simm.s32 $0x9100;
	s24 =	simm.s32 $0xA100;
	[dreg:$0x9] =	wrdreg s19;
	v1 =	vor.u32 $0x800, v0  }
0x9: {  	s25 =	simm.s32 $0xB100;
	s26 =	simm.s32 $0xC100;
	[dreg:$0xa] =	wrdreg s20;
	v2 =	vor.u32 $0x1000, v0;
	v3 =	vor.u32 $0x1800, v0;
	v4 =	vor.u32 $0x2000, v0  }
0xa: {  	s29 =	simm.s32 $0xD100;
	s8 =	simm.s32 $0x2;
	[dreg:$0xb] =	wrdreg s21;
	v5 =	vor.u32 $0x2800, v0;
	v6 =	vor.u32 $0x3000, v0;
	v7 =	vor.u32 $0x3800, v0  }
0xb: {  	s30 =	simm.s32 $0xE100;
	s9 =	simm.s32 $0x400;
	[dreg:$0xc] =	wrdreg s22;
	v8 =	vor.u32 $0x4000, v0;
	v9 =	vor.u32 $0x4800, v0;
	v10 =	vor.u32 $0x5000, v0  }
0xc: {  	s31 =	simm.s32 $0xF100;
	s10 =	simm.s32 $0x7A1400;
	[dreg:$0xd] =	wrdreg s24;
	v11 =	vor.u32 $0x5800, v0;
	v12 =	vor.u32 $0x6000, v0;
	v13 =	vor.u32 $0x6800, v0  }
0xd: {  	s11 =	simm.s32 $0x100;
	s5 =	sand.u32 $0x1, s5;
	[dreg:$0xe] =	wrdreg s25;
	v14 =	vor.u32 $0x7000, v0;
	v15 =	vor.u32 $0x7800, v0;
	v16 =	vor.u32 $0x8000, v0  }
0xe: {  	s12 =	simm.s32 $0x1;
	s6 =	ssub.s32 $0x2, s5;
	[dreg:$0xf] =	wrdreg s26;
	v17 =	vor.u32 $0x8800, v0;
	v18 =	vor.u32 $0x9000, v0;
	v19 =	vor.u32 $0x9800, v0  }
0xf: {  	s13 =	simm.s32 $0x10100;
	[dreg:$0x10] =	wrdreg s29;
	s7 =	sshrl.u32 s6, $0x1;
	v20 =	vor.u32 $0xA000, v0;
	v21 =	vor.u32 $0xA800, v0;
	v22 =	vor.u32 $0xB000, v0  }
0x10: {  	s23 =	sshll.u32 s1, $0xA;
	[dreg:$0x11] =	wrdreg s30;
	v23 =	vor.u32 $0xB800, v0;
	v24 =	vor.u32 $0xC000, v0;
	v25 =	vor.u32 $0xC800, v0;
	s7 =	ssub.s32 s6, s7  }
0x11: {  	s5 =	sshll.u32 s5, $0x9;
	[dreg:$0x12] =	wrdreg s31;
	v26 =	vor.u32 $0xD000, v0;
	v27 =	vor.u32 $0xD800, v0;
	v28 =	vor.u32 $0xE000, v0;
	s28 =	smax.u32 s7, $0x1  }
0x12: {  	s1 =	simm.s32 $0x0;
	v29 =	vor.u32 $0xE800, v0;
	v30 =	vor.u32 $0xF000, v0;
	v31 =	vor.u32 $0xF800, v0;
	s6 =	sor.u32 s5, s23;
	[dreg:$0x13] =	wrdreg s28  }
.LBB2_1:
0x13: {  	[dreg:$0x14] =	wrdreg s1;
	s15 =	simm.s32 $0x0  }
.LBB2_2:
0x14: {  	s0 =	sshll.u32 s15, $0x7  }
0x15: {  	s16 =	sadd.s32 s6, s0  }
0x16: {  	s1 =	rddreg [dreg:$0x0];
	s0 =	sshrl.u32 s16, $0x3  }
0x17: {  	s17 =	simm.s32 $0x0;
	s0 =	sadd.s32 s1, s0  }
0x18: {  	[tilespmem:s17], [sflag:$0x2] =	stream.linear.gather [hbm4b:s0+s17], $0x80, $0x38;
	[tilespmem:$0x14100] =	vst v63  }
0x19: {  	_ =	swait.ge [sflag:s8], $0x80  }
0x1a: {  	[sflag:s8] =	ssyncset.done $0x0  }
0x1b: {  	s18 =	simm.s32 $0x10500;
	[sflag:s8] =	ssyncadd.s32 $0xFFFFFF80  }
.LBB2_3:
0x1c: {  	s7 =	sshra.s32 s17, $0x2  }
0x1d: {  	v32 =	vld [tilespmem:s7+$0x0];
	_ =	sdelay $0x4  }
0x1e: {  	(v2sf) =	vpush v32, $0x0;
	_ =	sdelay $0xe  }
0x1f: {  	s14 =	spop (v2sf)  }
0x20: {  	s0 =	sand.u32 $0xFFFFF80, s14  }
0x21: {  	s0 =	sadd.s32 s2, s0  }
0x22: {  	[tilespmem:s11], [sflag:$0x1] =	stream.strided.gather [hbm4b:s0+s9], $0x1000, s10, s9, $0x38;
	[tilespmem:$0x14100] =	vst v63  }
0x23: {  	v48 =	vld [tilespmem:s7+$0x1];
	_ =	sdelay $0x4  }
0x24: {  	(v2sf) =	vpush v48, $0x0;
	_ =	sdelay $0xe  }
0x25: {  	s19 =	spop (v2sf)  }
0x26: {  	s5 =	sand.u32 $0xFFFFF80, s19  }
0x27: {  	s23 =	rddreg [dreg:$0x4];
	s5 =	sadd.s32 s2, s5  }
0x28: {  	[tilespmem:s23], [sflag:$0x1] =	stream.strided.gather [hbm4b:s5+s9], $0x1000, s10, s9, $0x38;
	[tilespmem:$0x14100] =	vst v63  }
0x29: {  	v49 =	vld [tilespmem:s7+$0x2];
	_ =	sdelay $0x4  }
0x2a: {  	(v2sf) =	vpush v49, $0x0;
	_ =	sdelay $0xe  }
0x2b: {  	s20 =	spop (v2sf)  }
0x2c: {  	s25 =	sand.u32 $0xFFFFF80, s20  }
0x2d: {  	s24 =	rddreg [dreg:$0x5];
	s5 =	sadd.s32 s2, s25  }
0x2e: {  	[tilespmem:s24], [sflag:$0x1] =	stream.strided.gather [hbm4b:s5+s9], $0x1000, s10, s9, $0x38;
	[tilespmem:$0x14100] =	vst v63  }
0x2f: {  	v50 =	vld [tilespmem:s7+$0x3];
	_ =	sdelay $0x4  }
0x30: {  	(v2sf) =	vpush v50, $0x0;
	_ =	sdelay $0xe  }
0x31: {  	s21 =	spop (v2sf)  }
0x32: {  	s28 =	sand.u32 $0xFFFFF80, s21  }
0x33: {  	s26 =	rddreg [dreg:$0x6];
	s5 =	sadd.s32 s2, s28  }
0x34: {  	[tilespmem:s26], [sflag:$0x1] =	stream.strided.gather [hbm4b:s5+s9], $0x1000, s10, s9, $0x38;
	[tilespmem:$0x14100] =	vst v63  }
0x35: {  	v51 =	vld [tilespmem:s7+$0x4];
	_ =	sdelay $0x4  }
0x36: {  	(v2sf) =	vpush v51, $0x0;
	_ =	sdelay $0xe  }
0x37: {  	s22 =	spop (v2sf)  }
0x38: {  	s30 =	sand.u32 $0xFFFFF80, s22  }
0x39: {  	s29 =	rddreg [dreg:$0x7];
	s5 =	sadd.s32 s2, s30  }
0x3a: {  	[tilespmem:s29], [sflag:$0x1] =	stream.strided.gather [hbm4b:s5+s9], $0x1000, s10, s9, $0x38;
	[tilespmem:$0x14100] =	vst v63  }
0x3b: {  	v52 =	vld [tilespmem:s7+$0x5];
	_ =	sdelay $0x4  }
0x3c: {  	(v2sf) =	vpush v52, $0x0;
	_ =	sdelay $0xe  }
0x3d: {  	s23 =	spop (v2sf)  }
0x3e: {  	s1 =	sand.u32 $0xFFFFF80, s23  }
0x3f: {  	s31 =	rddreg [dreg:$0x8];
	s5 =	sadd.s32 s2, s1  }
0x40: {  	[tilespmem:s31], [sflag:$0x1] =	stream.strided.gather [hbm4b:s5+s9], $0x1000, s10, s9, $0x38;
	[tilespmem:$0x14100] =	vst v63  }
0x41: {  	v53 =	vld [tilespmem:s7+$0x6];
	_ =	sdelay $0x4  }
0x42: {  	(v2sf) =	vpush v53, $0x0;
	_ =	sdelay $0xe  }
0x43: {  	s24 =	spop (v2sf)  }
0x44: {  	s25 =	sand.u32 $0xFFFFF80, s24  }
0x45: {  	s3 =	rddreg [dreg:$0x9];
	s5 =	sadd.s32 s2, s25  }
0x46: {  	[tilespmem:s3], [sflag:$0x1] =	stream.strided.gather [hbm4b:s5+s9], $0x1000, s10, s9, $0x38;
	[tilespmem:$0x14100] =	vst v63  }
0x47: {  	v54 =	vld [tilespmem:s7+$0x7];
	_ =	sdelay $0x4  }
0x48: {  	(v2sf) =	vpush v54, $0x0;
	_ =	sdelay $0xe  }
0x49: {  	s25 =	spop (v2sf)  }
0x4a: {  	s28 =	sand.u32 $0xFFFFF80, s25  }
0x4b: {  	s26 =	rddreg [dreg:$0xa];
	s5 =	sadd.s32 s2, s28  }
0x4c: {  	[tilespmem:s26], [sflag:$0x1] =	stream.strided.gather [hbm4b:s5+s9], $0x1000, s10, s9, $0x38;
	[tilespmem:$0x14100] =	vst v63  }
0x4d: {  	v55 =	vld [tilespmem:s7+$0x8];
	_ =	sdelay $0x4  }
0x4e: {  	(v2sf) =	vpush v55, $0x0;
	_ =	sdelay $0xe  }
0x4f: {  	s26 =	spop (v2sf)  }
0x50: {  	s30 =	sand.u32 $0xFFFFF80, s26  }
0x51: {  	s29 =	rddreg [dreg:$0xb];
	s5 =	sadd.s32 s2, s30  }
0x52: {  	[tilespmem:s29], [sflag:$0x1] =	stream.strided.gather [hbm4b:s5+s9], $0x1000, s10, s9, $0x38;
	[tilespmem:$0x14100] =	vst v63  }
0x53: {  	v56 =	vld [tilespmem:s7+$0x9];
	_ =	sdelay $0x4  }
0x54: {  	(v2sf) =	vpush v56, $0x0;
	_ =	sdelay $0xe  }
0x55: {  	s28 =	spop (v2sf)  }
0x56: {  	s1 =	sand.u32 $0xFFFFF80, s28  }
0x57: {  	s31 =	rddreg [dreg:$0xc];
	s5 =	sadd.s32 s2, s1  }
0x58: {  	[tilespmem:s31], [sflag:$0x1] =	stream.strided.gather [hbm4b:s5+s9], $0x1000, s10, s9, $0x38;
	[tilespmem:$0x14100] =	vst v63  }
0x59: {  	v57 =	vld [tilespmem:s7+$0xA];
	_ =	sdelay $0x4  }
0x5a: {  	(v2sf) =	vpush v57, $0x0;
	_ =	sdelay $0xe  }
0x5b: {  	s29 =	spop (v2sf)  }
0x5c: {  	s30 =	sand.u32 $0xFFFFF80, s29  }
0x5d: {  	s3 =	rddreg [dreg:$0xd];
	s5 =	sadd.s32 s2, s30  }
0x5e: {  	[tilespmem:s3], [sflag:$0x1] =	stream.strided.gather [hbm4b:s5+s9], $0x1000, s10, s9, $0x38;
	[tilespmem:$0x14100] =	vst v63  }
0x5f: {  	v58 =	vld [tilespmem:s7+$0xB];
	_ =	sdelay $0x4  }
0x60: {  	(v2sf) =	vpush v58, $0x0;
	_ =	sdelay $0xe  }
0x61: {  	s30 =	spop (v2sf)  }
0x62: {  	s1 =	sand.u32 $0xFFFFF80, s30  }
0x63: {  	s31 =	rddreg [dreg:$0xe];
	s5 =	sadd.s32 s2, s1  }
0x64: {  	[tilespmem:s31], [sflag:$0x1] =	stream.strided.gather [hbm4b:s5+s9], $0x1000, s10, s9, $0x38;
	[tilespmem:$0x14100] =	vst v63  }
0x65: {  	v59 =	vld [tilespmem:s7+$0xC];
	_ =	sdelay $0x4  }
0x66: {  	(v2sf) =	vpush v59, $0x0;
	_ =	sdelay $0xe  }
0x67: {  	s31 =	spop (v2sf)  }
0x68: {  	s1 =	sand.u32 $0xFFFFF80, s31  }
0x69: {  	s3 =	rddreg [dreg:$0xf];
	s5 =	sadd.s32 s2, s1  }
0x6a: {  	[tilespmem:s3], [sflag:$0x1] =	stream.strided.gather [hbm4b:s5+s9], $0x1000, s10, s9, $0x38;
	[tilespmem:$0x14100] =	vst v63  }
0x6b: {  	v60 =	vld [tilespmem:s7+$0xD];
	_ =	sdelay $0x4  }
0x6c: {  	(v2sf) =	vpush v60, $0x0;
	_ =	sdelay $0xe  }
0x6d: {  	s0 =	spop (v2sf)  }
0x6e: {  	s1 =	sand.u32 $0xFFFFF80, s0  }
0x6f: {  	s3 =	rddreg [dreg:$0x10];
	s1 =	sadd.s32 s2, s1  }
0x70: {  	[tilespmem:s3], [sflag:$0x1] =	stream.strided.gather [hbm4b:s1+s9], $0x1000, s10, s9, $0x38;
	[tilespmem:$0x14100] =	vst v63  }
0x71: {  	v61 =	vld [tilespmem:s7+$0xE];
	_ =	sdelay $0x4  }
0x72: {  	(v2sf) =	vpush v61, $0x0;
	_ =	sdelay $0xe  }
0x73: {  	s5 =	spop (v2sf)  }
0x74: {  	s3 =	sand.u32 $0xFFFFF80, s5  }
0x75: {  	s1 =	rddreg [dreg:$0x11];
	s3 =	sadd.s32 s2, s3  }
0x76: {  	[tilespmem:s1], [sflag:$0x1] =	stream.strided.gather [hbm4b:s3+s9], $0x1000, s10, s9, $0x38;
	[tilespmem:$0x14100] =	vst v63  }
0x77: {  	v62 =	vld [tilespmem:s7+$0xF];
	_ =	sdelay $0x4  }
0x78: {  	(v2sf) =	vpush v62, $0x0;
	_ =	sdelay $0xe  }
0x79: {  	s7 =	spop (v2sf)  }
0x7a: {  	s3 =	sand.u32 $0xFFFFF80, s7  }
0x7b: {  	s1 =	rddreg [dreg:$0x12];
	s3 =	sadd.s32 s2, s3  }
0x7c: {  	[tilespmem:s1], [sflag:$0x1] =	stream.strided.gather [hbm4b:s3+s9], $0x1000, s10, s9, $0x38;
	[tilespmem:$0x14100] =	vst v63  }
0x7d: {  	_ =	swait.ge [sflag:s12], $0x1000  }
0x7e: {  	[sflag:s12] =	ssyncset.done $0x0  }
0x7f: {  	[sflag:s12] =	ssyncadd.s32 $0xFFFFF000  }
0x80: {  	_ =	swait.ge [sflag:s12], $0x1000  }
0x81: {  	[sflag:s12] =	ssyncset.done $0x0  }
0x82: {  	[sflag:s12] =	ssyncadd.s32 $0xFFFFF000  }
0x83: {  	_ =	swait.ge [sflag:s12], $0x1000  }
0x84: {  	[sflag:s12] =	ssyncset.done $0x0  }
0x85: {  	[sflag:s12] =	ssyncadd.s32 $0xFFFFF000  }
0x86: {  	_ =	swait.ge [sflag:s12], $0x1000  }
0x87: {  	[sflag:s12] =	ssyncset.done $0x0  }
0x88: {  	[sflag:s12] =	ssyncadd.s32 $0xFFFFF000  }
0x89: {  	_ =	swait.ge [sflag:s12], $0x1000  }
0x8a: {  	[sflag:s12] =	ssyncset.done $0x0  }
0x8b: {  	[sflag:s12] =	ssyncadd.s32 $0xFFFFF000  }
0x8c: {  	_ =	swait.ge [sflag:s12], $0x1000  }
0x8d: {  	[sflag:s12] =	ssyncset.done $0x0  }
0x8e: {  	[sflag:s12] =	ssyncadd.s32 $0xFFFFF000  }
0x8f: {  	_ =	swait.ge [sflag:s12], $0x1000  }
0x90: {  	[sflag:s12] =	ssyncset.done $0x0  }
0x91: {  	[sflag:s12] =	ssyncadd.s32 $0xFFFFF000  }
0x92: {  	_ =	swait.ge [sflag:s12], $0x1000  }
0x93: {  	[sflag:s12] =	ssyncset.done $0x0  }
0x94: {  	[sflag:s12] =	ssyncadd.s32 $0xFFFFF000  }
0x95: {  	_ =	swait.ge [sflag:s12], $0x1000  }
0x96: {  	[sflag:s12] =	ssyncset.done $0x0  }
0x97: {  	[sflag:s12] =	ssyncadd.s32 $0xFFFFF000  }
0x98: {  	_ =	swait.ge [sflag:s12], $0x1000  }
0x99: {  	[sflag:s12] =	ssyncset.done $0x0  }
0x9a: {  	[sflag:s12] =	ssyncadd.s32 $0xFFFFF000  }
0x9b: {  	_ =	swait.ge [sflag:s12], $0x1000  }
0x9c: {  	[sflag:s12] =	ssyncset.done $0x0  }
0x9d: {  	[sflag:s12] =	ssyncadd.s32 $0xFFFFF000  }
0x9e: {  	_ =	swait.ge [sflag:s12], $0x1000  }
0x9f: {  	[sflag:s12] =	ssyncset.done $0x0  }
0xa0: {  	[sflag:s12] =	ssyncadd.s32 $0xFFFFF000  }
0xa1: {  	_ =	swait.ge [sflag:s12], $0x1000  }
0xa2: {  	[sflag:s12] =	ssyncset.done $0x0  }
0xa3: {  	[sflag:s12] =	ssyncadd.s32 $0xFFFFF000  }
0xa4: {  	_ =	swait.ge [sflag:s12], $0x1000  }
0xa5: {  	[sflag:s12] =	ssyncset.done $0x0  }
0xa6: {  	[sflag:s12] =	ssyncadd.s32 $0xFFFFF000  }
0xa7: {  	s14 =	sand.u32 $0x7F, s14;
	_ =	swait.ge [sflag:s12], $0x1000  }
0xa8: {  	v63 =	vor.u32 s14, v0;
	[sflag:s12] =	ssyncset.done $0x0  }
0xa9: {  	v33 =	vor.u32 s14, v1;
	[sflag:s12] =	ssyncadd.s32 $0xFFFFF000  }
0xaa: {  	_ =	swait.ge [sflag:s12], $0x1000  }
0xab: {  	[sflag:s12] =	ssyncset.done $0x0  }
0xac: {  	[sflag:s12] =	ssyncadd.s32 $0xFFFFF000  }
0xad: {  	v32 =	vld.idx.msk [tilespmem:v63+s11+$0x0], $0xffff  }
0xae: {  	s3 =	sand.u32 $0x7F, s19;
	v33 =	vld.idx.msk [tilespmem:v33+s11+$0x0], $0xffff  }
0xaf: {  	v34 =	vor.u32 s3, v2  }
0xb0: {  	v35 =	vor.u32 s3, v3;
	_ =	sdelay $0x1  }
0xb1: {  	[tilespmem:s18+$0xFFFFFC00] =	vst v32  }
0xb2: {  	[tilespmem:s18+$0xFFFFFC10] =	vst v33  }
0xb3: {  	v32 =	vld.idx.msk [tilespmem:v34+s11+$0x0], $0xffff  }
0xb4: {  	s14 =	sand.u32 $0x7F, s20;
	v33 =	vld.idx.msk [tilespmem:v35+s11+$0x0], $0xffff  }
0xb5: {  	v36 =	vor.u32 s14, v4  }
0xb6: {  	v37 =	vor.u32 s14, v5;
	_ =	sdelay $0x1  }
0xb7: {  	[tilespmem:s18+$0xFFFFFC80] =	vst v32  }
0xb8: {  	[tilespmem:s18+$0xFFFFFC90] =	vst v33  }
0xb9: {  	v32 =	vld.idx.msk [tilespmem:v36+s11+$0x0], $0xffff  }
0xba: {  	s19 =	sand.u32 $0x7F, s21;
	v33 =	vld.idx.msk [tilespmem:v37+s11+$0x0], $0xffff  }
0xbb: {  	v38 =	vor.u32 s19, v6  }
0xbc: {  	v39 =	vor.u32 s19, v7;
	_ =	sdelay $0x1  }
0xbd: {  	[tilespmem:s18+$0xFFFFFD00] =	vst v32  }
0xbe: {  	[tilespmem:s18+$0xFFFFFD10] =	vst v33  }
0xbf: {  	v32 =	vld.idx.msk [tilespmem:v38+s11+$0x0], $0xffff  }
0xc0: {  	s20 =	sand.u32 $0x7F, s22;
	v33 =	vld.idx.msk [tilespmem:v39+s11+$0x0], $0xffff  }
0xc1: {  	v40 =	vor.u32 s20, v8  }
0xc2: {  	v41 =	vor.u32 s20, v9;
	_ =	sdelay $0x1  }
0xc3: {  	[tilespmem:s18+$0xFFFFFD80] =	vst v32  }
0xc4: {  	[tilespmem:s18+$0xFFFFFD90] =	vst v33  }
0xc5: {  	v32 =	vld.idx.msk [tilespmem:v40+s11+$0x0], $0xffff  }
0xc6: {  	s21 =	sand.u32 $0x7F, s23;
	v33 =	vld.idx.msk [tilespmem:v41+s11+$0x0], $0xffff  }
0xc7: {  	v42 =	vor.u32 s21, v10  }
0xc8: {  	v43 =	vor.u32 s21, v11;
	_ =	sdelay $0x1  }
0xc9: {  	[tilespmem:s18+$0xFFFFFE00] =	vst v32  }
0xca: {  	[tilespmem:s18+$0xFFFFFE10] =	vst v33  }
0xcb: {  	v32 =	vld.idx.msk [tilespmem:v42+s11+$0x0], $0xffff  }
0xcc: {  	s22 =	sand.u32 $0x7F, s24;
	v33 =	vld.idx.msk [tilespmem:v43+s11+$0x0], $0xffff  }
0xcd: {  	v44 =	vor.u32 s22, v12  }
0xce: {  	v45 =	vor.u32 s22, v13;
	_ =	sdelay $0x1  }
0xcf: {  	[tilespmem:s18+$0xFFFFFE80] =	vst v32  }
0xd0: {  	[tilespmem:s18+$0xFFFFFE90] =	vst v33  }
0xd1: {  	v32 =	vld.idx.msk [tilespmem:v44+s11+$0x0], $0xffff  }
0xd2: {  	s23 =	sand.u32 $0x7F, s25;
	v33 =	vld.idx.msk [tilespmem:v45+s11+$0x0], $0xffff  }
0xd3: {  	v46 =	vor.u32 s23, v14  }
0xd4: {  	v47 =	vor.u32 s23, v15;
	_ =	sdelay $0x1  }
0xd5: {  	[tilespmem:s18+$0xFFFFFF00] =	vst v32  }
0xd6: {  	[tilespmem:s18+$0xFFFFFF10] =	vst v33  }
0xd7: {  	v32 =	vld.idx.msk [tilespmem:v46+s11+$0x0], $0xffff  }
0xd8: {  	s24 =	sand.u32 $0x7F, s26;
	v33 =	vld.idx.msk [tilespmem:v47+s11+$0x0], $0xffff  }
0xd9: {  	v48 =	vor.u32 s24, v16  }
0xda: {  	v49 =	vor.u32 s24, v17;
	_ =	sdelay $0x1  }
0xdb: {  	[tilespmem:s18+$0xFFFFFF80] =	vst v32  }
0xdc: {  	[tilespmem:s18+$0xFFFFFF90] =	vst v33  }
0xdd: {  	v32 =	vld.idx.msk [tilespmem:v48+s11+$0x0], $0xffff  }
0xde: {  	s25 =	sand.u32 $0x7F, s28;
	v33 =	vld.idx.msk [tilespmem:v49+s11+$0x0], $0xffff  }
0xdf: {  	v50 =	vor.u32 s25, v18  }
0xe0: {  	v51 =	vor.u32 s25, v19;
	_ =	sdelay $0x1  }
0xe1: {  	[tilespmem:s18+$0x0] =	vst v32  }
0xe2: {  	[tilespmem:s18+$0x10] =	vst v33  }
0xe3: {  	v32 =	vld.idx.msk [tilespmem:v50+s11+$0x0], $0xffff  }
0xe4: {  	s26 =	sand.u32 $0x7F, s29;
	v33 =	vld.idx.msk [tilespmem:v51+s11+$0x0], $0xffff  }
0xe5: {  	v52 =	vor.u32 s26, v20  }
0xe6: {  	v53 =	vor.u32 s26, v21;
	_ =	sdelay $0x1  }
0xe7: {  	[tilespmem:s18+$0x80] =	vst v32  }
0xe8: {  	[tilespmem:s18+$0x90] =	vst v33  }
0xe9: {  	v32 =	vld.idx.msk [tilespmem:v52+s11+$0x0], $0xffff  }
0xea: {  	s28 =	sand.u32 $0x7F, s30;
	v33 =	vld.idx.msk [tilespmem:v53+s11+$0x0], $0xffff  }
0xeb: {  	v54 =	vor.u32 s28, v22  }
0xec: {  	v55 =	vor.u32 s28, v23;
	_ =	sdelay $0x1  }
0xed: {  	[tilespmem:s18+$0x100] =	vst v32  }
0xee: {  	[tilespmem:s18+$0x110] =	vst v33  }
0xef: {  	v32 =	vld.idx.msk [tilespmem:v54+s11+$0x0], $0xffff  }
0xf0: {  	s29 =	sand.u32 $0x7F, s31;
	v33 =	vld.idx.msk [tilespmem:v55+s11+$0x0], $0xffff  }
0xf1: {  	v56 =	vor.u32 s29, v24  }
0xf2: {  	v57 =	vor.u32 s29, v25;
	_ =	sdelay $0x1  }
0xf3: {  	[tilespmem:s18+$0x180] =	vst v32  }
0xf4: {  	[tilespmem:s18+$0x190] =	vst v33  }
0xf5: {  	v32 =	vld.idx.msk [tilespmem:v56+s11+$0x0], $0xffff  }
0xf6: {  	s0 =	sand.u32 $0x7F, s0;
	v33 =	vld.idx.msk [tilespmem:v57+s11+$0x0], $0xffff  }
0xf7: {  	v58 =	vor.u32 s0, v26  }
0xf8: {  	v59 =	vor.u32 s0, v27;
	_ =	sdelay $0x1  }
0xf9: {  	[tilespmem:s18+$0x200] =	vst v32  }
0xfa: {  	[tilespmem:s18+$0x210] =	vst v33  }
0xfb: {  	v32 =	vld.idx.msk [tilespmem:v58+s11+$0x0], $0xffff  }
0xfc: {  	s30 =	sand.u32 $0x7F, s5;
	v33 =	vld.idx.msk [tilespmem:v59+s11+$0x0], $0xffff  }
0xfd: {  	v60 =	vor.u32 s30, v28  }
0xfe: {  	v61 =	vor.u32 s30, v29;
	_ =	sdelay $0x1  }
0xff: {  	[tilespmem:s18+$0x280] =	vst v32  }
0x100: {  	[tilespmem:s18+$0x290] =	vst v33  }
0x101: {  	v32 =	vld.idx.msk [tilespmem:v60+s11+$0x0], $0xffff  }
0x102: {  	s31 =	sand.u32 $0x7F, s7;
	v33 =	vld.idx.msk [tilespmem:v61+s11+$0x0], $0xffff  }
0x103: {  	v62 =	vor.u32 s31, v30  }
0x104: {  	v63 =	vor.u32 s31, v31;
	_ =	sdelay $0x1  }
0x105: {  	[tilespmem:s18+$0x300] =	vst v32  }
0x106: {  	[tilespmem:s18+$0x310] =	vst v33  }
0x107: {  	v32 =	vld.idx.msk [tilespmem:v62+s11+$0x0], $0xffff  }
0x108: {  	p0 =	sne.s32 s17, $0x1C0;
	v33 =	vld.idx.msk [tilespmem:v63+s11+$0x0], $0xffff  }
.Ltmp0:
0x109: {  	_ = 	snop;
	(pc) =	sbr.rel @p0 .LBB2_3-.Ltmp0, $3  }
0x10a: {  	_ =	sdelay $0x1  }
0x10b: {  	[tilespmem:s18+$0x380] =	vst v32  }
0x10c: {  	s17 =	sadd.s32 $0x40, s17;
	[tilespmem:s18+$0x390] =	vst v33;
	s18 =	sadd.s32 $0x800, s18  }
0x10d: {  	s15 =	sadd.s32 $0x1, s15  }
0x10e: {  	s0 =	sshll.u32 s16, $0x4;
	s1 =	rddreg [dreg:$0x2];
	p0 =	sne.s32 s15, $0x4  }
.Ltmp1:
0x10f: {  	s0 =	sadd.s32 s1, s0;
	(pc) =	sbr.rel @p0 .LBB2_2-.Ltmp1, $4  }
0x110: {  	[hbm4b:s0+s4] =	stream.linear.scatter [tilespmem:s13], [sflag:$0x2], $0x4000, $0x38;
	[tilespmem:$0x14100] =	vst v63  }
0x111: {  	_ =	swait.ge [sflag:s8], $0x4000  }
0x112: {  	[sflag:s8] =	ssyncset.done $0x0  }
0x113: {  	[sflag:s8] =	ssyncadd.s32 $0xFFFFC000  }
0x114: {  	s1 =	rddreg [dreg:$0x14]  }
0x115: {  	s0 =	rddreg [dreg:$0x13];
	s1 =	sadd.s32 $0x1, s1  }
0x116: {  	p0 =	sne.s32 s1, s0  }
.Ltmp2:
0x117: {  	_ = 	snop;
	(pc) =	sbr.rel @p0 .LBB2_1-.Ltmp2, $1  }
0x118: {  	_ =	sdelay $0x3  }
0x119: {  	_ =	sfence.sel $0x180000  }
0x11a: {  	[bflag:$0x0] =	sbarrier.arrive $0xFFFF  }
0x11b: {  	_ =	strace $0x90000047  }
0x11c: {  	s0 =	stileid.u32;
	[bflag:$0x2] =	sbarrier.arrive $0xFFFF  }
0x11d: {  	p0 =	sne.s32 s0, $0x0;
	s0 =	rddreg [dreg:$0x3]  }
0x11e: {  	s0 =	sadd.s32 @!p0 $0x100000, s0  }
0x11f: {  	[sflag:s0] =	ssyncadd.tile.s32 @!p0 $0x1;
	_ =	shalt  }
.Lfunc_end2:
_tile_overlayer_lowered:
.L_overlay_start_2:
0x120: {  	(tag) =	ssettag $0x2  }
0x121: {  	s0 =	rddreg [dreg:$0x0];
	s2 =	stileid.u32  }
0x122: {  	s1 =	rddreg [dreg:$0x1];
	p0 =	sne.s32 s2, $0x0  }
0x123: {  	s3 =	rddreg [dreg:$0x2];
	[bflag:$0x3] =	sbarrier.arrive $0xFFFF;
	s2 =	simm.s32 @!p0 $0x1C02  }
0x124: {  	[timem:s3], [sflag:s2] =	dma.local @!p0 [hbm:s0], s1  }
0x125: {  	s0 =	simm.s32 @!p0 $0x2  }
0x126: {  	_ =	swait.ge @!p0 [sflag:s0], s1  }
0x127: {  	s1 =	ssub.s32 @!p0 $0x0, s1;
	[sflag:s0] =	ssyncset.done @!p0 $0x0  }
0x128: {  	[sflag:s0] =	ssyncadd.s32 @!p0 s1  }
0x129: {  	[bflag:$0x3] =	sbarrier.arrive $0xFFFF  }
0x12a: {  	_ =	shalt  }

// kernel: kernel.7.cloned.1.call-start
scs
__scs_entry_jumppad:
0x0: {  	(pc) =	sbr.rel $0x88, $3  }
0x1: {  	(tag) =	ssettag $0x0;
	lr =	simm.s32 $0x1  }
0x2: {  	[smem:$0x3F92] =	sst lr;
	_ =	strace $0xD0000000  }
0x3: {  	_ = 	snop  }
0x4: {  	_ = 	snop  }
0x5: {  	_ = 	snop  }
0x6: {  	_ = 	snop  }
0x7: {  	_ = 	snop  }
__scs_overlays_trampoline_lowered:
0x8: {  	[smem:$0x3FA1] =	sst s0  }
0x9: {  	[smem:$0x3FA2] =	sst s1  }
0xa: {  	[smem:$0x3FA3] =	sst s2  }
0xb: {  	[smem:$0x3FA4] =	sst s3  }
0xc: {  	[smem:$0x3FA5] =	sst s4  }
0xd: {  	[smem:$0x3FA6] =	sst s5  }
0xe: {  	[smem:$0x3FA7] =	sst s6  }
0xf: {  	[smem:$0x3FA8] =	sst s7  }
0x10: {  	[smem:$0x3FA9] =	sst s8  }
0x11: {  	[smem:$0x3FAA] =	sst s9;
	s0 =	simm.s32 @!p0 $0x0  }
0x12: {  	s1 =	sld [smem:$0x3F90];
	s0 =	simm.s32 @p0 $0x1  }
0x13: {  	[smem:$0x3FAB] =	sst s0;
	s0 =	simm.s32 @!p1 $0x0  }
0x14: {  	s2 =	sld [smem:$0x3F8F];
	s0 =	simm.s32 @p1 $0x1  }
0x15: {  	[smem:$0x3FAC] =	sst s0;
	s0 =	simm.s32 @!p2 $0x0  }
0x16: {  	s3 =	sld [smem:$0x3FDB];
	s0 =	simm.s32 @p2 $0x1  }
0x17: {  	s4 =	simm.s32 $0x1BF5;
	[smem:$0x3FAE] =	sst s0  }
0x18: {  	s0 =	sld [smem:$0x3F91];
	_ =	swait.ge [sflag:s4], $0x0  }
0x19: {  	s7 =	sld [smem:$0x3F92]  }
0x1a: {  	s8 =	sadd.s32 $0xFFFFE003, lr  }
0x1b: {  	s9 =	sadd.s32 $0xFFFFFEF7, lr;
	s5 =	simm.s32 $0xFFFFFFFF;
	p2 =	slt.u32 s8, $0xFFFFF086  }
0x1c: {  	p1 =	slt.u32 s9, $0xF7A;
	s5 =	simm.s32 @!p2 $0x0  }
0x1d: {  	s5 =	simm.s32 @p1 $0x1;
	p0 =	seq.s32 s7, s2  }
0x1e: {  	s7 =	smul.u32 @!p0 $0xF7A, s2;
	p2 =	seq.s32 @!p0 s5, $0x0  }
0x1f: {  	s9 =	smul.u32 $0xF7A, s1;
	s8 =	simm.s32 @!p0 $0x1BF5;
	p2 =	por !p2, p0  }
0x20: {  	[sflag:s8] =	ssyncset.s32 @!p0 $0xFFFFF086;
	s6 =	sadd.s32 @!p0 s3, s7;
	s7 =	simm.s32 @!p0 $0x108  }
0x21: {  	s3 =	sadd.s32 s3, s9;
	s6 =	sadd.s32 @!p0 $0x88, s6;
	s7 =	simm.s32 @p2 $0x1082  }
0x22: {  	[simem:s7], [sflag:s8] =	dma.local @!p0 [hbm:s6], $0xF7A  }
0x23: {  	s9 =	sor.u32 $0xD0000000, s2;
	s6 =	simm.s32 $0x108;
	_ =	swait.ge @!p0 [sflag:s8], $0x0  }
0x24: {  	s3 =	sadd.s32 $0x88, s3;
	s6 =	simm.s32 @!p1 $0x1082;
	[sflag:s4] =	ssyncset.s32 $0xFFFFF086  }
0x25: {  	[simem:s6], [sflag:s4] =	dma.local [hbm:s3], $0xF7A  }
0x26: {  	[smem:$0x3F92] =	sst s1;
	(tag) =	ssettag s2;
	_ =	strace s9  }
0x27: {  	s1 =	sld [smem:$0x3FA2]  }
0x28: {  	s2 =	sld [smem:$0x3FA3]  }
0x29: {  	s4 =	sld [smem:$0x3FA5]  }
0x2a: {  	p0 =	seq.s32 s5, $0x0;
	s5 =	sld [smem:$0x3FA6]  }
0x2b: {  	s6 =	sld [smem:$0x3FA7]  }
0x2c: {  	s7 =	sld [smem:$0x3FA8]  }
0x2d: {  	s3 =	simm.s32 $0x108;
	s8 =	sld [smem:$0x3FA9]  }
0x2e: {  	s3 =	simm.s32 @!p0 $0x1082;
	s9 =	sld [smem:$0x3FAA]  }
0x2f: {  	lr =	sadd.s32 s0, s3;
	s0 =	sld [smem:$0x3FA1]  }
0x30: {  	s3 =	sld [smem:$0x3FA4]  }
0x31: {  	[smem:$0x3FAD] =	sst s10  }
0x32: {  	s10 =	sld [smem:$0x3FAB];
	_ =	sdelay $0x3  }
0x33: {  	p0 =	seq.s32 s10, $0x1;
	s10 =	sld [smem:$0x3FAD];
	_ =	sdelay $0x3  }
0x34: {  	[smem:$0x3FAD] =	sst s10  }
0x35: {  	s10 =	sld [smem:$0x3FAC];
	_ =	sdelay $0x3  }
0x36: {  	p1 =	seq.s32 s10, $0x1;
	s10 =	sld [smem:$0x3FAD];
	_ =	sdelay $0x3  }
0x37: {  	[smem:$0x3FAD] =	sst s10  }
0x38: {  	s10 =	sld [smem:$0x3FAE]  }
0x39: {  	_ = 	snop;
	(pc) =	sbr.ind lr, $3  }
0x3a: {  	_ = 	snop  }
0x3b: {  	_ = 	snop  }
0x3c: {  	p2 =	seq.s32 s10, $0x1;
	s10 =	sld [smem:$0x3FAD]  }
0x3d: {  	_ =	shalt  }
0x3e: {  	_ =	shalt  }
0x3f: {  	_ =	shalt  }
0x40: {  	_ =	shalt  }
0x41: {  	_ =	shalt  }
0x42: {  	_ =	shalt  }
0x43: {  	_ =	shalt  }
0x44: {  	_ =	shalt  }
0x45: {  	_ =	shalt  }
0x46: {  	_ =	shalt  }
0x47: {  	_ =	shalt  }
0x48: {  	_ =	shalt  }
0x49: {  	_ =	shalt  }
0x4a: {  	_ =	shalt  }
0x4b: {  	_ =	shalt  }
0x4c: {  	_ =	shalt  }
0x4d: {  	_ =	shalt  }
0x4e: {  	_ =	shalt  }
0x4f: {  	_ =	shalt  }
0x50: {  	_ =	shalt  }
0x51: {  	_ =	shalt  }
0x52: {  	_ =	shalt  }
0x53: {  	_ =	shalt  }
0x54: {  	_ =	shalt  }
0x55: {  	_ =	shalt  }
0x56: {  	_ =	shalt  }
0x57: {  	_ =	shalt  }
0x58: {  	_ =	shalt  }
0x59: {  	_ =	shalt  }
0x5a: {  	_ =	shalt  }
0x5b: {  	_ =	shalt  }
0x5c: {  	_ =	shalt  }
0x5d: {  	_ =	shalt  }
0x5e: {  	_ =	shalt  }
0x5f: {  	_ =	shalt  }
0x60: {  	_ =	shalt  }
0x61: {  	_ =	shalt  }
0x62: {  	_ =	shalt  }
0x63: {  	_ =	shalt  }
0x64: {  	_ =	shalt  }
0x65: {  	_ =	shalt  }
0x66: {  	_ =	shalt  }
0x67: {  	_ =	shalt  }
0x68: {  	_ =	shalt  }
0x69: {  	_ =	shalt  }
0x6a: {  	_ =	shalt  }
0x6b: {  	_ =	shalt  }
0x6c: {  	_ =	shalt  }
0x6d: {  	_ =	shalt  }
0x6e: {  	_ =	shalt  }
0x6f: {  	_ =	shalt  }
0x70: {  	_ =	shalt  }
0x71: {  	_ =	shalt  }
0x72: {  	_ =	shalt  }
0x73: {  	_ =	shalt  }
0x74: {  	_ =	shalt  }
0x75: {  	_ =	shalt  }
0x76: {  	_ =	shalt  }
0x77: {  	_ =	shalt  }
0x78: {  	_ =	shalt  }
0x79: {  	_ =	shalt  }
0x7a: {  	_ =	shalt  }
0x7b: {  	_ =	shalt  }
0x7c: {  	_ =	shalt  }
0x7d: {  	_ =	shalt  }
0x7e: {  	_ =	shalt  }
0x7f: {  	_ =	shalt  }
0x80: {  	_ =	shalt  }
0x81: {  	_ =	shalt  }
0x82: {  	_ =	shalt  }
0x83: {  	_ =	shalt  }
0x84: {  	_ =	shalt  }
0x85: {  	_ =	shalt  }
0x86: {  	_ =	shalt  }
0x87: {  	_ =	shalt  }
.Lfunc_end0:
.L_simem_size_0:
called_computation.1_lowered:
.L_overlay_start_0:
0x88: {  	s2 =	sld [smem:$0x3FD9]  }
0x89: {  	s3 =	sld [smem:$0x3FFE];
	_ =	sdelay $0x1  }
0x8a: {  	s1 =	srdreg.scid  }
0x8b: {  	s0 =	sand.u32 $0x1, s1  }
0x8c: {  	s17 =	sshll.u32 s0, $0xA;
	s2 =	sadd.s32 s3, s2  }
0x8d: {  	s2 =	sadd.s32 s2, s17  }
0x8e: {  	[smem:$0x3FB9] =	sst s2  }
0x8f: {  	_ = 	snop  }
0x90: {  	s2 =	sld [smem:$0x3FC8]  }
0x91: {  	s18 =	sld [smem:$0x3FC7]  }
0x92: {  	s4 =	sld [smem:$0x3FC6]  }
0x93: {  	s5 =	sld [smem:$0x3FC4]  }
0x94: {  	s6 =	sld [smem:$0x3FD0];
	(tm) =	ssettm $0x1  }
0x95: {  	s7 =	sld [smem:$0x3FFB];
	_ =	sdelay $0x3  }
0x96: {  	_ =	strace s7  }
0x97: {  	s7 =	sld [smem:$0x3FFC];
	_ =	sdelay $0x3  }
0x98: {  	_ =	strace s7  }
0x99: {  	s7 =	sld [smem:$0x3FFD];
	_ =	sdelay $0x3  }
0x9a: {  	_ =	strace s7  }
0x9b: {  	_ =	strace $0x8FFFFFFF  }
0x9c: {  	s19 =	sld [smem:$0x3FDB];
	_ =	sdelay $0x1  }
0x9d: {  	s8 =	simm.s32 $_scs_section_size  }
0x9e: {  	s9 =	simm.s32 $_size__tile_overlayer_lowered;
	s10 =	simm.s32 $_tile_overlayer_lowered  }
0x9f: {  	s22 =	simm.s32 $0x1BFF;
	s21 =	sshll.u32 s10, $0x1;
	s7 =	sadd.s32 s8, s19  }
0xa0: {  	s11 =	simm.s32 $0x0;
	s20 =	sshll.u32 s9, $0x1;
	s9 =	sadd.s32 s21, s7  }
0xa1: {  	[timem:s11], [sflag:s22] =	dma.local [hbm:s9], s20  }
0xa2: {  	_ =	swait.ge [sflag:s22], s20  }
0xa3: {  	s8 =	ssub.s32 $0x0, s20;
	[sflag:s22] =	ssyncset.done $0x0  }
0xa4: {  	[sflag:s22] =	ssyncadd.s32 s8;
	_ =	sdelay $0x1  }
0xa5: {  	s23 =	simm.s32 $0x1B8B  }
0xa6: {  	_ =	swait.ge [sflag:s23], $0x1  }
0xa7: {  	[sflag:s23] =	ssyncset.done $0x0  }
0xa8: {  	s25 =	simm.s32 $0x1B8E;
	s24 =	sld [smem:$0x3FFE];
	[sflag:s23] =	ssyncadd.s32 $0xFFFFFFFF  }
0xa9: {  	s26 =	simm.s32 $execute0_lowered;
	[smem:$0x3FD2] =	sst s25  }
0xaa: {  	s9 =	sshll.u32 s26, $0x1;
	_ =	strace $0x80000049;
	[dreg:$0x1] =	wrdreg $0xFFFFFFFF  }
0xab: {  	s28 =	simm.s32 $_size_execute0_lowered;
	s7 =	sadd.s32 s7, s9;
	[dreg:$0x0] =	wrdreg $0x0  }
0xac: {  	s9 =	sshll.u32 s28, $0x1;
	[dreg:$0x2] =	wrdreg s7  }
0xad: {  	[dreg:$0x3] =	wrdreg s9  }
0xae: {  	[dreg:$0x4] =	wrdreg $0xC0  }
0xaf: {  	_ =	task [dreg:s11], $0x5FFFF  }
0xb0: {  	[dreg:$0x1] =	wrdreg $0xFFFFFFFF  }
0xb1: {  	[dreg:$0x0] =	wrdreg $0x60  }
0xb2: {  	[dreg:$0x2] =	wrdreg s24  }
0xb3: {  	[dreg:$0x3] =	wrdreg s2  }
0xb4: {  	[dreg:$0x4] =	wrdreg s18  }
0xb5: {  	[dreg:$0x5] =	wrdreg s4  }
0xb6: {  	[dreg:$0x6] =	wrdreg s5  }
0xb7: {  	[dreg:$0x7] =	wrdreg s6  }
0xb8: {  	[dreg:$0x8] =	wrdreg $0x9  }
0xb9: {  	_ =	task.clear_ibuf [dreg:s11], $0x9FFFF;
	_ =	strace $0x90000049  }
0xba: {  	s29 =	simm.s32 $0x9;
	_ =	strace $0x8000004B  }
0xbb: {  	_ =	swait.ge [sflag:s29], $0x1  }
0xbc: {  	[sflag:s29] =	ssyncadd.s32 $0xFFFFFFFF  }
0xbd: {  	_ =	strace $0x9000004B  }
0xbe: {  	_ =	sfence  }
0xbf: {  	s30 =	sld [smem:$0x0];
	_ =	sdelay $0x2  }
0xc0: {  	s31 =	sshll.u32 s1, $0xD;
	s1 =	sshrl.u32 s1, $0x2  }
0xc1: {  	s3 =	sand.u32 $0x4000, s31;
	s1 =	sadd.s32 s1, s30  }
0xc2: {  	s0 =	sor.u32 s3, s0;
	s1 =	sshll.u32 s1, $0x11  }
0xc3: {  	s0 =	sor.u32 s1, s0  }
0xc4: {  	s0 =	sadd.s32 $0x8F2B, s0  }
0xc5: {  	[sflag:s0] =	ssyncadd.remote.s32 $0x1  }
0xc6: {  	_ =	sfence.sel $0xFFFF  }
0xc7: {  	[dreg:$0x0] =	wrdreg $0xFFFFFFFF;
	(pc) =	sbr.abs _section_cstart, $3  }
0xc8: {  	[dreg:$0x1] =	wrdreg $0xFFFFFFFF  }
0xc9: {  	_ =	task.clear_ibuf [dreg:s11], $0x2FFFF;
	_ =	strace $0x9FFFFFFF  }
0xca: {  	(tm) =	ssettm $0x7FFFFFFF  }
0xcb: {  	_ =	shalt  }
tec
execute0_lowered:
.L_overlay_start_1:
0x0: {  	(tag) =	ssettag $0x1  }
0x1: {  	s0 =	rddreg [dreg:$0x0];
	s5 =	simm.s32 $0x0  }
0x2: {  	[smem:$0x7FF] =	sst s5;
	s1 =	sadd.s32 $0x1B400, s0  }
0x3: {  	s21 =	sadd.s32 $0x17400, s0;
	_ =	strace $0x8000004A;
	[dreg:$0xd] =	wrdreg s1  }
0x4: {  	s22 =	sadd.s32 $0x19400, s0;
	[dreg:$0xe] =	wrdreg s21  }
0x5: {  	s26 =	srdreg.scid;
	s23 =	sadd.s32 $0x1800, s0;
	[dreg:$0xf] =	wrdreg s22  }
0x6: {  	s4 =	stileid.u32;
	s24 =	sadd.s32 $0x2800, s0;
	[dreg:$0x10] =	wrdreg s23  }
0x7: {  	s25 =	sadd.s32 $0x3800, s0;
	s2 =	sadd.s32 $0x1600, s0;
	[dreg:$0x11] =	wrdreg s24  }
0x8: {  	s28 =	sadd.s32 $0xD600, s0;
	s29 =	sadd.s32 $0x2B400, s0;
	[dreg:$0x12] =	wrdreg s25  }
0x9: {  	s4 =	sshll.u32 s4, $0xA;
	[dreg:$0x13] =	wrdreg s2;
	s1 =	sand.u32 $0x1, s26  }
0xa: {  	s0 =	sadd.s32 $0x2B600, s0;
	[dreg:$0x14] =	wrdreg s28;
	s30 =	ssub.s32 $0x2, s1  }
0xb: {  	[dreg:$0x15] =	wrdreg s29;
	s1 =	sshll.u32 s1, $0x9;
	s3 =	sshrl.u32 s30, $0x1  }
0xc: {  	[dreg:$0x16] =	wrdreg s0;
	s1 =	sor.u32 s1, s4;
	s31 =	ssub.s32 s30, s3  }
0xd: {  	[dreg:$0x17] =	wrdreg s1;
	s0 =	smax.u32 s31, $0x1  }
0xe: {  	v0 =	vimm.f32 $1.000000000e+00;
	s3 =	simm.s32 $0x2;
	s1 =	simm.s32 $0x0;
	[dreg:$0x18] =	wrdreg s0  }
.LBB2_1:
0xf: {  	[dreg:$0x19] =	wrdreg s1  }
0x10: {  	s0 =	rddreg [dreg:$0x15];
	s26 =	simm.s32 $0x12A30  }
0x11: {  	[tilespmem:s26], [sflag:$0x2] =	stream.linear.gather [hbm4b:s0+s5], $0x10, $0x38;
	[tilespmem:$0x12A50] =	vst v63  }
0x12: {  	_ =	swait.ge [sflag:s3], $0x10  }
0x13: {  	[sflag:s3] =	ssyncset.done $0x0  }
0x14: {  	s29 =	simm.s32 $0x12A40;
	s28 =	rddreg [dreg:$0x16];
	[sflag:s3] =	ssyncadd.s32 $0xFFFFFFF0  }
0x15: {  	[tilespmem:s29], [sflag:$0x2] =	stream.linear.gather [hbm4b:s28+s5], $0x10, $0x38;
	[tilespmem:$0x12A50] =	vst v63  }
0x16: {  	_ =	swait.ge [sflag:s3], $0x10  }
0x17: {  	[sflag:s3] =	ssyncset.done $0x0  }
0x18: {  	[sflag:s3] =	ssyncadd.s32 $0xFFFFFFF0  }
0x19: {  	v1 =	vld [tilespmem:$0x12A30]  }
0x1a: {  	v2 =	vld [tilespmem:$0x12A40];
	_ =	sdelay $0x3  }
0x1b: {  	(v2sf) =	vpush v1, $0x0  }
0x1c: {  	(v2sf) =	vpush v2, $0x0;
	_ =	sdelay $0xd  }
0x1d: {  	s30 =	spop (v2sf)  }
0x1e: {  	[dreg:$0x7] =	wrdreg s30;
	s31 =	spop (v2sf)  }
0x1f: {  	s0 =	simm.s32 $0x0;
	[dreg:$0x8] =	wrdreg s31  }
.LBB2_2:
0x20: {  	s15 =	sshll.u32 s0, $0x7;
	s1 =	rddreg [dreg:$0x17]  }
0x21: {  	[dreg:$0x1a] =	wrdreg s0;
	s2 =	sadd.s32 s1, s15  }
0x22: {  	s16 =	rddreg [dreg:$0xd];
	s0 =	sshll.u32 s2, $0x2  }
0x23: {  	s17 =	simm.s32 $0x630;
	s0 =	sadd.s32 s16, s0  }
0x24: {  	[tilespmem:s17], [sflag:$0x2] =	stream.linear.gather [hbm4b:s0+s5], $0x1000, $0x38;
	[tilespmem:$0x12A50] =	vst v63  }
0x25: {  	_ =	swait.ge [sflag:s3], $0x1000  }
0x26: {  	[sflag:s3] =	ssyncset.done $0x0  }
0x27: {  	[sflag:s3] =	ssyncadd.s32 $0xFFFFF000  }
0x28: {  	s18 =	sshrl.u32 s2, $0x3;
	s19 =	rddreg [dreg:$0x1]  }
0x29: {  	s1 =	sadd.s32 s19, s18  }
0x2a: {  	[tilespmem:s5], [sflag:$0x2] =	stream.linear.gather [hbm4b:s1+s5], $0x80, $0x38;
	[tilespmem:$0x12A50] =	vst v63  }
0x2b: {  	_ =	swait.ge [sflag:s3], $0x80  }
0x2c: {  	[sflag:s3] =	ssyncset.done $0x0  }
0x2d: {  	[sflag:s3] =	ssyncadd.s32 $0xFFFFFF80  }
0x2e: {  	s20 =	rddreg [dreg:$0x3]  }
0x2f: {  	s4 =	simm.s32 $0x80;
	s1 =	sadd.s32 s20, s18  }
0x30: {  	[tilespmem:s4], [sflag:$0x2] =	stream.linear.gather [hbm4b:s1+s5], $0x80, $0x38;
	[tilespmem:$0x12A50] =	vst v63  }
0x31: {  	_ =	swait.ge [sflag:s3], $0x80  }
0x32: {  	[sflag:s3] =	ssyncset.done $0x0  }
0x33: {  	[sflag:s3] =	ssyncadd.s32 $0xFFFFFF80  }
0x34: {  	s21 =	rddreg [dreg:$0x4]  }
0x35: {  	s6 =	simm.s32 $0x100;
	s1 =	sadd.s32 s21, s18  }
0x36: {  	[tilespmem:s6], [sflag:$0x2] =	stream.linear.gather [hbm4b:s1+s5], $0x80, $0x38;
	[tilespmem:$0x12A50] =	vst v63  }
0x37: {  	s7 =	simm.s32 $0x210;
	_ =	swait.ge [sflag:s3], $0x80  }
0x38: {  	s22 =	sshrl.u32 s2, $0x1;
	[sflag:s3] =	ssyncset.done $0x0;
	s23 =	rddreg [dreg:$0xe]  }
0x39: {  	[dreg:$0x1b] =	wrdreg s2;
	[sflag:s3] =	ssyncadd.s32 $0xFFFFFF80;
	s2 =	sadd.s32 s23, s22  }
0x3a: {  	[tilespmem:s7], [sflag:$0x2] =	stream.linear.gather [hbm4b:s2+s5], $0x200, $0x38;
	[tilespmem:$0x12A50] =	vst v63  }
0x3b: {  	_ =	swait.ge [sflag:s3], $0x200  }
0x3c: {  	[sflag:s3] =	ssyncset.done $0x0;
	s24 =	rddreg [dreg:$0xf]  }
0x3d: {  	s25 =	simm.s32 $0x420;
	[sflag:s3] =	ssyncadd.s32 $0xFFFFFE00;
	s1 =	sadd.s32 s24, s22  }
0x3e: {  	[tilespmem:s25], [sflag:$0x2] =	stream.linear.gather [hbm4b:s1+s5], $0x200, $0x38;
	[tilespmem:$0x12A50] =	vst v63  }
0x3f: {  	_ =	swait.ge [sflag:s3], $0x200  }
0x40: {  	[sflag:s3] =	ssyncset.done $0x0  }
0x41: {  	[sflag:s3] =	ssyncadd.s32 $0xFFFFFE00  }
0x42: {  	s26 =	rddreg [dreg:$0x2]  }
0x43: {  	s28 =	simm.s32 $0x180;
	s0 =	sadd.s32 s26, s18  }
0x44: {  	[tilespmem:s28], [sflag:$0x2] =	stream.linear.gather [hbm4b:s0+s5], $0x80, $0x38;
	[tilespmem:$0x12A50] =	vst v63  }
0x45: {  	_ =	swait.ge [sflag:s3], $0x80  }
0x46: {  	[sflag:s3] =	ssyncset.done $0x0  }
0x47: {  	s1 =	rddreg [dreg:$0x10];
	[sflag:s3] =	ssyncadd.s32 $0xFFFFFF80;
	s3 =	simm.s32 $0x1630  }
0x48: {  	[tilespmem:s3], [sflag:$0x1] =	stream.indirect.gather [hbm4b:s1+s4], $0x20, s5, s4, $0xb8;
	[tilespmem:$0x12A50] =	vst v63  }
0x49: {  	s8 =	simm.s32 $0x2630;
	s5 =	rddreg [dreg:$0x11]  }
0x4a: {  	[tilespmem:s8], [sflag:$0x1] =	stream.indirect.gather [hbm4b:s5+s4], $0x20, s4, s4, $0xb8;
	[tilespmem:$0x12A50] =	vst v63  }
0x4b: {  	s10 =	simm.s32 $0x3630;
	s9 =	rddreg [dreg:$0x13]  }
0x4c: {  	[tilespmem:s10], [sflag:$0x1] =	stream.indirect.gather [hbm4b:s9+s4], $0x20, s6, s4, $0xb8;
	[tilespmem:$0x12A50] =	vst v63  }
0x4d: {  	s12 =	simm.s32 $0x4630;
	s11 =	rddreg [dreg:$0x12]  }
0x4e: {  	[tilespmem:s12], [sflag:$0x1] =	stream.indirect.gather [hbm4b:s11+s4], $0x20, s7, s4, $0xb8;
	[tilespmem:$0x12A50] =	vst v63  }
0x4f: {  	s14 =	simm.s32 $0x8630;
	s13 =	rddreg [dreg:$0x14]  }
0x50: {  	[tilespmem:s14], [sflag:$0x1] =	stream.indirect.gather [hbm4b:s13+s4], $0x20, s25, s4, $0xb8;
	[tilespmem:$0x12A50] =	vst v63  }
0x51: {  	s15 =	simm.s32 $0x290;
	s16 =	simm.s32 $0x5630  }
0x52: {  	[tilespmem:s16], [sflag:$0x1] =	stream.indirect.gather [hbm4b:s11+s4], $0x20, s15, s4, $0xb8;
	[tilespmem:$0x12A50] =	vst v63  }
0x53: {  	s17 =	simm.s32 $0x4A0;
	s18 =	simm.s32 $0x9630  }
0x54: {  	[tilespmem:s18], [sflag:$0x1] =	stream.indirect.gather [hbm4b:s13+s4], $0x20, s17, s4, $0xb8;
	[tilespmem:$0x12A50] =	vst v63  }
0x55: {  	s19 =	simm.s32 $0x310;
	s20 =	simm.s32 $0x6630  }
0x56: {  	[tilespmem:s20], [sflag:$0x1] =	stream.indirect.gather [hbm4b:s11+s4], $0x20, s19, s4, $0xb8;
	[tilespmem:$0x12A50] =	vst v63  }
0x57: {  	s21 =	simm.s32 $0x520;
	s22 =	simm.s32 $0xA630  }
0x58: {  	[tilespmem:s22], [sflag:$0x1] =	stream.indirect.gather [hbm4b:s13+s4], $0x20, s21, s4, $0xb8;
	[tilespmem:$0x12A50] =	vst v63  }
0x59: {  	s23 =	simm.s32 $0x390;
	s24 =	simm.s32 $0x7630  }
0x5a: {  	[tilespmem:s24], [sflag:$0x1] =	stream.indirect.gather [hbm4b:s11+s4], $0x20, s23, s4, $0xb8;
	[tilespmem:$0x12A50] =	vst v63  }
0x5b: {  	s26 =	simm.s32 $0xB630;
	s28 =	simm.s32 $0x1;
	s25 =	simm.s32 $0x5A0  }
0x5c: {  	[tilespmem:s26], [sflag:$0x1] =	stream.indirect.gather [hbm4b:s13+s4], $0x20, s25, s4, $0xb8;
	[tilespmem:$0x12A50] =	vst v63  }
0x5d: {  	_ =	swait.ge [sflag:s28], $0x1000  }
0x5e: {  	[sflag:s28] =	ssyncset.done $0x0  }
0x5f: {  	[sflag:s28] =	ssyncadd.s32 $0xFFFFF000  }
0x60: {  	_ =	swait.ge [sflag:s28], $0x1000  }
0x61: {  	[sflag:s28] =	ssyncset.done $0x0  }
0x62: {  	[sflag:s28] =	ssyncadd.s32 $0xFFFFF000  }
0x63: {  	_ =	swait.ge [sflag:s28], $0x1000  }
0x64: {  	[sflag:s28] =	ssyncset.done $0x0  }
0x65: {  	[sflag:s28] =	ssyncadd.s32 $0xFFFFF000  }
0x66: {  	_ =	swait.ge [sflag:s28], $0x1000  }
0x67: {  	[sflag:s28] =	ssyncset.done $0x0  }
0x68: {  	[sflag:s28] =	ssyncadd.s32 $0xFFFFF000  }
0x69: {  	_ =	swait.ge [sflag:s28], $0x1000  }
0x6a: {  	[sflag:s28] =	ssyncset.done $0x0  }
0x6b: {  	[sflag:s28] =	ssyncadd.s32 $0xFFFFF000  }
0x6c: {  	_ =	swait.ge [sflag:s28], $0x1000  }
0x6d: {  	[sflag:s28] =	ssyncset.done $0x0  }
0x6e: {  	[sflag:s28] =	ssyncadd.s32 $0xFFFFF000  }
0x6f: {  	_ =	swait.ge [sflag:s28], $0x1000  }
0x70: {  	[sflag:s28] =	ssyncset.done $0x0  }
0x71: {  	[sflag:s28] =	ssyncadd.s32 $0xFFFFF000  }
0x72: {  	_ =	swait.ge [sflag:s28], $0x1000  }
0x73: {  	[sflag:s28] =	ssyncset.done $0x0  }
0x74: {  	[sflag:s28] =	ssyncadd.s32 $0xFFFFF000  }
0x75: {  	_ =	swait.ge [sflag:s28], $0x1000  }
0x76: {  	[sflag:s28] =	ssyncset.done $0x0  }
0x77: {  	[sflag:s28] =	ssyncadd.s32 $0xFFFFF000  }
0x78: {  	_ =	swait.ge [sflag:s28], $0x1000  }
0x79: {  	[sflag:s28] =	ssyncset.done $0x0  }
0x7a: {  	[sflag:s28] =	ssyncadd.s32 $0xFFFFF000  }
0x7b: {  	_ =	swait.ge [sflag:s28], $0x1000  }
0x7c: {  	[sflag:s28] =	ssyncset.done $0x0  }
0x7d: {  	s1 =	simm.s32 $0x650;
	[sflag:s28] =	ssyncadd.s32 $0xFFFFF000  }
0x7e: {  	v1 =	vld [tilespmem:s1+$0x0];
	_ =	sdelay $0x3  }
0x7f: {  	s31 =	simm.s32 $0xC6F8  }
0x80: {  	[tilespmem:s31+$0x0] =	vst v1  }
0x81: {  	v1 =	vld [tilespmem:s1+$0x10];
	_ =	sdelay $0x4  }
0x82: {  	s2 =	simm.s32 $0x1650;
	[tilespmem:s31+$0x10] =	vst v1  }
0x83: {  	v1 =	vld [tilespmem:s2+$0x0];
	_ =	sdelay $0x4  }
0x84: {  	[tilespmem:s31+$0x20] =	vst v1  }
0x85: {  	v1 =	vld [tilespmem:s2+$0x10];
	_ =	sdelay $0x4  }
0x86: {  	s4 =	simm.s32 $0x181;
	[tilespmem:s31+$0x30] =	vst v1  }
0x87: {  	v1 =	vld [tilespmem:s4+$0x0];
	_ =	sdelay $0x1  }
0x88: {  	v2 =	vld [tilespmem:s1+$0xFFFFFFE0];
	_ =	sdelay $0x2  }
0x89: {  	(v2sf) =	vpush v1, $0x0;
	_ =	sdelay $0x1  }
0x8a: {  	[tilespmem:s31+$0xFFFFFF38] =	vst v2  }
0x8b: {  	v1 =	vld [tilespmem:s1+$0xFFFFFFF0];
	_ =	sdelay $0x4  }
0x8c: {  	[tilespmem:s31+$0xFFFFFF48] =	vst v1  }
0x8d: {  	v1 =	vld [tilespmem:s2+$0xFFFFFFE0];
	_ =	sdelay $0x2  }
0x8e: {  	s5 =	simm.s32 $0x690  }
0x8f: {  	v2 =	vld [tilespmem:s5+$0x0]  }
0x90: {  	[tilespmem:s31+$0xFFFFFF58] =	vst v1  }
0x91: {  	s19 =	rddreg [dreg:$0x7];
	s6 =	spop (v2sf)  }
0x92: {  	s3 =	ssub.f32 s6, s19  }
0x93: {  	s22 =	simm.s32 $0xC888;
	v1 =	vld [tilespmem:s2+$0xFFFFFFF0];
	s23 =	rddreg [dreg:$0x8]  }
0x94: {  	[tilespmem:s22+$0x0] =	vst v2;
	s7 =	smul.f32 s3, s23  }
0x95: {  	v3 =	vld [tilespmem:s5+$0x10]  }
0x96: {  	v2 =	vmov s7  }
0x97: {  	s8 =	simm.s32 $0x2650;
	[tilespmem:s31+$0x40] =	vst v2  }
0x98: {  	[tilespmem:s31+$0xFFFFFF68] =	vst v1;
	v1 =	vld [tilespmem:s8+$0x0];
	_ =	sdelay $0x1  }
0x99: {  	s9 =	simm.s32 $0x1690;
	[tilespmem:s22+$0x10] =	vst v3  }
0x9a: {  	v3 =	vld [tilespmem:s9+$0x0]  }
0x9b: {  	v2 =	vld [tilespmem:s4+$0xFFFFFFFF]  }
0x9c: {  	[tilespmem:s31+$0x41] =	vst v1  }
0x9d: {  	v1 =	vld [tilespmem:s8+$0x10];
	_ =	sdelay $0x2  }
0x9e: {  	[tilespmem:s22+$0x20] =	vst v3;
	(v2sf) =	vpush v2, $0x0  }
0x9f: {  	v2 =	vld [tilespmem:s9+$0x10]  }
0xa0: {  	s10 =	simm.s32 $0x214;
	[tilespmem:s31+$0x51] =	vst v1  }
0xa1: {  	v1 =	vld [tilespmem:s10+$0x0];
	_ =	sdelay $0x2  }
0xa2: {  	s11 =	simm.s32 $0x183;
	[tilespmem:s22+$0x30] =	vst v2  }
0xa3: {  	v2 =	vld [tilespmem:s11+$0x0]  }
0xa4: {  	vm0 =	veq.s32 v1, $0x0  }
0xa5: {  	v3 =	vld [tilespmem:s5+$0xFFFFFFE0];
	v1 =	vsel vm0, $0x0, v0  }
0xa6: {  	(v2sf) =	vpush v1, $0x0  }
0xa7: {  	(v2sf) =	vpush v1, $0x1  }
0xa8: {  	(v2sf) =	vpush v2, $0x0;
	_ =	sdelay $0x1  }
0xa9: {  	[tilespmem:s22+$0xFFFFFF38] =	vst v3  }
0xaa: {  	v3 =	vld [tilespmem:s5+$0xFFFFFFF0];
	s12 =	spop (v2sf);
	(v2sf) =	vpush v1, $0x2  }
0xab: {  	s13 =	ssub.f32 s12, s19  }
0xac: {  	(v2sf) =	vpush v1, $0x3  }
0xad: {  	s0 =	smul.f32 s13, s23;
	_ =	sdelay $0x1  }
0xae: {  	[tilespmem:s22+$0xFFFFFF48] =	vst v3;
	v2 =	vmov s0  }
0xaf: {  	[tilespmem:s31+$0xFFFFFF78] =	vst v2;
	v2 =	vld [tilespmem:s9+$0xFFFFFFE0]  }
0xb0: {  	v1 =	vld [tilespmem:s8+$0xFFFFFFE0]  }
0xb1: {  	s16 =	simm.s32 $0x6D0  }
0xb2: {  	v3 =	vld [tilespmem:s16+$0x0]  }
0xb3: {  	s14 =	spop (v2sf)  }
0xb4: {  	[tilespmem:s22+$0xFFFFFF58] =	vst v2;
	s15 =	spop (v2sf)  }
0xb5: {  	[tilespmem:s31+$0xFFFFFF79] =	vst v1;
	v1 =	vld [tilespmem:s9+$0xFFFFFFF0];
	s17 =	spop (v2sf)  }
0xb6: {  	s1 =	simm.s32 $0xCA18;
	s2 =	simm.s32 $0x46B0;
	s0 =	ssub.f32 s17, s19  }
0xb7: {  	v6 =	vld [tilespmem:s2+$0x0];
	[tilespmem:s1+$0x0] =	vst v3;
	s18 =	sadd.f32 s15, s14  }
0xb8: {  	v5 =	vld [tilespmem:s16+$0x10];
	s20 =	spop (v2sf);
	s0 =	smul.f32 s0, s23  }
0xb9: {  	v2 =	vld [tilespmem:s8+$0xFFFFFFF0];
	s21 =	sadd.f32 s18, s20  }
0xba: {  	v7 =	vld [tilespmem:s2+$0x20];
	[tilespmem:s22+$0xFFFFFF68] =	vst v1;
	s8 =	spop (v2sf);
	v3 =	vmov s0  }
0xbb: {  	s24 =	simm.s32 $0x2690;
	v1 =	vld [tilespmem:s11+$0xFFFFFFFF];
	s3 =	sadd.f32 s21, s8;
	[tilespmem:s22+$0x40] =	vst v3  }
0xbc: {  	v3 =	vld [tilespmem:s24+$0x0]  }
0xbd: {  	s25 =	simm.s32 $0x16D0;
	v8 =	vld [tilespmem:s2+$0x30];
	[tilespmem:s1+$0x10] =	vst v5;
	p0 =	slt.f32 s3, $3.500000000e+00  }
0xbe: {  	v5 =	vld [tilespmem:s25+$0x0];
	s9 =	simm.f32 $3.333333430e-01;
	[tilespmem:s31+$0xFFFFFF89] =	vst v2;
	p1 =	slt.f32 s3, $2.500000000e+00  }
0xbf: {  	v2 =	vld [tilespmem:s10+$0xFFFFFFFC];
	p2 =	slt.f32 s3, $1.500000000e+00;
	s9 =	simm.s32 @!p0 $0x3E800000  }
0xc0: {  	(v2sf) =	vpush v1, $0x0;
	v1 =	vld [tilespmem:s2+$0x10];
	s9 =	simm.s32 @p1 $0x3F000000  }
0xc1: {  	v9 =	vld [tilespmem:s2+$0x40];
	s9 =	simm.s32 @p2 $0x3F800000;
	[tilespmem:s22+$0x41] =	vst v3  }
0xc2: {  	s6 =	smul.f32 s9, s14;
	v3 =	vld [tilespmem:s24+$0x10]  }
0xc3: {  	v10 =	vld [tilespmem:s2+$0x50]  }
0xc4: {  	v12 =	vld [tilespmem:s2+$0x70];
	vm5 =	veq.s32 v2, $0x0;
	s7 =	smul.f32 s9, s15;
	v2 =	vmul.f32 s6, v6  }
0xc5: {  	[tilespmem:s1+$0x20] =	vst v5;
	v11 =	vsel vm5, $0x0, v0;
	v6 =	vld [tilespmem:s2+$0x60];
	v1 =	vmul.f32 s6, v1  }
0xc6: {  	(v2sf) =	vpush v11, $0x0;
	s26 =	smul.f32 s9, s20;
	v5 =	vmul.f32 s7, v7;
	v7 =	vld [tilespmem:s25+$0x10];
	v2 =	vadd.f32 $0.0e+00, v2  }
0xc7: {  	s28 =	simm.s32 $0x21C;
	v4 =	vld [tilespmem:s16+$0xFFFFFFE0];
	(v2sf) =	vpush v11, $0x1;
	v8 =	vmul.f32 s7, v8;
	v1 =	vadd.f32 $0.0e+00, v1;
	[tilespmem:s22+$0x51] =	vst v3  }
0xc8: {  	s8 =	smul.f32 s9, s8;
	v2 =	vadd.f32 v2, v5;
	v3 =	vmul.f32 s26, v9;
	v5 =	vld [tilespmem:s28+$0x0]  }
0xc9: {  	(v2sf) =	vpush v11, $0x2;
	v1 =	vadd.f32 v1, v8;
	v8 =	vmul.f32 s26, v10  }
0xca: {  	v2 =	vadd.f32 v2, v3;
	v3 =	vmul.f32 s8, v6  }
0xcb: {  	s9 =	simm.s32 $0x185;
	(v2sf) =	vpush v11, $0x3;
	[tilespmem:s1+$0x30] =	vst v7;
	v1 =	vadd.f32 v1, v8;
	v6 =	vmul.f32 s8, v12  }
0xcc: {  	v2 =	vadd.f32 v2, v3;
	v3 =	vld [tilespmem:s9+$0x0]  }
0xcd: {  	[tilespmem:s1+$0xFFFFFF38] =	vst v4;
	v1 =	vadd.f32 v1, v6;
	vm6 =	veq.s32 v5, $0x0  }
0xce: {  	[tilespmem:s31+$0x61] =	vst v2;
	v2 =	vsel vm6, $0x0, v0  }
0xcf: {  	v4 =	vld [tilespmem:s16+$0xFFFFFFF0];
	s4 =	simm.s32 $0x3650;
	[tilespmem:s31+$0x71] =	vst v1;
	(v2sf) =	vpush v2, $0x0  }
0xd0: {  	v1 =	vld [tilespmem:s4+$0x0];
	(v2sf) =	vpush v2, $0x1  }
0xd1: {  	s14 =	spop (v2sf);
	(v2sf) =	vpush v3, $0x0  }
0xd2: {  	s15 =	ssub.f32 s14, s19;
	(v2sf) =	vpush v2, $0x2  }
0xd3: {  	v43 =	vld [tilespmem:s2+$0xFFFFFFF0]  }
0xd4: {  	[tilespmem:s1+$0xFFFFFF48] =	vst v4;
	v11 =	vld [tilespmem:s2+$0xFFFFFFE0];
	s7 =	smul.f32 s15, s23;
	(v2sf) =	vpush v2, $0x3  }
0xd5: {  	s16 =	spop (v2sf);
	v3 =	vld [tilespmem:s25+$0xFFFFFFE0];
	[tilespmem:s31+$0x81] =	vst v1  }
0xd6: {  	s10 =	spop (v2sf);
	v5 =	vmov s7;
	v1 =	vld [tilespmem:s4+$0x10]  }
0xd7: {  	v10 =	vld [tilespmem:s2+$0xFFFFFFD0];
	s17 =	sadd.f32 s10, s16;
	[tilespmem:s22+$0xFFFFFF78] =	vst v5  }
0xd8: {  	s11 =	spop (v2sf);
	v4 =	vld [tilespmem:s24+$0xFFFFFFE0]  }
0xd9: {  	v7 =	vld [tilespmem:s2+$0xFFFFFFB0];
	s18 =	sadd.f32 s17, s11  }
0xda: {  	v8 =	vld [tilespmem:s2+$0xFFFFFFC0];
	s12 =	spop (v2sf);
	[tilespmem:s1+$0xFFFFFF58] =	vst v3  }
0xdb: {  	s0 =	simm.s32 $0x424;
	s3 =	sadd.f32 s18, s12;
	v2 =	vld [tilespmem:s25+$0xFFFFFFF0];
	[tilespmem:s31+$0x91] =	vst v1  }
0xdc: {  	v1 =	vld [tilespmem:s0+$0x0]  }
0xdd: {  	s5 =	simm.s32 $0x710;
	v5 =	vld [tilespmem:s2+$0xFFFFFF90];
	p1 =	slt.f32 s3, $3.500000000e+00;
	[tilespmem:s22+$0xFFFFFF79] =	vst v4  }
0xde: {  	s13 =	simm.f32 $3.333333430e-01;
	p2 =	slt.f32 s3, $2.500000000e+00;
	v3 =	vld [tilespmem:s24+$0xFFFFFFF0];
	s14 =	spop (v2sf)  }
0xdf: {  	p0 =	slt.f32 s3, $1.500000000e+00;
	v4 =	vld [tilespmem:s2+$0xFFFFFF80];
	s13 =	simm.s32 @!p1 $0x3E800000;
	s20 =	spop (v2sf)  }
0xe0: {  	s13 =	simm.s32 @p2 $0x3F000000;
	[tilespmem:s1+$0xFFFFFF68] =	vst v2;
	v2 =	vld [tilespmem:s2+$0xFFFFFFA0];
	s21 =	spop (v2sf);
	s24 =	sadd.f32 s20, s14  }
0xe1: {  	s13 =	simm.s32 @p0 $0x3F800000;
	vm7 =	veq.s32 v1, $0x0;
	v1 =	vld [tilespmem:s5+$0x0];
	s25 =	spop (v2sf)  }
0xe2: {  	s6 =	simm.s32 $0x47B0;
	v6 =	vld [tilespmem:s9+$0xFFFFFFFF];
	s9 =	smul.f32 s13, s16;
	v9 =	vsel vm7, $0x0, v0;
	s15 =	sadd.f32 s24, s25  }
0xe3: {  	v44 =	vld [tilespmem:s6+$0x40];
	[tilespmem:s22+$0xFFFFFF89] =	vst v3;
	(v2sf) =	vpush v9, $0x0;
	s26 =	spop (v2sf)  }
0xe4: {  	s10 =	smul.f32 s13, s10;
	v3 =	vld [tilespmem:s28+$0xFFFFFFFC];
	v4 =	vmul.f32 s9, v4;
	(v2sf) =	vpush v9, $0x1;
	s15 =	sadd.f32 s15, s26  }
0xe5: {  	v14 =	vld [tilespmem:s6+$0x50];
	s28 =	simm.s32 $0xCBA8;
	v5 =	vmul.f32 s9, v5;
	(v2sf) =	vpush v9, $0x2  }
0xe6: {  	v45 =	vld [tilespmem:s6+$0x70];
	s11 =	smul.f32 s13, s11;
	v2 =	vmul.f32 s10, v2;
	(v2sf) =	vpush v9, $0x3;
	[tilespmem:s28+$0x0] =	vst v1;
	v1 =	vadd.f32 $0.0e+00, v4;
	p0 =	slt.f32 s15, $3.500000000e+00  }
0xe7: {  	s16 =	simm.f32 $3.333333430e-01;
	v5 =	vadd.f32 $0.0e+00, v5;
	(v2sf) =	vpush v6, $0x0;
	v4 =	vld [tilespmem:s5+$0x10];
	v6 =	vmul.f32 s10, v7;
	p1 =	slt.f32 s15, $2.500000000e+00  }
0xe8: {  	s2 =	ssub.f32 s21, s19;
	v7 =	vld [tilespmem:s6+$0x0];
	p2 =	slt.f32 s15, $1.500000000e+00;
	v1 =	vadd.f32 v1, v2;
	v2 =	vmul.f32 s11, v8;
	s16 =	simm.s32 @!p0 $0x3E800000  }
0xe9: {  	s13 =	smul.f32 s13, s12;
	vm8 =	veq.s32 v3, $0x0;
	v8 =	vld [tilespmem:s6+$0x10];
	v3 =	vadd.f32 v5, v6;
	v5 =	vmul.f32 s11, v10;
	s16 =	simm.s32 @p1 $0x3F000000  }
0xea: {  	s9 =	smul.f32 s2, s23;
	v6 =	vld [tilespmem:s6+$0x20];
	v1 =	vadd.f32 v1, v2;
	s16 =	simm.s32 @p2 $0x3F800000  }
0xeb: {  	v2 =	vmul.f32 s13, v11;
	v11 =	vld [tilespmem:s6+$0x30];
	v3 =	vadd.f32 v3, v5;
	v5 =	vmul.f32 s13, v43;
	s14 =	smul.f32 s16, s14  }
0xec: {  	v47 =	vld [tilespmem:s6+$0xFFFFFFA0];
	v13 =	vmov s9;
	v10 =	vsel vm8, $0x0, v0  }
0xed: {  	[tilespmem:s1+$0x40] =	vst v13;
	s15 =	simm.s32 $0x26D0;
	v1 =	vadd.f32 v1, v2;
	s8 =	smul.f32 s16, s20;
	v2 =	vadd.f32 v3, v5;
	v5 =	vld [tilespmem:s6+$0x60];
	v7 =	vmul.f32 s14, v7  }
0xee: {  	(v2sf) =	vpush v10, $0x0;
	v3 =	vmul.f32 s14, v8;
	v8 =	vld [tilespmem:s15+$0x0]  }
0xef: {  	v9 =	vld [tilespmem:s5+$0xFFFFFFE0];
	(v2sf) =	vpush v10, $0x1;
	[tilespmem:s28+$0x10] =	vst v4;
	s7 =	smul.f32 s16, s25;
	v6 =	vmul.f32 s8, v6;
	v7 =	vadd.f32 $0.0e+00, v7  }
0xf0: {  	s18 =	simm.s32 $0x1710;
	v48 =	vld [tilespmem:s6+$0xFFFFFFC0];
	(v2sf) =	vpush v10, $0x2;
	[tilespmem:s31+$0xFFFFFF99] =	vst v1;
	v1 =	vadd.f32 $0.0e+00, v3;
	v3 =	vmul.f32 s8, v11  }
0xf1: {  	(v2sf) =	vpush v10, $0x3;
	s17 =	smul.f32 s16, s26;
	v10 =	vld [tilespmem:s18+$0x0];
	[tilespmem:s31+$0xFFFFFFA9] =	vst v2;
	v2 =	vadd.f32 v7, v6;
	v6 =	vmul.f32 s7, v44  }
0xf2: {  	v15 =	vld [tilespmem:s6+$0xFFFFFFD0];
	v4 =	vmul.f32 s7, v14;
	s10 =	spop (v2sf);
	v3 =	vadd.f32 v1, v3  }
0xf3: {  	v16 =	vld [tilespmem:s6+$0xFFFFFFE0];
	v5 =	vmul.f32 s17, v5;
	s11 =	spop (v2sf);
	[tilespmem:s1+$0x41] =	vst v8;
	v2 =	vadd.f32 v2, v6  }
0xf4: {  	[tilespmem:s28+$0xFFFFFF38] =	vst v9;
	s8 =	spop (v2sf);
	v3 =	vadd.f32 v3, v4;
	v4 =	vmul.f32 s17, v45;
	v6 =	vld [tilespmem:s15+$0x10]  }
0xf5: {  	v8 =	vld [tilespmem:s5+$0xFFFFFFF0];
	s7 =	spop (v2sf);
	v5 =	vadd.f32 v2, v5  }
0xf6: {  	v49 =	vld [tilespmem:s6+$0xFFFFFFF0];
	[tilespmem:s28+$0x20] =	vst v10;
	s20 =	spop (v2sf);
	v4 =	vadd.f32 v3, v4  }
0xf7: {  	v11 =	vld [tilespmem:s6+$0xFFFFFF80];
	s21 =	ssub.f32 s20, s19;
	[tilespmem:s22+$0x61] =	vst v5  }
0xf8: {  	s5 =	simm.s32 $0x3690;
	[tilespmem:s22+$0x71] =	vst v4;
	v4 =	vld [tilespmem:s18+$0x10]  }
0xf9: {  	s9 =	simm.s32 $0x224;
	s24 =	smul.f32 s21, s23;
	v9 =	vld [tilespmem:s5+$0x0];
	[tilespmem:s1+$0x51] =	vst v6  }
0xfa: {  	[tilespmem:s28+$0xFFFFFF48] =	vst v8;
	v6 =	vld [tilespmem:s9+$0x0]  }
0xfb: {  	v8 =	vld [tilespmem:s18+$0xFFFFFFE0];
	v5 =	vmov s24  }
0xfc: {  	v7 =	vld [tilespmem:s4+$0xFFFFFFE0];
	[tilespmem:s1+$0xFFFFFF78] =	vst v5  }
0xfd: {  	s20 =	simm.s32 $0x187;
	v10 =	vld [tilespmem:s15+$0xFFFFFFE0];
	[tilespmem:s28+$0x30] =	vst v4  }
0xfe: {  	s25 =	spop (v2sf);
	[tilespmem:s22+$0x81] =	vst v9;
	v4 =	vld [tilespmem:s20+$0x0]  }
0xff: {  	s3 =	simm.s32 $0x86B0;
	s26 =	spop (v2sf);
	v9 =	vld [tilespmem:s5+$0x10];
	vm9 =	veq.s32 v6, $0x0  }
0x100: {  	v1 =	vld [tilespmem:s3+$0x10];
	s2 =	sadd.f32 s26, s25;
	[tilespmem:s28+$0xFFFFFF58] =	vst v8;
	v8 =	vsel vm9, $0x0, v0  }
0x101: {  	v2 =	vld [tilespmem:s3+$0x30];
	s17 =	spop (v2sf);
	(v2sf) =	vpush v8, $0x0  }
0x102: {  	v3 =	vld [tilespmem:s3+$0x50];
	[tilespmem:s31+$0xFFFFFFB9] =	vst v7;
	s16 =	sadd.f32 s2, s17;
	(v2sf) =	vpush v8, $0x1  }
0x103: {  	v18 =	vld [tilespmem:s4+$0xFFFFFFF0];
	s21 =	spop (v2sf);
	[tilespmem:s1+$0xFFFFFF79] =	vst v10;
	(v2sf) =	vpush v4, $0x0  }
0x104: {  	s16 =	sadd.f32 s16, s21;
	v10 =	vld [tilespmem:s18+$0xFFFFFFF0];
	s18 =	simm.s32 $0x42C;
	[tilespmem:s22+$0x91] =	vst v9;
	(v2sf) =	vpush v8, $0x2  }
0x105: {  	s4 =	simm.s32 $0x750;
	v9 =	vld [tilespmem:s18+$0x0]  }
0x106: {  	v52 =	vld [tilespmem:s4+$0x0];
	p0 =	slt.f32 s16, $3.500000000e+00;
	(v2sf) =	vpush v8, $0x3  }
0x107: {  	s12 =	simm.f32 $3.333333430e-01;
	v54 =	vld [tilespmem:s4+$0xFFFFFFE0];
	p1 =	slt.f32 s16, $2.500000000e+00  }
0x108: {  	p2 =	slt.f32 s16, $1.500000000e+00;
	v46 =	vld [tilespmem:s15+$0xFFFFFFF0];
	s12 =	simm.s32 @!p0 $0x3E800000  }
0x109: {  	s30 =	simm.s32 $0x48B0;
	v4 =	vld [tilespmem:s6+$0xFFFFFF90];
	s12 =	simm.s32 @p1 $0x3F000000  }
0x10a: {  	v59 =	vld [tilespmem:s30+$0x0];
	s12 =	simm.s32 @p2 $0x3F800000;
	vm10 =	veq.s32 v9, $0x0  }
0x10b: {  	s16 =	smul.f32 s12, s25;
	v8 =	vld [tilespmem:s6+$0xFFFFFFB0];
	v17 =	vsel vm10, $0x0, v0  }
0x10c: {  	v60 =	vld [tilespmem:s30+$0x10];
	[tilespmem:s28+$0xFFFFFF68] =	vst v10;
	(v2sf) =	vpush v17, $0x0  }
0x10d: {  	s14 =	smul.f32 s12, s26;
	v11 =	vmul.f32 s16, v11;
	v7 =	vld [tilespmem:s20+$0xFFFFFFFF];
	(v2sf) =	vpush v17, $0x1  }
0x10e: {  	v19 =	vld [tilespmem:s30+$0x20];
	[tilespmem:s1+$0xFFFFFF89] =	vst v46;
	v4 =	vmul.f32 s16, v4;
	(v2sf) =	vpush v17, $0x2  }
0x10f: {  	s17 =	smul.f32 s12, s17;
	v12 =	vld [tilespmem:s9+$0xFFFFFFFC];
	v10 =	vadd.f32 $0.0e+00, v11;
	v11 =	vmul.f32 s14, v47  }
0x110: {  	s24 =	sadd.f32 s11, s10;
	v61 =	vld [tilespmem:s30+$0x30];
	v4 =	vadd.f32 $0.0e+00, v4;
	v8 =	vmul.f32 s14, v8;
	s26 =	spop (v2sf);
	(v2sf) =	vpush v17, $0x3  }
0x111: {  	v62 =	vld [tilespmem:s30+$0x40];
	s12 =	smul.f32 s12, s21;
	v14 =	vmul.f32 s17, v48;
	v11 =	vadd.f32 v10, v11;
	s2 =	spop (v2sf)  }
0x112: {  	v21 =	vld [tilespmem:s30+$0x50];
	v4 =	vadd.f32 v4, v8;
	v8 =	vmul.f32 s17, v15;
	(v2sf) =	vpush v7, $0x0;
	s16 =	spop (v2sf);
	s17 =	sadd.f32 s2, s26  }
0x113: {  	v22 =	vld [tilespmem:s30+$0x60];
	s25 =	sadd.f32 s24, s8;
	v50 =	vmul.f32 s12, v16;
	v14 =	vadd.f32 v11, v14;
	s21 =	spop (v2sf)  }
0x114: {  	v29 =	vld [tilespmem:s30+$0x70];
	[tilespmem:s31+$0xFFFFFFC9] =	vst v18;
	vm11 =	veq.s32 v12, $0x0;
	v4 =	vadd.f32 v4, v8;
	v8 =	vmul.f32 s12, v49;
	s12 =	sadd.f32 s17, s21  }
0x115: {  	v53 =	vld [tilespmem:s0+$0xFFFFFFFC];
	s0 =	simm.s32 $0xCD38;
	s6 =	sadd.f32 s25, s7;
	v58 =	vsel vm11, $0x0, v0;
	s9 =	spop (v2sf)  }
0x116: {  	v5 =	vld [tilespmem:s3+$0x70];
	[tilespmem:s0+$0x0] =	vst v52;
	v51 =	vadd.f32 v14, v50;
	(v2sf) =	vpush v58, $0x0;
	s12 =	sadd.f32 s12, s9  }
0x117: {  	[tilespmem:s0+$0xFFFFFF38] =	vst v54;
	v56 =	vld [tilespmem:s4+$0x10];
	v4 =	vadd.f32 v4, v8;
	s20 =	ssub.f32 s16, s19  }
0x118: {  	v23 =	vld [tilespmem:s4+$0xFFFFFFF0];
	s4 =	simm.s32 $0x87B0;
	p2 =	slt.f32 s6, $3.500000000e+00;
	[tilespmem:s22+$0xFFFFFF99] =	vst v51;
	p0 =	slt.f32 s12, $3.500000000e+00  }
0x119: {  	v6 =	vld [tilespmem:s3+$0x60];
	[tilespmem:s22+$0xFFFFFFA9] =	vst v4;
	(v2sf) =	vpush v58, $0x1;
	s22 =	smul.f32 s20, s23;
	s20 =	simm.f32 $3.333333430e-01;
	p3 =	slt.f32 s12, $2.500000000e+00  }
0x11a: {  	vm12 =	veq.s32 v53, $0x0;
	v24 =	vld [tilespmem:s4+$0x10];
	p1 =	slt.f32 s6, $2.500000000e+00;
	(v2sf) =	vpush v58, $0x2;
	p4 =	slt.f32 s12, $1.500000000e+00;
	s20 =	simm.s32 @!p0 $0x3E800000  }
0x11b: {  	v20 =	vsel vm12, $0x0, v0;
	v31 =	vld [tilespmem:s4+$0x30];
	p0 =	slt.f32 s6, $1.500000000e+00;
	s20 =	simm.s32 @p3 $0x3F000000;
	s6 =	spop (v2sf);
	(v2sf) =	vpush v58, $0x3  }
0x11c: {  	v37 =	vld [tilespmem:s4+$0x50];
	s20 =	simm.s32 @p4 $0x3F800000;
	s16 =	spop (v2sf);
	(v2sf) =	vpush v20, $0x0  }
0x11d: {  	v39 =	vld [tilespmem:s4+$0x70];
	s13 =	smul.f32 s20, s26;
	s15 =	spop (v2sf);
	(v2sf) =	vpush v20, $0x1  }
0x11e: {  	v42 =	vld [tilespmem:s4+$0x60];
	s24 =	smul.f32 s20, s2  }
0x11f: {  	v43 =	vld [tilespmem:s4+$0x40];
	v55 =	vmov s22;
	s12 =	simm.f32 $3.333333430e-01;
	s25 =	sadd.f32 s16, s6;
	s14 =	spop (v2sf);
	(v2sf) =	vpush v20, $0x2  }
0x120: {  	s29 =	simm.s32 $0x2710;
	v44 =	vld [tilespmem:s4+$0x20];
	[tilespmem:s28+$0x40] =	vst v55;
	s12 =	simm.s32 @!p2 $0x3E800000;
	s26 =	smul.f32 s20, s21;
	v17 =	vmul.f32 s13, v59;
	v18 =	vmul.f32 s13, v60  }
0x121: {  	v57 =	vld [tilespmem:s29+$0x0];
	s12 =	simm.s32 @p1 $0x3F000000;
	v28 =	vmul.f32 s24, v19;
	v15 =	vmul.f32 s24, v61;
	s24 =	sadd.f32 s25, s15;
	s2 =	spop (v2sf);
	(v2sf) =	vpush v20, $0x3  }
0x122: {  	[tilespmem:s0+$0x10] =	vst v56;
	v45 =	vld [tilespmem:s4+$0x0];
	s12 =	simm.s32 @p0 $0x3F800000;
	s25 =	smul.f32 s20, s9;
	s9 =	simm.s32 $0x1750;
	v63 =	vadd.f32 $0.0e+00, v17  }
0x123: {  	v14 =	vmul.f32 s26, v62;
	v30 =	vmul.f32 s26, v21;
	s20 =	smul.f32 s12, s10;
	v32 =	vld [tilespmem:s9+$0x0];
	v18 =	vadd.f32 $0.0e+00, v18;
	s26 =	sadd.f32 s24, s14  }
0x124: {  	v25 =	vld [tilespmem:s30+$0xFFFFFF90];
	s17 =	ssub.f32 s2, s19;
	s2 =	smul.f32 s12, s7;
	v13 =	vadd.f32 v63, v28  }
0x125: {  	v9 =	vld [tilespmem:s3+$0x20];
	s22 =	spop (v2sf);
	v15 =	vadd.f32 v18, v15;
	p0 =	slt.f32 s26, $3.500000000e+00  }
0x126: {  	v10 =	vld [tilespmem:s3+$0x40];
	[tilespmem:s28+$0x41] =	vst v57;
	v33 =	vmul.f32 s25, v22;
	s24 =	simm.f32 $3.333333430e-01;
	s17 =	smul.f32 s17, s23;
	p1 =	slt.f32 s26, $2.500000000e+00;
	v13 =	vadd.f32 v13, v14  }
0x127: {  	v38 =	vld [tilespmem:s29+$0x10];
	v36 =	vmul.f32 s25, v29;
	s23 =	smul.f32 s12, s11;
	p2 =	slt.f32 s26, $1.500000000e+00;
	v35 =	vadd.f32 v15, v30;
	s24 =	simm.s32 @!p0 $0x3E800000  }
0x128: {  	v11 =	vld [tilespmem:s3+$0x0];
	v34 =	vmov s17;
	s17 =	smul.f32 s12, s8;
	s12 =	spop (v2sf);
	[tilespmem:s0+$0x20] =	vst v32;
	s24 =	simm.s32 @p1 $0x3F000000;
	v13 =	vadd.f32 v13, v33  }
0x129: {  	v8 =	vld [tilespmem:s3+$0xFFFFFF90];
	[tilespmem:s28+$0xFFFFFF78] =	vst v34;
	s10 =	spop (v2sf);
	s26 =	sadd.f32 s12, s22;
	v12 =	vadd.f32 v35, v36;
	s24 =	simm.s32 @p2 $0x3F800000  }
0x12a: {  	v18 =	vld [tilespmem:s9+$0x10];
	s25 =	smul.f32 s24, s6;
	[tilespmem:s1+$0x61] =	vst v13;
	s6 =	spop (v2sf)  }
0x12b: {  	s7 =	simm.s32 $0x36D0;
	v41 =	vld [tilespmem:s29+$0xFFFFFFE0];
	s13 =	smul.f32 s24, s16;
	[tilespmem:s1+$0x71] =	vst v12;
	s21 =	spop (v2sf)  }
0x12c: {  	[tilespmem:s28+$0x51] =	vst v38;
	s8 =	simm.s32 $0x22C;
	s26 =	sadd.f32 s26, s10;
	v12 =	vld [tilespmem:s7+$0x0];
	s16 =	spop (v2sf)  }
0x12d: {  	v1 =	vmul.f32 s20, v1;
	v11 =	vmul.f32 s20, v11;
	v19 =	vld [tilespmem:s8+$0x0];
	s19 =	sadd.f32 s16, s21  }
0x12e: {  	v7 =	vld [tilespmem:s3+$0xFFFFFF80];
	v5 =	vmul.f32 s2, v5;
	v6 =	vmul.f32 s2, v6;
	s2 =	smul.f32 s24, s15;
	s11 =	spop (v2sf)  }
0x12f: {  	v51 =	vld [tilespmem:s30+$0xFFFFFF80];
	v1 =	vadd.f32 $0.0e+00, v1;
	v2 =	vmul.f32 s23, v2;
	s24 =	smul.f32 s24, s14;
	[tilespmem:s0+$0x30] =	vst v18;
	s19 =	sadd.f32 s19, s11  }
0x130: {  	v4 =	vld [tilespmem:s5+$0xFFFFFFE0];
	v11 =	vadd.f32 $0.0e+00, v11;
	v9 =	vmul.f32 s23, v9;
	s14 =	simm.s32 $0x189;
	s26 =	sadd.f32 s26, s6;
	[tilespmem:s28+$0xFFFFFF79] =	vst v41;
	s15 =	spop (v2sf)  }
0x131: {  	v3 =	vmul.f32 s17, v3;
	v1 =	vadd.f32 v1, v2;
	v47 =	vld [tilespmem:s14+$0x0];
	[tilespmem:s1+$0x81] =	vst v12;
	s28 =	sadd.f32 s19, s15  }
0x132: {  	[tilespmem:s0+$0xFFFFFF48] =	vst v23;
	v9 =	vadd.f32 v11, v9;
	v14 =	vmul.f32 s24, v39;
	vm13 =	veq.s32 v19, $0x0;
	p0 =	slt.f32 s26, $3.500000000e+00;
	p1 =	slt.f32 s26, $1.500000000e+00;
	v46 =	vld [tilespmem:s7+$0x10]  }
0x133: {  	v40 =	vld [tilespmem:s9+$0xFFFFFFE0];
	v20 =	vmul.f32 s24, v42;
	s24 =	simm.f32 $3.333333430e-01;
	v2 =	vmul.f32 s25, v24;
	v50 =	vsel vm13, $0x0, v0;
	p4 =	slt.f32 s26, $2.500000000e+00;
	p3 =	slt.f32 s28, $3.500000000e+00  }
0x134: {  	v10 =	vmul.f32 s17, v10;
	v1 =	vadd.f32 v1, v3;
	v49 =	vld [tilespmem:s29+$0xFFFFFFF0];
	(v2sf) =	vpush v50, $0x0;
	s26 =	simm.f32 $3.333333430e-01;
	s24 =	simm.s32 @!p0 $0x3E800000;
	p2 =	slt.f32 s28, $2.500000000e+00  }
0x135: {  	v55 =	vld [tilespmem:s30+$0xFFFFFFA0];
	v17 =	vmul.f32 s13, v31;
	v2 =	vadd.f32 $0.0e+00, v2;
	(v2sf) =	vpush v50, $0x1;
	s24 =	simm.s32 @p4 $0x3F000000;
	p0 =	slt.f32 s28, $1.500000000e+00;
	s26 =	simm.s32 @!p3 $0x3E800000  }
0x136: {  	v58 =	vld [tilespmem:s30+$0xFFFFFFD0];
	v9 =	vadd.f32 v9, v10;
	v12 =	vmul.f32 s25, v45;
	s24 =	simm.s32 @p1 $0x3F800000;
	(v2sf) =	vpush v47, $0x0;
	s26 =	simm.s32 @p2 $0x3F000000  }
0x137: {  	s23 =	simm.s32 $0x434;
	v11 =	vld [tilespmem:s3+$0xFFFFFFA0];
	v52 =	vmul.f32 s2, v37;
	v53 =	vmul.f32 s2, v43;
	v2 =	vadd.f32 v2, v17;
	s2 =	smul.f32 s24, s22;
	[tilespmem:s1+$0x91] =	vst v46;
	s26 =	simm.s32 @p0 $0x3F800000  }
0x138: {  	[tilespmem:s0+$0xFFFFFF58] =	vst v40;
	v54 =	vmul.f32 s13, v44;
	v5 =	vadd.f32 v1, v5;
	v10 =	vadd.f32 $0.0e+00, v12;
	v3 =	vld [tilespmem:s23+$0x0];
	s19 =	smul.f32 s26, s21;
	s21 =	simm.s32 $0xCBA8  }
0x139: {  	v48 =	vld [tilespmem:s9+$0xFFFFFFF0];
	v6 =	vadd.f32 v9, v6;
	v1 =	vadd.f32 v2, v52;
	[tilespmem:s21+$0xFFFFFF89] =	vst v49  }
0x13a: {  	(v2sf) =	vpush v50, $0x2;
	v9 =	vadd.f32 v10, v54;
	v2 =	vmul.f32 s2, v51;
	v10 =	vld [tilespmem:s8+$0xFFFFFFFC]  }
0x13b: {  	v14 =	vadd.f32 v1, v14;
	(v2sf) =	vpush v50, $0x3;
	s22 =	smul.f32 s26, s16;
	v1 =	vmul.f32 s19, v7;
	v7 =	vld [tilespmem:s30+$0xFFFFFFB0]  }
0x13c: {  	v57 =	vld [tilespmem:s30+$0xFFFFFFC0];
	s20 =	simm.s32 $0xC888;
	s12 =	smul.f32 s24, s12;
	v56 =	vmul.f32 s2, v25;
	v9 =	vadd.f32 v9, v53;
	v2 =	vadd.f32 $0.0e+00, v2  }
0x13d: {  	v60 =	vld [tilespmem:s30+$0xFFFFFFE0];
	[tilespmem:s20+$0xFFFFFFB9] =	vst v4;
	v11 =	vmul.f32 s22, v11;
	vm14 =	veq.s32 v3, $0x0;
	v1 =	vadd.f32 $0.0e+00, v1  }
0x13e: {  	v61 =	vld [tilespmem:s30+$0xFFFFFFF0];
	[tilespmem:s0+$0xFFFFFF68] =	vst v48;
	v4 =	vadd.f32 $0.0e+00, v56;
	v3 =	vmul.f32 s12, v55;
	v59 =	vsel vm14, $0x0, v0  }
0x13f: {  	v13 =	vld [tilespmem:s14+$0xFFFFFFFF];
	s10 =	smul.f32 s24, s10;
	v8 =	vmul.f32 s19, v8;
	(v2sf) =	vpush v59, $0x0;
	v1 =	vadd.f32 v1, v11  }
0x140: {  	vm15 =	veq.s32 v10, $0x0;
	v10 =	vadd.f32 v2, v3;
	v3 =	vmul.f32 s12, v7;
	v7 =	vld [tilespmem:s5+$0xFFFFFFF0]  }
0x141: {  	v62 =	vld [tilespmem:s3+$0xFFFFFFB0];
	[tilespmem:s31+$0xB1] =	vst v5;
	s24 =	smul.f32 s24, s6;
	s28 =	simm.s32 $0xC6F8;
	v11 =	vadd.f32 v9, v20;
	v2 =	vadd.f32 $0.0e+00, v8;
	v8 =	vmul.f32 s10, v57  }
0x142: {  	(v2sf) =	vpush v59, $0x1;
	v9 =	vmul.f32 s10, v58;
	v5 =	vadd.f32 v4, v3;
	v3 =	vld [tilespmem:s3+$0xFFFFFFC0];
	[dreg:$0x9] =	wrdreg s28  }
0x143: {  	s11 =	smul.f32 s26, s11;
	(v2sf) =	vpush v59, $0x2;
	s12 =	spop (v2sf);
	[tilespmem:s31+$0xA1] =	vst v6;
	v6 =	vadd.f32 v10, v8;
	v10 =	vmul.f32 s24, v60;
	v4 =	vld [tilespmem:s3+$0xFFFFFFD0]  }
0x144: {  	s25 =	simm.s32 $0x8;
	v63 =	vmul.f32 s24, v61;
	s10 =	smul.f32 s26, s15;
	(v2sf) =	vpush v59, $0x3;
	s6 =	spop (v2sf);
	[tilespmem:s20+$0xB1] =	vst v14;
	v12 =	vadd.f32 v5, v9;
	v5 =	vld [tilespmem:s3+$0xFFFFFFE0]  }
0x145: {  	s26 =	simm.s32 $0x790;
	s5 =	simm.s32 $0x87B0;
	(v2sf) =	vpush v13, $0x0;
	s15 =	spop (v2sf);
	v8 =	vsel vm15, $0x0, v0;
	v9 =	vadd.f32 v6, v10;
	[tilespmem:s20+$0xFFFFFFC9] =	vst v7;
	v6 =	vld [tilespmem:s3+$0xFFFFFFF0]  }
0x146: {  	s16 =	sadd.f32 s6, s12;
	[tilespmem:s20+$0xA1] =	vst v11;
	s31 =	simm.s32 $0xCD38;
	(v2sf) =	vpush v8, $0x0;
	v7 =	vmul.f32 s22, v62;
	v10 =	vadd.f32 v12, v63;
	v11 =	vld [tilespmem:s18+$0xFFFFFFFC];
	s18 =	simm.s32 $0x36D0  }
.LBB2_3:
0x147: {  	_ =	sdelay $0x1  }
0x148: {  	s2 =	rddreg [dreg:$0x7]  }
0x149: {  	v12 =	vld [tilespmem:s26+$0x0];
	s3 =	smov.u32 s23;
	s13 =	ssub.f32 s15, s2  }
0x14a: {  	[tilespmem:s1+$0xFFFFFF99] =	vst v9;
	[dreg:$0xb] =	wrdreg s3  }
0x14b: {  	s3 =	rddreg [dreg:$0x8];
	v9 =	vld [tilespmem:s26+$0xFFFFFFE0];
	[tilespmem:s1+$0xFFFFFFA9] =	vst v10;
	s15 =	spop (v2sf)  }
0x14c: {  	v3 =	vmul.f32 s11, v3;
	v10 =	vld [tilespmem:s7+$0xFFFFFFE0];
	s16 =	sadd.f32 s16, s15  }
0x14d: {  	s0 =	sadd.s32 $0x190, s0;
	v7 =	vadd.f32 v2, v7;
	v4 =	vmul.f32 s11, v4;
	s13 =	smul.f32 s13, s3;
	v2 =	vld [tilespmem:s4+$0xFFFFFF80];
	s11 =	spop (v2sf)  }
0x14e: {  	v5 =	vmul.f32 s10, v5;
	v1 =	vadd.f32 v1, v3;
	v3 =	vld [tilespmem:s4+$0xFFFFFF90];
	[tilespmem:s0+$0x0] =	vst v12;
	s16 =	sadd.f32 s16, s11  }
0x14f: {  	[dreg:$0xa] =	wrdreg s23;
	s29 =	sadd.s32 $0x40, s29;
	v6 =	vmul.f32 s10, v6;
	v4 =	vadd.f32 v7, v4;
	v7 =	vmov s13;
	v12 =	vld [tilespmem:s26+$0x10]  }
0x150: {  	s30 =	sadd.s32 $0x100, s30;
	s19 =	rddreg [dreg:$0x9];
	[tilespmem:s31+$0x40] =	vst v7;
	v5 =	vadd.f32 v1, v5;
	v1 =	vld [tilespmem:s4+$0xFFFFFFA0];
	p1 =	slt.f32 s16, $3.500000000e+00  }
0x151: {  	s28 =	smov.u32 s20;
	s13 =	simm.f32 $3.333333430e-01;
	(v2sf) =	vpush v8, $0x1;
	v4 =	vadd.f32 v4, v6;
	v6 =	vld [tilespmem:s29+$0x0];
	p2 =	slt.f32 s16, $2.500000000e+00  }
0x152: {  	v7 =	vld [tilespmem:s30+$0x0];
	(v2sf) =	vpush v8, $0x2;
	s10 =	spop (v2sf);
	p0 =	slt.f32 s16, $1.500000000e+00;
	s13 =	simm.s32 @!p1 $0x3E800000  }
0x153: {  	[dreg:$0x9] =	wrdreg s28;
	[tilespmem:s1+$0xFFFFFFB9] =	vst v10;
	(v2sf) =	vpush v8, $0x3;
	s24 =	spop (v2sf);
	v8 =	vld [tilespmem:s30+$0x10];
	s13 =	simm.s32 @p2 $0x3F000000  }
0x154: {  	vm0 =	veq.s32 v11, $0x0;
	[tilespmem:s19+$0xFFFFFFD9] =	vst v5;
	v5 =	vld [tilespmem:s30+$0x20];
	s23 =	sadd.f32 s24, s10;
	s22 =	spop (v2sf);
	s13 =	simm.s32 @p0 $0x3F800000  }
0x155: {  	v11 =	vsel vm0, $0x0, v0;
	[tilespmem:s19+$0xFFFFFFE9] =	vst v4;
	v4 =	vld [tilespmem:s30+$0x30];
	s16 =	spop (v2sf);
	s12 =	smul.f32 s13, s12  }
0x156: {  	s28 =	smov.u32 s1;
	[tilespmem:s0+$0xFFFFFF38] =	vst v9;
	v9 =	vld [tilespmem:s30+$0x40];
	(v2sf) =	vpush v11, $0x0;
	s17 =	sadd.f32 s23, s22;
	s1 =	spop (v2sf)  }
0x157: {  	v10 =	vld [tilespmem:s30+$0x50];
	(v2sf) =	vpush v11, $0x1;
	s20 =	ssub.f32 s1, s2;
	s2 =	smul.f32 s13, s6;
	v7 =	vmul.f32 s12, v7  }
0x158: {  	v13 =	vld [tilespmem:s30+$0x70];
	(v2sf) =	vpush v11, $0x2;
	s17 =	sadd.f32 s17, s16;
	v8 =	vmul.f32 s12, v8  }
0x159: {  	s4 =	sadd.s32 $0x100, s4;
	(v2sf) =	vpush v11, $0x3;
	v11 =	vld [tilespmem:s30+$0x60];
	s20 =	smul.f32 s20, s3;
	v5 =	vmul.f32 s2, v5;
	v7 =	vadd.f32 $0.0e+00, v7  }
0x15a: {  	s9 =	sadd.s32 $0x40, s9;
	v14 =	vld [tilespmem:s4+$0x10];
	p1 =	slt.f32 s17, $3.500000000e+00;
	s19 =	smul.f32 s13, s15;
	v4 =	vmul.f32 s2, v4;
	v8 =	vadd.f32 $0.0e+00, v8  }
0x15b: {  	v15 =	vld [tilespmem:s26+$0xFFFFFFF0];
	[tilespmem:s0+$0x10] =	vst v12;
	p2 =	slt.f32 s17, $2.500000000e+00;
	p0 =	slt.f32 s17, $1.500000000e+00;
	s17 =	simm.f32 $3.333333430e-01;
	v5 =	vadd.f32 v7, v5  }
0x15c: {  	s11 =	smul.f32 s13, s11;
	s17 =	simm.s32 @!p1 $0x3E800000;
	v7 =	vmul.f32 s19, v9;
	v4 =	vadd.f32 v8, v4;
	v8 =	vmul.f32 s19, v10;
	v10 =	vld [tilespmem:s9+$0x0]  }
0x15d: {  	s1 =	smov.u32 s31;
	s17 =	simm.s32 @p2 $0x3F000000  }
0x15e: {  	s17 =	simm.s32 @p0 $0x3F800000;
	v9 =	vld [tilespmem:s4+$0x30];
	[tilespmem:s1+$0x41] =	vst v6;
	v5 =	vadd.f32 v5, v7;
	v7 =	vmul.f32 s11, v11;
	v11 =	vmov s20  }
0x15f: {  	s10 =	smul.f32 s17, s10;
	v6 =	vmul.f32 s11, v13;
	v4 =	vadd.f32 v4, v8;
	v8 =	vld [tilespmem:s4+$0x50];
	[tilespmem:s1+$0xFFFFFF78] =	vst v11  }
0x160: {  	[dreg:$0xc] =	wrdreg s18;
	v11 =	vld [tilespmem:s29+$0x10];
	v5 =	vadd.f32 v5, v7;
	[tilespmem:s0+$0xFFFFFF48] =	vst v15  }
0x161: {  	s18 =	smov.u32 s21;
	s6 =	spop (v2sf);
	s31 =	smul.f32 s17, s24;
	v7 =	vmul.f32 s10, v14;
	v4 =	vadd.f32 v4, v6;
	v6 =	vld [tilespmem:s4+$0x70];
	[tilespmem:s0+$0x20] =	vst v10  }
0x162: {  	s21 =	spop (v2sf);
	v53 =	vld [tilespmem:s9+$0xFFFFFFE0];
	[tilespmem:s18+$0x61] =	vst v5  }
0x163: {  	s7 =	sadd.s32 $0x40, s7;
	s2 =	sadd.f32 s21, s6;
	v5 =	vadd.f32 $0.0e+00, v7;
	v7 =	vmul.f32 s31, v9;
	v9 =	vld [tilespmem:s29+$0xFFFFFFE0];
	[tilespmem:s18+$0x71] =	vst v4  }
0x164: {  	s19 =	smul.f32 s17, s22;
	s13 =	spop (v2sf);
	v4 =	vld [tilespmem:s7+$0x0]  }
0x165: {  	s3 =	sadd.f32 s2, s13  }
0x166: {  	s8 =	sadd.s32 $0x8, s8;
	s17 =	smul.f32 s17, s16;
	s20 =	spop (v2sf);
	v5 =	vadd.f32 v5, v7;
	v7 =	vmul.f32 s19, v8;
	v8 =	vld [tilespmem:s9+$0x10];
	[tilespmem:s1+$0x51] =	vst v11  }
0x167: {  	s11 =	spop (v2sf);
	s24 =	sadd.f32 s3, s20;
	v10 =	vld [tilespmem:s8+$0x0];
	[tilespmem:s0+$0xFFFFFF58] =	vst v53  }
0x168: {  	s12 =	spop (v2sf);
	v6 =	vmul.f32 s17, v6;
	v5 =	vadd.f32 v5, v7;
	v7 =	vld [tilespmem:s4+$0x60];
	[tilespmem:s1+$0xFFFFFF79] =	vst v9  }
0x169: {  	s2 =	sadd.f32 s12, s11;
	p2 =	slt.f32 s24, $3.500000000e+00;
	v9 =	vld [tilespmem:s4+$0x40];
	[tilespmem:s18+$0x81] =	vst v4  }
0x16a: {  	s15 =	spop (v2sf);
	s3 =	simm.f32 $3.333333430e-01;
	p3 =	slt.f32 s24, $2.500000000e+00;
	v5 =	vadd.f32 v5, v6;
	v4 =	vld [tilespmem:s4+$0x20]  }
0x16b: {  	p1 =	slt.f32 s24, $1.500000000e+00;
	s22 =	sadd.f32 s2, s15;
	s3 =	simm.s32 @!p2 $0x3E800000;
	v6 =	vld [tilespmem:s4+$0x0];
	[tilespmem:s0+$0x30] =	vst v8  }
0x16c: {  	s16 =	spop (v2sf);
	s3 =	simm.s32 @p3 $0x3F000000;
	v11 =	vld [tilespmem:s9+$0xFFFFFFF0];
	[tilespmem:s28+$0xB1] =	vst v5  }
0x16d: {  	s14 =	sadd.s32 $0x2, s14;
	s22 =	sadd.f32 s22, s16;
	s3 =	simm.s32 @p1 $0x3F800000;
	v5 =	vld [tilespmem:s7+$0x10]  }
0x16e: {  	s2 =	smul.f32 s3, s6;
	v8 =	vld [tilespmem:s14+$0x0]  }
0x16f: {  	p2 =	slt.f32 s22, $3.500000000e+00;
	s24 =	smul.f32 s3, s21;
	vm13 =	veq.s32 v10, $0x0;
	v10 =	vld [tilespmem:s29+$0xFFFFFFF0]  }
0x170: {  	s23 =	smov.u32 s0;
	p1 =	slt.f32 s22, $1.500000000e+00;
	s6 =	smul.f32 s3, s13;
	v55 =	vld [tilespmem:s30+$0xFFFFFF80];
	v54 =	vsel vm13, $0x0, v0  }
0x171: {  	p3 =	slt.f32 s22, $2.500000000e+00;
	s13 =	smul.f32 s3, s20;
	s3 =	simm.f32 $3.333333430e-01;
	v56 =	vld [tilespmem:s30+$0xFFFFFF90];
	(v2sf) =	vpush v54, $0x0;
	[tilespmem:s0+$0xFFFFFF68] =	vst v11  }
0x172: {  	s21 =	smov.u32 s1;
	s3 =	simm.s32 @!p2 $0x3E800000;
	v7 =	vmul.f32 s17, v7;
	s17 =	rddreg [dreg:$0xa];
	(v2sf) =	vpush v54, $0x1;
	v6 =	vmul.f32 s10, v6;
	v11 =	vld [tilespmem:s14+$0xFFFFFFFF]  }
0x173: {  	s3 =	simm.s32 @p3 $0x3F000000;
	v4 =	vmul.f32 s31, v4;
	s31 =	smov.u32 s23;
	s23 =	sadd.s32 $0x8, s17;
	[tilespmem:s18+$0x91] =	vst v5;
	(v2sf) =	vpush v8, $0x0;
	v8 =	vld [tilespmem:s30+$0xFFFFFFA0]  }
0x174: {  	s3 =	simm.s32 @p1 $0x3F800000;
	v6 =	vadd.f32 $0.0e+00, v6;
	[tilespmem:s21+$0xFFFFFF89] =	vst v10;
	v5 =	vld [tilespmem:s23+$0x0]  }
0x175: {  	v9 =	vmul.f32 s19, v9;
	s19 =	smul.f32 s3, s12;
	v58 =	vld [tilespmem:s30+$0xFFFFFFB0]  }
0x176: {  	s1 =	smov.u32 s18;
	v57 =	vmul.f32 s2, v56;
	s18 =	smul.f32 s3, s11;
	v4 =	vadd.f32 v6, v4;
	v6 =	vld [tilespmem:s8+$0xFFFFFFFC]  }
0x177: {  	v1 =	vmul.f32 s19, v1;
	v10 =	vmul.f32 s2, v55  }
0x178: {  	(v2sf) =	vpush v54, $0x2;
	v59 =	vld [tilespmem:s30+$0xFFFFFFD0];
	v2 =	vmul.f32 s18, v2;
	v3 =	vmul.f32 s18, v3  }
0x179: {  	v4 =	vadd.f32 v4, v9;
	v9 =	vadd.f32 $0.0e+00, v10;
	v10 =	vld [tilespmem:s30+$0xFFFFFFC0];
	v8 =	vmul.f32 s24, v8  }
0x17a: {  	v16 =	vld [tilespmem:s30+$0xFFFFFFE0];
	vm14 =	veq.s32 v5, $0x0;
	v5 =	vadd.f32 $0.0e+00, v2;
	v2 =	vadd.f32 $0.0e+00, v3  }
0x17b: {  	v3 =	vmul.f32 s24, v58;
	s24 =	rddreg [dreg:$0xc];
	vm15 =	veq.s32 v6, $0x0;
	v6 =	vadd.f32 v9, v8;
	v9 =	vld [tilespmem:s30+$0xFFFFFFF0]  }
0x17c: {  	v12 =	vadd.f32 $0.0e+00, v57;
	(v2sf) =	vpush v54, $0x3;
	v60 =	vsel vm14, $0x0, v0;
	v61 =	vld [tilespmem:s24+$0xFFFFFFF0]  }
0x17d: {  	s25 =	sadd.s32 $0x2, s25;
	v4 =	vadd.f32 v4, v7;
	(v2sf) =	vpush v60, $0x0  }
0x17e: {  	p0 =	slt.u32 s25, $0x7E;
	v7 =	vld [tilespmem:s5+$0xFFFFFFB0];
	v1 =	vadd.f32 v5, v1;
	(v2sf) =	vpush v60, $0x1;
	v5 =	vmul.f32 s6, v10  }
.Ltmp0:
0x17f: {  	v62 =	vmul.f32 s6, v59;
	[tilespmem:s28+$0xA1] =	vst v4;
	v4 =	vld [tilespmem:s5+$0xFFFFFFD0];
	v10 =	vadd.f32 v12, v3;
	(v2sf) =	vpush v60, $0x2;
	(pc) =	sbr.rel @p0 .LBB2_3-.Ltmp0, $4  }
0x180: {  	s26 =	sadd.s32 $0x40, s26;
	s10 =	smul.f32 s3, s16;
	v63 =	vmul.f32 s13, v16;
	v3 =	vld [tilespmem:s5+$0xFFFFFFC0];
	v6 =	vadd.f32 v6, v5;
	(v2sf) =	vpush v60, $0x3  }
0x181: {  	s20 =	smov.u32 s28;
	s11 =	smul.f32 s3, s15;
	s12 =	spop (v2sf);
	v10 =	vadd.f32 v10, v62;
	v5 =	vld [tilespmem:s5+$0xFFFFFFE0];
	(v2sf) =	vpush v11, $0x0;
	v11 =	vmul.f32 s13, v9;
	[tilespmem:s28+$0xFFFFFFC9] =	vst v61  }
0x182: {  	s18 =	smov.u32 s7;
	v8 =	vsel vm15, $0x0, v0;
	s6 =	spop (v2sf);
	s28 =	rddreg [dreg:$0xb];
	v9 =	vadd.f32 v6, v63;
	v6 =	vld [tilespmem:s5+$0xFFFFFFF0]  }
0x183: {  	v7 =	vmul.f32 s19, v7;
	s5 =	smov.u32 s4;
	s16 =	sadd.f32 s6, s12;
	v10 =	vadd.f32 v10, v11;
	v11 =	vld [tilespmem:s28+$0xFFFFFFFC];
	s15 =	spop (v2sf);
	(v2sf) =	vpush v8, $0x0  }
0x184: {  	_ =	sdelay $0x3  }
0x185: {  	s17 =	rddreg [dreg:$0x7]  }
0x186: {  	s24 =	rddreg [dreg:$0x8];
	s2 =	spop (v2sf)  }
0x187: {  	s3 =	sadd.f32 s16, s2  }
0x188: {  	s0 =	ssub.f32 s15, s17;
	s9 =	spop (v2sf)  }
0x189: {  	s3 =	sadd.f32 s3, s9  }
0x18a: {  	s0 =	smul.f32 s0, s24  }
0x18b: {  	s15 =	sadd.s32 $0x100, s30;
	p0 =	slt.f32 s3, $3.500000000e+00  }
0x18c: {  	v13 =	vld [tilespmem:s15+$0x0];
	v12 =	vmov s0;
	s0 =	simm.f32 $3.333333430e-01;
	p1 =	slt.f32 s3, $2.500000000e+00  }
0x18d: {  	v14 =	vld [tilespmem:s15+$0x10];
	p2 =	slt.f32 s3, $1.500000000e+00;
	s0 =	simm.s32 @!p0 $0x3E800000  }
0x18e: {  	v15 =	vld [tilespmem:s15+$0x20];
	s0 =	simm.s32 @p1 $0x3F000000  }
0x18f: {  	s13 =	sadd.s32 $0x40, s29;
	v16 =	vld [tilespmem:s15+$0x30];
	[tilespmem:s31+$0x40] =	vst v12;
	s0 =	simm.s32 @p2 $0x3F800000  }
0x190: {  	v12 =	vld [tilespmem:s13+$0x0];
	s26 =	smul.f32 s0, s12  }
0x191: {  	v17 =	vld [tilespmem:s15+$0x40]  }
0x192: {  	v18 =	vld [tilespmem:s15+$0x50];
	s6 =	smul.f32 s0, s6;
	v13 =	vmul.f32 s26, v13  }
0x193: {  	v19 =	vld [tilespmem:s15+$0x60];
	v14 =	vmul.f32 s26, v14  }
0x194: {  	v20 =	vld [tilespmem:s15+$0x70];
	s2 =	smul.f32 s0, s2;
	v50 =	vmul.f32 s6, v15;
	v49 =	vadd.f32 $0.0e+00, v13  }
0x195: {  	[tilespmem:s31+$0x41] =	vst v12;
	v16 =	vmul.f32 s6, v16;
	v14 =	vadd.f32 $0.0e+00, v14  }
0x196: {  	v51 =	vld [tilespmem:s13+$0x10];
	s0 =	smul.f32 s0, s9;
	v52 =	vmul.f32 s2, v17;
	v12 =	vadd.f32 v49, v50  }
0x197: {  	s25 =	spop (v2sf);
	v53 =	vmul.f32 s2, v18;
	v14 =	vadd.f32 v14, v16  }
0x198: {  	s14 =	spop (v2sf);
	v54 =	vmul.f32 s0, v19;
	v12 =	vadd.f32 v12, v52  }
0x199: {  	s9 =	spop (v2sf);
	v55 =	vmul.f32 s0, v20;
	v14 =	vadd.f32 v14, v53  }
0x19a: {  	s0 =	spop (v2sf);
	v12 =	vadd.f32 v12, v54  }
0x19b: {  	[tilespmem:s31+$0x51] =	vst v51;
	s19 =	spop (v2sf);
	v57 =	vadd.f32 v14, v55  }
0x19c: {  	s28 =	sadd.s32 $0x8, s8;
	s2 =	ssub.f32 s19, s17;
	[tilespmem:s21+$0x61] =	vst v12  }
0x19d: {  	s30 =	sadd.s32 $0x40, s7;
	(v2sf) =	vpush v8, $0x1;
	v56 =	vld [tilespmem:s28+$0x0];
	[tilespmem:s21+$0x71] =	vst v57  }
0x19e: {  	vm0 =	veq.s32 v11, $0x0;
	(v2sf) =	vpush v8, $0x2;
	s2 =	smul.f32 s2, s24;
	v59 =	vld [tilespmem:s30+$0x0]  }
0x19f: {  	v58 =	vsel vm0, $0x0, v0;
	(v2sf) =	vpush v8, $0x3  }
0x1a0: {  	(v2sf) =	vpush v58, $0x0;
	v60 =	vmov s2  }
0x1a1: {  	(v2sf) =	vpush v58, $0x1;
	[tilespmem:s31+$0xFFFFFF78] =	vst v60  }
0x1a2: {  	(v2sf) =	vpush v58, $0x2;
	v11 =	vld [tilespmem:s13+$0xFFFFFFE0]  }
0x1a3: {  	vm9 =	veq.s32 v56, $0x0;
	[tilespmem:s21+$0x81] =	vst v59  }
0x1a4: {  	(v2sf) =	vpush v58, $0x3;
	v61 =	vsel vm9, $0x0, v0;
	v8 =	vld [tilespmem:s30+$0x10]  }
0x1a5: {  	(v2sf) =	vpush v61, $0x0  }
0x1a6: {  	(v2sf) =	vpush v61, $0x1  }
0x1a7: {  	[tilespmem:s31+$0xFFFFFF79] =	vst v11  }
0x1a8: {  	(v2sf) =	vpush v61, $0x2;
	v11 =	vld [tilespmem:s13+$0xFFFFFFF0]  }
0x1a9: {  	s29 =	sadd.s32 $0x8, s23;
	[tilespmem:s21+$0x91] =	vst v8  }
0x1aa: {  	(v2sf) =	vpush v61, $0x3;
	v8 =	vld [tilespmem:s29+$0x0]  }
0x1ab: {  	[tilespmem:s1+$0xFFFFFF99] =	vst v9;
	s6 =	spop (v2sf)  }
0x1ac: {  	[tilespmem:s1+$0xFFFFFFA9] =	vst v10;
	s12 =	spop (v2sf)  }
0x1ad: {  	v9 =	vld [tilespmem:s7+$0xFFFFFFE0];
	s13 =	spop (v2sf);
	[tilespmem:s31+$0xFFFFFF89] =	vst v11  }
0x1ae: {  	s16 =	spop (v2sf);
	v62 =	vld [tilespmem:s28+$0xFFFFFFFC]  }
0x1af: {  	s8 =	spop (v2sf);
	vm10 =	veq.s32 v8, $0x0  }
0x1b0: {  	s2 =	spop (v2sf);
	v8 =	vsel vm10, $0x0, v0  }
0x1b1: {  	s22 =	sadd.f32 s12, s6;
	s24 =	spop (v2sf);
	(v2sf) =	vpush v8, $0x0  }
0x1b2: {  	[dreg:$0x1d] =	wrdreg s24;
	(v2sf) =	vpush v8, $0x1  }
0x1b3: {  	s26 =	sadd.f32 s22, s13;
	s7 =	spop (v2sf);
	[tilespmem:s1+$0xFFFFFFB9] =	vst v9;
	v63 =	vld [tilespmem:s15+$0xFFFFFF80];
	vm11 =	veq.s32 v62, $0x0;
	(v2sf) =	vpush v8, $0x2  }
0x1b4: {  	s17 =	spop (v2sf);
	v9 =	vld [tilespmem:s18+$0xFFFFFFF0];
	[dreg:$0x1c] =	wrdreg s20;
	v22 =	vsel vm11, $0x0, v0;
	(v2sf) =	vpush v8, $0x3  }
0x1b5: {  	s3 =	sadd.f32 s26, s16;
	s19 =	spop (v2sf);
	v21 =	vld [tilespmem:s15+$0xFFFFFF90];
	(v2sf) =	vpush v22, $0x0  }
0x1b6: {  	s28 =	sadd.f32 s19, s17;
	v23 =	vld [tilespmem:s15+$0xFFFFFFA0];
	(v2sf) =	vpush v22, $0x1  }
0x1b7: {  	p0 =	slt.f32 s3, $3.500000000e+00;
	s20 =	spop (v2sf);
	v24 =	vld [tilespmem:s15+$0xFFFFFFB0]  }
0x1b8: {  	p1 =	slt.f32 s3, $2.500000000e+00;
	v25 =	vld [tilespmem:s15+$0xFFFFFFC0];
	s18 =	sadd.f32 s28, s20;
	(v2sf) =	vpush v22, $0x2  }
0x1b9: {  	v26 =	vld [tilespmem:s15+$0xFFFFFFD0];
	s24 =	spop (v2sf);
	s28 =	smov.u32 s21;
	s21 =	simm.f32 $3.333333430e-01  }
0x1ba: {  	p2 =	slt.f32 s3, $1.500000000e+00;
	v27 =	vld [tilespmem:s15+$0xFFFFFFE0];
	s21 =	simm.s32 @!p0 $0x3E800000;
	s18 =	sadd.f32 s18, s24;
	(v2sf) =	vpush v22, $0x3  }
0x1bb: {  	s22 =	sadd.s32 $0x100, s15;
	v28 =	vld [tilespmem:s15+$0xFFFFFFF0];
	s21 =	simm.s32 @p1 $0x3F000000  }
0x1bc: {  	s26 =	smov.u32 s31;
	v29 =	vld [tilespmem:s22+$0x0];
	s21 =	simm.s32 @p2 $0x3F800000;
	p1 =	slt.f32 s18, $3.500000000e+00  }
0x1bd: {  	s31 =	simm.f32 $3.333333430e-01;
	v30 =	vld [tilespmem:s22+$0x10];
	p3 =	slt.f32 s18, $2.500000000e+00;
	s6 =	smul.f32 s21, s6  }
0x1be: {  	v31 =	vld [tilespmem:s22+$0x20];
	p0 =	slt.f32 s18, $1.500000000e+00;
	s12 =	smul.f32 s21, s12;
	s31 =	simm.s32 @!p1 $0x3E800000  }
0x1bf: {  	v32 =	vld [tilespmem:s22+$0x30];
	s15 =	smul.f32 s21, s13;
	s31 =	simm.s32 @p3 $0x3F000000  }
0x1c0: {  	s16 =	smul.f32 s21, s16;
	v11 =	vmul.f32 s6, v63;
	v10 =	vmul.f32 s6, v21;
	v21 =	vld [tilespmem:s22+$0x40];
	s31 =	simm.s32 @p0 $0x3F800000;
	s18 =	spop (v2sf)  }
0x1c1: {  	v8 =	vmul.f32 s12, v23;
	v13 =	vmul.f32 s12, v24;
	s17 =	smul.f32 s31, s17;
	v22 =	vld [tilespmem:s22+$0x50];
	s12 =	spop (v2sf)  }
0x1c2: {  	v14 =	vmul.f32 s15, v25;
	v15 =	vmul.f32 s15, v26;
	s19 =	smul.f32 s31, s19;
	s15 =	spop (v2sf)  }
0x1c3: {  	s21 =	smul.f32 s31, s20;
	v12 =	vmul.f32 s17, v29;
	s6 =	spop (v2sf)  }
0x1c4: {  	v23 =	vld [tilespmem:s22+$0x60];
	v11 =	vadd.f32 $0.0e+00, v11;
	v10 =	vadd.f32 $0.0e+00, v10;
	s24 =	smul.f32 s31, s24;
	v18 =	vmul.f32 s17, v30;
	s31 =	spop (v2sf)  }
0x1c5: {  	v35 =	vld [tilespmem:s22+$0x70];
	v34 =	vmul.f32 s19, v31;
	v20 =	vmul.f32 s19, v32;
	v33 =	vadd.f32 $0.0e+00, v12;
	s3 =	spop (v2sf)  }
0x1c6: {  	v37 =	vmul.f32 s21, v21;
	v36 =	vadd.f32 $0.0e+00, v18;
	v38 =	vmul.f32 s21, v22;
	s21 =	sadd.f32 s3, s31  }
0x1c7: {  	v16 =	vmul.f32 s16, v27;
	v8 =	vadd.f32 v11, v8;
	v11 =	vadd.f32 v33, v34;
	s13 =	spop (v2sf)  }
0x1c8: {  	v17 =	vmul.f32 s16, v28;
	v10 =	vadd.f32 v10, v13;
	v13 =	vadd.f32 v36, v20;
	s16 =	sadd.f32 s21, s13  }
0x1c9: {  	v47 =	vld [tilespmem:s22+$0xFFFFFF80];
	v39 =	vmul.f32 s24, v23;
	v11 =	vadd.f32 v11, v37;
	s19 =	spop (v2sf)  }
0x1ca: {  	v48 =	vld [tilespmem:s22+$0xFFFFFF90];
	v40 =	vmul.f32 s24, v35;
	v42 =	vadd.f32 v13, v38;
	s24 =	sadd.f32 s16, s19  }
0x1cb: {  	v49 =	vld [tilespmem:s22+$0xFFFFFFA0];
	v43 =	vadd.f32 v11, v39  }
0x1cc: {  	v50 =	vld [tilespmem:s22+$0xFFFFFFB0];
	v44 =	vadd.f32 v42, v40;
	p0 =	slt.f32 s24, $3.500000000e+00  }
0x1cd: {  	v51 =	vld [tilespmem:s22+$0xFFFFFFC0];
	[tilespmem:s26+$0x61] =	vst v43;
	s21 =	simm.f32 $3.333333430e-01;
	p1 =	slt.f32 s24, $2.500000000e+00  }
0x1ce: {  	v52 =	vld [tilespmem:s22+$0xFFFFFFD0];
	[tilespmem:s26+$0x71] =	vst v44;
	s16 =	sadd.s32 $0x40, s30;
	p2 =	slt.f32 s24, $1.500000000e+00;
	s21 =	simm.s32 @!p0 $0x3E800000  }
0x1cf: {  	[tilespmem:s1+$0xFFFFFFC9] =	vst v9;
	v8 =	vadd.f32 v8, v14;
	v9 =	vld [tilespmem:s16+$0x0];
	s21 =	simm.s32 @p1 $0x3F000000  }
0x1d0: {  	v53 =	vld [tilespmem:s22+$0xFFFFFFE0];
	s21 =	simm.s32 @p2 $0x3F800000  }
0x1d1: {  	v54 =	vld [tilespmem:s22+$0xFFFFFFF0];
	v10 =	vadd.f32 v10, v15;
	v8 =	vadd.f32 v8, v16;
	s17 =	smul.f32 s21, s31  }
0x1d2: {  	v45 =	vld [tilespmem:s23+$0xFFFFFFFC]  }
0x1d3: {  	v63 =	vld [tilespmem:s4+$0xFFFFFF80];
	v41 =	vadd.f32 v10, v17;
	[tilespmem:s28+$0xFFFFFF99] =	vst v8;
	s3 =	smul.f32 s21, s3;
	v11 =	vmul.f32 s17, v47  }
0x1d4: {  	v36 =	vld [tilespmem:s4+$0xFFFFFF90];
	[tilespmem:s26+$0x81] =	vst v9;
	v12 =	vmul.f32 s17, v48  }
0x1d5: {  	[tilespmem:s28+$0xFFFFFFA9] =	vst v41;
	v55 =	vld [tilespmem:s16+$0x10];
	s13 =	smul.f32 s21, s13;
	v57 =	vmul.f32 s3, v49;
	v56 =	vadd.f32 $0.0e+00, v11  }
0x1d6: {  	v46 =	vld [tilespmem:s30+$0xFFFFFFE0];
	v58 =	vmul.f32 s3, v50;
	v12 =	vadd.f32 $0.0e+00, v12  }
0x1d7: {  	v39 =	vld [tilespmem:s4+$0xFFFFFFA0];
	s4 =	sadd.s32 $0x100, s4;
	s24 =	smul.f32 s21, s19;
	v61 =	vmul.f32 s13, v51;
	v60 =	vadd.f32 v56, v57  }
0x1d8: {  	vm12 =	veq.s32 v45, $0x0;
	v41 =	vld [tilespmem:s4+$0x10];
	s31 =	sadd.f32 s14, s25;
	v62 =	vmul.f32 s13, v52;
	v12 =	vadd.f32 v12, v58  }
0x1d9: {  	v35 =	vsel vm12, $0x0, v0;
	v42 =	vld [tilespmem:s4+$0x30];
	v37 =	vmul.f32 s24, v53;
	v11 =	vadd.f32 v60, v61  }
0x1da: {  	(v2sf) =	vpush v35, $0x0;
	v25 =	vld [tilespmem:s4+$0x0];
	s22 =	sadd.f32 s31, s9;
	v38 =	vmul.f32 s24, v54;
	s13 =	sadd.s32 $0x8, s29;
	[tilespmem:s26+$0x91] =	vst v55;
	v12 =	vadd.f32 v12, v62  }
0x1db: {  	(v2sf) =	vpush v35, $0x1;
	s31 =	sadd.f32 s2, s8;
	v40 =	vld [tilespmem:s13+$0x0];
	v11 =	vadd.f32 v11, v37  }
0x1dc: {  	v26 =	vld [tilespmem:s4+$0xFFFFFF80];
	[tilespmem:s28+$0xFFFFFFB9] =	vst v46;
	s23 =	sadd.f32 s22, s0;
	v12 =	vadd.f32 v12, v38  }
0x1dd: {  	(v2sf) =	vpush v35, $0x2;
	v27 =	vld [tilespmem:s4+$0xFFFFFF90];
	s21 =	rddreg [dreg:$0x1d];
	[tilespmem:s26+$0xFFFFFF99] =	vst v11  }
0x1de: {  	v59 =	vld [tilespmem:s30+$0xFFFFFFF0];
	[tilespmem:s26+$0xFFFFFFA9] =	vst v12  }
0x1df: {  	(v2sf) =	vpush v35, $0x3;
	p1 =	slt.f32 s23, $3.500000000e+00;
	s31 =	sadd.f32 s31, s21;
	v12 =	vld [tilespmem:s16+$0xFFFFFFE0]  }
0x1e0: {  	v28 =	vld [tilespmem:s4+$0xFFFFFFA0];
	s19 =	simm.f32 $3.333333430e-01;
	s22 =	sadd.f32 s12, s18;
	p0 =	slt.f32 s23, $2.500000000e+00;
	vm13 =	veq.s32 v40, $0x0  }
0x1e1: {  	v43 =	vld [tilespmem:s4+$0x50];
	p2 =	slt.f32 s23, $1.500000000e+00;
	s19 =	simm.s32 @!p1 $0x3E800000;
	s3 =	sadd.f32 s31, s7;
	v45 =	vsel vm13, $0x0, v0  }
0x1e2: {  	v44 =	vld [tilespmem:s4+$0x70];
	s19 =	simm.s32 @p0 $0x3F000000;
	(v2sf) =	vpush v45, $0x0  }
0x1e3: {  	v46 =	vld [tilespmem:s4+$0x60];
	[tilespmem:s28+$0xFFFFFFC9] =	vst v59;
	s30 =	sadd.f32 s22, s15;
	s19 =	simm.s32 @p2 $0x3F800000;
	p1 =	slt.f32 s3, $3.500000000e+00;
	(v2sf) =	vpush v45, $0x1  }
0x1e4: {  	v14 =	vld [tilespmem:s29+$0xFFFFFFFC];
	p0 =	slt.f32 s3, $1.500000000e+00;
	p2 =	slt.f32 s3, $2.500000000e+00;
	s3 =	simm.f32 $3.333333430e-01;
	[tilespmem:s26+$0xFFFFFFB9] =	vst v12  }
0x1e5: {  	s24 =	smul.f32 s19, s0;
	s0 =	sadd.f32 s30, s6;
	s3 =	simm.s32 @!p1 $0x3E800000;
	(v2sf) =	vpush v45, $0x2;
	v12 =	vld [tilespmem:s16+$0xFFFFFFF0]  }
0x1e6: {  	v47 =	vld [tilespmem:s4+$0x40];
	s23 =	smul.f32 s19, s25;
	s3 =	simm.s32 @p2 $0x3F000000  }
0x1e7: {  	v48 =	vld [tilespmem:s4+$0x20];
	p1 =	slt.f32 s0, $2.500000000e+00;
	p2 =	slt.f32 s0, $1.500000000e+00;
	s3 =	simm.s32 @p0 $0x3F800000;
	(v2sf) =	vpush v45, $0x3  }
0x1e8: {  	v49 =	vld [tilespmem:s5+$0xFFFFFFB0];
	p0 =	slt.f32 s0, $3.500000000e+00;
	s31 =	smul.f32 s3, s8  }
0x1e9: {  	v50 =	vld [tilespmem:s5+$0xFFFFFFC0];
	vm14 =	veq.s32 v14, $0x0;
	s22 =	smul.f32 s3, s2;
	s2 =	simm.f32 $3.333333430e-01;
	s16 =	spop (v2sf)  }
0x1ea: {  	v51 =	vld [tilespmem:s5+$0xFFFFFFD0];
	v24 =	vsel vm14, $0x0, v0;
	s8 =	smul.f32 s3, s21;
	s2 =	simm.s32 @!p0 $0x3E800000;
	s21 =	spop (v2sf);
	[tilespmem:s26+$0xFFFFFFC9] =	vst v12  }
0x1eb: {  	v3 =	vmul.f32 s11, v3;
	s20 =	smul.f32 s19, s9;
	(v2sf) =	vpush v24, $0x0;
	s2 =	simm.s32 @p1 $0x3F000000;
	s9 =	sadd.f32 s21, s16;
	v12 =	vld [tilespmem:s13+$0xFFFFFFFC]  }
0x1ec: {  	v4 =	vmul.f32 s11, v4;
	v2 =	vadd.f32 v2, v7;
	v52 =	vld [tilespmem:s5+$0xFFFFFFE0];
	s14 =	smul.f32 s19, s14;
	(v2sf) =	vpush v24, $0x1;
	s2 =	simm.s32 @p2 $0x3F800000;
	s17 =	spop (v2sf)  }
0x1ed: {  	v5 =	vmul.f32 s10, v5;
	v1 =	vadd.f32 v1, v3;
	v53 =	vld [tilespmem:s5+$0xFFFFFFF0];
	s5 =	smul.f32 s2, s18;
	s0 =	sadd.f32 s9, s17  }
0x1ee: {  	v6 =	vmul.f32 s10, v6;
	v2 =	vadd.f32 v2, v4;
	v61 =	vld [tilespmem:s4+$0xFFFFFFB0];
	s30 =	smul.f32 s2, s15;
	s13 =	spop (v2sf);
	(v2sf) =	vpush v24, $0x2  }
0x1ef: {  	v1 =	vadd.f32 v1, v5;
	v62 =	vld [tilespmem:s4+$0xFFFFFFC0];
	s6 =	smul.f32 s2, s6;
	s19 =	sadd.f32 s0, s13  }
0x1f0: {  	v2 =	vadd.f32 v2, v6;
	v40 =	vld [tilespmem:s4+$0xFFFFFFF0];
	s9 =	smul.f32 s2, s12;
	(v2sf) =	vpush v24, $0x3;
	vm15 =	veq.s32 v12, $0x0  }
0x1f1: {  	v13 =	vmul.f32 s23, v41;
	v58 =	vmul.f32 s31, v36;
	v36 =	vld [tilespmem:s4+$0xFFFFFFD0];
	s2 =	simm.f32 $3.333333430e-01;
	p1 =	slt.f32 s19, $3.500000000e+00;
	s11 =	spop (v2sf);
	v31 =	vsel vm15, $0x0, v0  }
0x1f2: {  	v15 =	vmul.f32 s24, v44;
	v10 =	vmul.f32 s22, v39;
	v39 =	vld [tilespmem:s4+$0xFFFFFFE0];
	s0 =	sadd.s32 $0x100, s4;
	p2 =	slt.f32 s19, $2.500000000e+00;
	s12 =	spop (v2sf);
	(v2sf) =	vpush v31, $0x0  }
0x1f3: {  	v18 =	vmul.f32 s24, v46;
	v11 =	vmul.f32 s20, v43;
	v29 =	vld [tilespmem:s0+$0x10];
	p0 =	slt.f32 s19, $1.500000000e+00;
	s2 =	simm.s32 @!p1 $0x3E800000;
	s15 =	sadd.f32 s12, s11;
	(v2sf) =	vpush v31, $0x1  }
0x1f4: {  	v17 =	vmul.f32 s14, v42;
	v13 =	vadd.f32 $0.0e+00, v13;
	v3 =	vmul.f32 s31, v63;
	v54 =	vld [tilespmem:s0+$0x30];
	s18 =	spop (v2sf);
	s2 =	simm.s32 @p2 $0x3F000000  }
0x1f5: {  	v55 =	vmul.f32 s20, v47;
	v20 =	vmul.f32 s14, v48;
	s7 =	smul.f32 s3, s7;
	v30 =	vld [tilespmem:s0+$0x50];
	s2 =	simm.s32 @p0 $0x3F800000;
	s3 =	sadd.f32 s15, s18;
	(v2sf) =	vpush v31, $0x2  }
0x1f6: {  	v25 =	vmul.f32 s23, v25;
	v13 =	vadd.f32 v13, v17;
	v3 =	vadd.f32 $0.0e+00, v3;
	v56 =	vld [tilespmem:s0+$0x70];
	s14 =	spop (v2sf);
	s31 =	smul.f32 s2, s16  }
0x1f7: {  	v21 =	vmul.f32 s22, v49;
	v8 =	vadd.f32 $0.0e+00, v58;
	v32 =	vld [tilespmem:s0+$0x60];
	s16 =	smul.f32 s2, s21;
	s3 =	sadd.f32 s3, s14;
	(v2sf) =	vpush v31, $0x3  }
0x1f8: {  	v25 =	vadd.f32 $0.0e+00, v25;
	v60 =	vmul.f32 s8, v50;
	v3 =	vadd.f32 v3, v10;
	v57 =	vld [tilespmem:s0+$0x40];
	s15 =	smul.f32 s2, s17  }
0x1f9: {  	v16 =	vmul.f32 s8, v51;
	v11 =	vadd.f32 v13, v11;
	v8 =	vadd.f32 v8, v21;
	v33 =	vld [tilespmem:s0+$0x0];
	s20 =	smul.f32 s2, s13;
	p0 =	slt.f32 s3, $3.500000000e+00  }
0x1fa: {  	v20 =	vadd.f32 v25, v20;
	v63 =	vmul.f32 s7, v52;
	v3 =	vadd.f32 v3, v60;
	v59 =	vld [tilespmem:s0+$0x20];
	s21 =	spop (v2sf);
	s2 =	simm.f32 $3.333333430e-01;
	p1 =	slt.f32 s3, $2.500000000e+00  }
0x1fb: {  	v14 =	vmul.f32 s7, v53;
	v11 =	vadd.f32 v11, v15;
	v8 =	vadd.f32 v8, v16;
	v58 =	vld [tilespmem:s0+$0xFFFFFFA0];
	s22 =	spop (v2sf);
	p2 =	slt.f32 s3, $1.500000000e+00;
	s2 =	simm.s32 @!p0 $0x3E800000  }
0x1fc: {  	v3 =	vadd.f32 v3, v63;
	s4 =	sadd.s32 $0x100, s0;
	v63 =	vld [tilespmem:s0+$0xFFFFFFD0];
	v37 =	vmul.f32 s6, v56;
	v38 =	vmul.f32 s6, v32;
	s23 =	sadd.f32 s22, s21;
	s2 =	simm.s32 @p1 $0x3F000000  }
0x1fd: {  	v8 =	vadd.f32 v8, v14;
	v42 =	vld [tilespmem:s4+$0x10];
	v30 =	vmul.f32 s30, v30;
	v43 =	vmul.f32 s5, v29;
	s24 =	spop (v2sf);
	s2 =	simm.s32 @p2 $0x3F800000  }
0x1fe: {  	v34 =	vld [tilespmem:s4+$0x70];
	v12 =	vadd.f32 v20, v55;
	v7 =	vmul.f32 s30, v57;
	v33 =	vmul.f32 s5, v33;
	s3 =	sadd.f32 s23, s24;
	s25 =	smul.f32 s2, s11  }
0x1ff: {  	v45 =	vld [tilespmem:s4+$0x60];
	v41 =	vmul.f32 s9, v54;
	v9 =	vmul.f32 s9, v59;
	v25 =	vadd.f32 $0.0e+00, v43;
	s29 =	spop (v2sf);
	s30 =	smul.f32 s2, s12  }
0x200: {  	v54 =	vld [tilespmem:s4+$0x0];
	v57 =	vadd.f32 $0.0e+00, v33;
	v26 =	vmul.f32 s31, v26;
	v27 =	vmul.f32 s31, v27;
	s31 =	smul.f32 s2, s18;
	s3 =	sadd.f32 s3, s29  }
0x201: {  	v44 =	vld [tilespmem:s4+$0x50];
	v12 =	vadd.f32 v12, v18;
	v46 =	vmul.f32 s16, v28;
	v5 =	vmul.f32 s16, v61;
	s2 =	smul.f32 s2, s14;
	s9 =	spop (v2sf)  }
0x202: {  	v51 =	vld [tilespmem:s4+$0x20];
	v49 =	vmul.f32 s15, v62;
	v13 =	vadd.f32 v25, v41;
	v9 =	vadd.f32 v57, v9;
	p1 =	slt.f32 s3, $3.500000000e+00;
	s14 =	spop (v2sf)  }
0x203: {  	v47 =	vld [tilespmem:s4+$0x40];
	v50 =	vmul.f32 s15, v36;
	v26 =	vadd.f32 $0.0e+00, v26;
	v60 =	vadd.f32 $0.0e+00, v27;
	p0 =	slt.f32 s3, $1.500000000e+00;
	s15 =	sadd.f32 s14, s9  }
0x204: {  	v48 =	vld [tilespmem:s4+$0x30];
	v13 =	vadd.f32 v13, v30;
	v7 =	vadd.f32 v9, v7;
	v31 =	vmul.f32 s2, v34;
	p2 =	slt.f32 s3, $2.500000000e+00;
	s3 =	simm.f32 $3.333333430e-01;
	s16 =	spop (v2sf)  }
0x205: {  	v55 =	vld [tilespmem:s0+$0xFFFFFF80];
	v15 =	vadd.f32 v26, v46;
	v10 =	vmul.f32 s2, v45;
	v23 =	vmul.f32 s25, v54;
	s3 =	simm.s32 @!p1 $0x3E800000;
	s2 =	sadd.f32 s15, s16  }
0x206: {  	v56 =	vld [tilespmem:s0+$0xFFFFFF90];
	v52 =	vmul.f32 s20, v39;
	v5 =	vadd.f32 v60, v5;
	v13 =	vadd.f32 v13, v37;
	s3 =	simm.s32 @p2 $0x3F000000;
	s19 =	spop (v2sf)  }
0x207: {  	v59 =	vld [tilespmem:s0+$0xFFFFFFB0];
	v24 =	vmul.f32 s25, v42;
	v21 =	vmul.f32 s30, v51;
	v42 =	vadd.f32 $0.0e+00, v23;
	s3 =	simm.s32 @p0 $0x3F800000;
	s2 =	sadd.f32 s2, s19  }
0x208: {  	v53 =	vmul.f32 s20, v40;
	v61 =	vld [tilespmem:s0+$0xFFFFFFC0];
	v7 =	vadd.f32 v7, v38;
	v5 =	vadd.f32 v5, v50;
	s18 =	smul.f32 s3, s21  }
0x209: {  	v20 =	vmul.f32 s31, v47;
	v4 =	vmul.f32 s30, v48;
	v34 =	vld [tilespmem:s0+$0xFFFFFFE0];
	v48 =	vadd.f32 v42, v21;
	s21 =	rddreg [dreg:$0x9];
	p1 =	slt.f32 s2, $3.500000000e+00  }
0x20a: {  	v36 =	vld [tilespmem:s0+$0xFFFFFFF0];
	v15 =	vadd.f32 v15, v49;
	v29 =	vmul.f32 s31, v44;
	s0 =	simm.f32 $3.333333430e-01;
	v5 =	vadd.f32 v5, v53;
	s6 =	smul.f32 s3, s22;
	[tilespmem:s21+$0xFFFFFFD9] =	vst v1;
	p2 =	slt.f32 s2, $2.500000000e+00  }
0x20b: {  	v38 =	vld [tilespmem:s4+$0xFFFFFF80];
	v39 =	vadd.f32 $0.0e+00, v24;
	v53 =	vadd.f32 v48, v20;
	s8 =	smul.f32 s3, s24;
	[tilespmem:s21+$0xFFFFFFE9] =	vst v2;
	v62 =	vmul.f32 s18, v55;
	p0 =	slt.f32 s2, $1.500000000e+00;
	s0 =	simm.s32 @!p1 $0x3E800000  }
0x20c: {  	v41 =	vld [tilespmem:s4+$0xFFFFFF90];
	s20 =	smul.f32 s3, s29;
	v1 =	vadd.f32 v15, v52;
	v14 =	vmul.f32 s18, v56;
	v35 =	vmul.f32 s6, v58;
	s22 =	rddreg [dreg:$0x1c];
	[tilespmem:s1+$0xB1] =	vst v11;
	s0 =	simm.s32 @p2 $0x3F000000  }
0x20d: {  	v43 =	vld [tilespmem:s4+$0xFFFFFFA0];
	v37 =	vmul.f32 s6, v59;
	v40 =	vmul.f32 s8, v61;
	[tilespmem:s22+$0xFFFFFFD9] =	vst v3;
	v3 =	vadd.f32 v39, v4;
	s0 =	simm.s32 @p0 $0x3F800000  }
0x20e: {  	v46 =	vld [tilespmem:s4+$0xFFFFFFB0];
	v2 =	vmul.f32 s8, v63;
	v45 =	vmul.f32 s20, v34;
	[tilespmem:s1+$0xA1] =	vst v12;
	v44 =	vadd.f32 $0.0e+00, v62;
	s23 =	smul.f32 s0, s9  }
0x20f: {  	v49 =	vld [tilespmem:s4+$0xFFFFFFC0];
	v47 =	vmul.f32 s20, v36;
	[tilespmem:s1+$0xFFFFFFE9] =	vst v5;
	v14 =	vadd.f32 $0.0e+00, v14;
	v3 =	vadd.f32 v3, v29  }
0x210: {  	v51 =	vld [tilespmem:s4+$0xFFFFFFD0];
	[tilespmem:s28+$0xB1] =	vst v13;
	v63 =	vadd.f32 v53, v10;
	v4 =	vadd.f32 v44, v35;
	s24 =	smul.f32 s0, s14;
	v50 =	vmul.f32 s23, v38  }
0x211: {  	v54 =	vld [tilespmem:s4+$0xFFFFFFE0];
	[tilespmem:s28+$0xA1] =	vst v7;
	v14 =	vadd.f32 v14, v37;
	v3 =	vadd.f32 v3, v31;
	v52 =	vmul.f32 s23, v41  }
0x212: {  	v55 =	vld [tilespmem:s4+$0xFFFFFFF0];
	[tilespmem:s1+$0xFFFFFFD9] =	vst v1;
	v1 =	vadd.f32 v4, v40;
	s25 =	smul.f32 s0, s16;
	v57 =	vmul.f32 s24, v43;
	v56 =	vadd.f32 $0.0e+00, v50  }
0x213: {  	[tilespmem:s22+$0xFFFFFFE9] =	vst v8;
	v2 =	vadd.f32 v14, v2;
	v58 =	vmul.f32 s24, v46;
	v59 =	vadd.f32 $0.0e+00, v52  }
0x214: {  	[tilespmem:s26+$0xA1] =	vst v63;
	s0 =	smul.f32 s0, s19;
	v1 =	vadd.f32 v1, v45;
	v60 =	vmul.f32 s25, v49;
	v4 =	vadd.f32 v56, v57  }
0x215: {  	[tilespmem:s26+$0xB1] =	vst v3;
	v2 =	vadd.f32 v2, v47;
	v61 =	vmul.f32 s25, v51;
	v5 =	vadd.f32 v59, v58  }
0x216: {  	[tilespmem:s28+$0xFFFFFFD9] =	vst v1;
	v62 =	vmul.f32 s0, v54;
	v1 =	vadd.f32 v4, v60  }
0x217: {  	[tilespmem:s28+$0xFFFFFFE9] =	vst v2;
	v2 =	vmul.f32 s0, v55;
	v5 =	vadd.f32 v5, v61  }
0x218: {  	s28 =	rddreg [dreg:$0x1b];
	v1 =	vadd.f32 v1, v62  }
0x219: {  	s0 =	smul.u32 $0x19, s28;
	v2 =	vadd.f32 v5, v2  }
0x21a: {  	s5 =	simm.s32 $0x0;
	s29 =	rddreg [dreg:$0x5];
	[tilespmem:s26+$0xFFFFFFD9] =	vst v1  }
0x21b: {  	s30 =	simm.s32 $0xC630;
	s3 =	simm.s32 $0x2;
	s0 =	sadd.s32 s29, s0;
	[tilespmem:s26+$0xFFFFFFE9] =	vst v2  }
0x21c: {  	[hbm4b:s0+s5] =	stream.linear.scatter [tilespmem:s30], [sflag:$0x2], $0x6400, $0x38;
	[tilespmem:$0x12A50] =	vst v63  }
0x21d: {  	_ =	swait.ge [sflag:s3], $0x6400  }
0x21e: {  	s31 =	rddreg [dreg:$0x1a]  }
0x21f: {  	s0 =	sadd.s32 $0x1, s31  }
0x220: {  	p0 =	sne.s32 s0, $0x4  }
.Ltmp1:
0x221: {  	_ = 	snop;
	(pc) =	sbr.rel @p0 .LBB2_2-.Ltmp1, $3  }
0x222: {  	_ =	sdelay $0x1  }
0x223: {  	[sflag:s3] =	ssyncset.done $0x0  }
0x224: {  	[sflag:s3] =	ssyncadd.s32 $0xFFFF9C00  }
0x225: {  	s1 =	rddreg [dreg:$0x19]  }
0x226: {  	s0 =	rddreg [dreg:$0x18];
	s1 =	sadd.s32 $0x1, s1  }
0x227: {  	p0 =	sne.s32 s1, s0  }
.Ltmp2:
0x228: {  	_ = 	snop;
	(pc) =	sbr.rel @p0 .LBB2_1-.Ltmp2, $1  }
0x229: {  	_ =	sdelay $0x3  }
0x22a: {  	_ =	sfence.sel $0x180000  }
0x22b: {  	[bflag:$0x0] =	sbarrier.arrive $0xFFFF  }
0x22c: {  	_ =	strace $0x9000004A  }
0x22d: {  	s0 =	stileid.u32;
	[bflag:$0x2] =	sbarrier.arrive $0xFFFF  }
0x22e: {  	p0 =	sne.s32 s0, $0x0;
	s0 =	rddreg [dreg:$0x6]  }
0x22f: {  	s0 =	sadd.s32 @!p0 $0x100000, s0  }
0x230: {  	[sflag:s0] =	ssyncadd.tile.s32 @!p0 $0x1;
	_ =	shalt  }
.Lfunc_end2:
_tile_overlayer_lowered:
.L_overlay_start_2:
0x231: {  	(tag) =	ssettag $0x2  }
0x232: {  	s0 =	rddreg [dreg:$0x0];
	s2 =	stileid.u32  }
0x233: {  	s1 =	rddreg [dreg:$0x1];
	p0 =	sne.s32 s2, $0x0  }
0x234: {  	s3 =	rddreg [dreg:$0x2];
	[bflag:$0x3] =	sbarrier.arrive $0xFFFF;
	s2 =	simm.s32 @!p0 $0x1C02  }
0x235: {  	[timem:s3], [sflag:s2] =	dma.local @!p0 [hbm:s0], s1  }
0x236: {  	s0 =	simm.s32 @!p0 $0x2  }
0x237: {  	_ =	swait.ge @!p0 [sflag:s0], s1  }
0x238: {  	s1 =	ssub.s32 @!p0 $0x0, s1;
	[sflag:s0] =	ssyncset.done @!p0 $0x0  }
0x239: {  	[sflag:s0] =	ssyncadd.s32 @!p0 s1  }
0x23a: {  	[bflag:$0x3] =	sbarrier.arrive $0xFFFF  }
0x23b: {  	_ =	shalt  }

</sc_bundles>
